<compile_context>
chip_gen: v7x
topology: tpu7x:2x2x1
jax: 0.10.2.dev20260603
libtpu: 0.0.44.dev20260713+nightly
codegen_flags: <defaults>
</compile_context>

<pallas_src>
import functools

import jax
import jax.numpy as jnp
from jax import lax
from jax.experimental import pallas as pl
from jax.experimental.pallas import tpu as pltpu
from jax.experimental.pallas import tpu_sc as plsc

VOCAB = 100000
EMBED_DIM = 64
BATCH = 4096
HIST = 50

NUM_CORES = 2
NUM_SUBCORES = 16
NUM_WORKERS = NUM_CORES * NUM_SUBCORES

BW = BATCH // NUM_WORKERS
LANES = 16
BGRPS = BW // LANES
EBLKS = EMBED_DIM // 8
OUT_MINOR = 8 * 128
OUT_ROWS = HIST * EMBED_DIM // 8
NBUF = 5


def _sc_embed(table, idx_flat):
    mesh = plsc.VectorSubcoreMesh(core_axis_name="c", subcore_axis_name="s")

    @functools.partial(
        pl.kernel,
        mesh=mesh,
        out_type=jax.ShapeDtypeStruct(
            (OUT_ROWS, NUM_WORKERS, OUT_MINOR), jnp.float32
        ),
        scratch_types=(
            [
                pltpu.VMEM((BW * HIST,), jnp.int32),
                pltpu.VMEM((HIST * BW,), jnp.int32),
            ]
            + [pltpu.VMEM((BW, EMBED_DIM), jnp.float32)] * NBUF
            + [pltpu.VMEM((EBLKS, 1, OUT_MINOR), jnp.float32)] * NBUF
            + [pltpu.SemaphoreType.DMA] * (2 * NBUF)
        ),
        compiler_params=pltpu.CompilerParams(
            use_tc_tiling_on_sc=False, needs_layout_passes=False
        ),
    )
    def k(table_hbm, idx_hbm, out_hbm, idx_v, idxt_v, *bufs_sems):
        wid = lax.axis_index("s") * NUM_CORES + lax.axis_index("c")
        gbufs = bufs_sems[0:NBUF]
        tbufs = bufs_sems[NBUF:2 * NBUF]
        gsems = bufs_sems[2 * NBUF:3 * NBUF]
        osems = bufs_sems[3 * NBUF:4 * NBUF]

        pltpu.sync_copy(
            idx_hbm.at[pl.ds(wid * BW * HIST, BW * HIST)], idx_v
        )

        lane = lax.iota(jnp.int32, LANES)
        rowsel = [lane + bg * LANES for bg in range(BGRPS)]
        stagesel = [(lane + bg * LANES) * HIST for bg in range(BGRPS)]

        @plsc.parallel_loop(0, HIST)
        def _(h):
            for bg in range(BGRPS):
                vals = plsc.load_gather(idx_v, [stagesel[bg] + h])
                idxt_v[pl.ds(h * BW + bg * LANES, LANES)] = vals

        def fire_gather(h, p):
            pltpu.async_copy(
                table_hbm.at[idxt_v.at[pl.ds(h * BW, BW)]], gbufs[p], gsems[p]
            )

        def drain_gather(p):
            pltpu.make_async_copy(
                table_hbm.at[pl.ds(0, BW)], gbufs[p], gsems[p]
            ).wait()

        def fire_out(h, p):
            pltpu.async_copy(
                tbufs[p],
                out_hbm.at[pl.ds(h * EBLKS, EBLKS), pl.ds(wid, 1)],
                osems[p],
            )

        def drain_out(p):
            pltpu.make_async_copy(
                tbufs[p], out_hbm.at[pl.ds(0, EBLKS), pl.ds(0, 1)], osems[p]
            ).wait()

        zerov = jnp.zeros((LANES,), jnp.int32)

        def transpose(p):
            gb, tb = gbufs[p], tbufs[p]

            @plsc.parallel_loop(0, LANES * EMBED_DIM // LANES, unroll=1)
            def _(t):
                c = t & 15
                ek = t >> 4
                rot = (c + lane) & 15
                colv = rot + ek * LANES
                ebv = (rot >> 3) + ek * 2
                pivb = (rot & 7) * 128 + lane
                for bg in range(BGRPS):
                    vals = plsc.load_gather(gb, [rowsel[bg], colv])
                    plsc.store_scatter(
                        tb, [ebv, zerov, pivb + bg * LANES], vals
                    )

        for p in range(NBUF - 1):
            fire_gather(p, p)

        def body(g, carry):
            for p in range(NBUF):
                h = g + p

                @pl.when(h + NBUF - 1 < HIST)
                def _():
                    fire_gather(h + NBUF - 1, (p + NBUF - 1) % NBUF)

                drain_gather(p)

                @pl.when(h >= NBUF)
                def _():
                    drain_out(p)

                transpose(p)
                fire_out(h, p)
            return carry

        lax.fori_loop(0, HIST // NBUF, lambda i, c: body(i * NBUF, c), 0)
        for p in range(NBUF):
            drain_out(p)

    return k(table, idx_flat)


def kernel(inputs, table):
    idx_flat = inputs.astype(jnp.int32).reshape(BATCH * HIST)
    out3d = _sc_embed(table, idx_flat)
    x5 = out3d.reshape(HIST, EBLKS, NUM_WORKERS, 8, 128)
    return x5.transpose(2, 4, 0, 1, 3).reshape(BATCH, HIST, EMBED_DIM)

# --- scband reference (transcript-rebuilt; emitter-appended) ---
"""Pipeline reference for scband-embedding-1039382085634 (READ-ONLY COPY).

The authoritative reference and input builder live on the scoring server;
editing this copy changes nothing except your own understanding.
"""

import jax, jax.numpy as jnp
import numpy as np

VOCAB = 100000
EMBED_DIM = 64
BATCH = 4096
HIST = 50

def setup_inputs(seed: int = 0) -> dict:
    key = jax.random.key(seed)
    k_idx, k_tab = jax.random.split(key)
    inputs = jax.random.randint(k_idx, (BATCH, HIST), 0, VOCAB, dtype=jnp.int64 if jax.config.jax_enable_x64 else jnp.int32)
    # Keras Embedding default initializer is uniform(-0.05, 0.05)
    table = jax.random.uniform(k_tab, (VOCAB, EMBED_DIM), dtype=jnp.float32, minval=-0.05, maxval=0.05)
    return {"inputs": inputs, "table": table}

def reference(inputs, table):
    # tf.keras.layers.Embedding forward: embedding lookup (gather on axis 0)
    return jnp.take(table, inputs, axis=0)

if __name__ == "__main__":
    import jax
    _d = setup_inputs()
    print(jax.jit(kernel)(*tuple(_d.values())))

</pallas_src>

<mosaic_0001>
#map = affine_map<(d0, d1) -> (0, 0)>
#map1 = affine_map<(d0, d1) -> (0)>
#map2 = affine_map<(d0, d1) -> (0, 0, 0)>
module attributes {stable_mosaic.version = 14 : i64} {
  func.func @k(%arg0: i32, %arg1: i32, %arg2: memref<100000x64xf32, #tpu.memory_space<hbm>>, %arg3: memref<204800xi32, #tpu.memory_space<hbm>>, %arg4: memref<400x32x1024xf32, #tpu.memory_space<hbm>>, %arg5: memref<6400xi32, #tpu.memory_space<vmem>>, %arg6: memref<6400xi32, #tpu.memory_space<vmem>>, %arg7: memref<128x64xf32, #tpu.memory_space<vmem>>, %arg8: memref<128x64xf32, #tpu.memory_space<vmem>>, %arg9: memref<128x64xf32, #tpu.memory_space<vmem>>, %arg10: memref<128x64xf32, #tpu.memory_space<vmem>>, %arg11: memref<128x64xf32, #tpu.memory_space<vmem>>, %arg12: memref<8x1x1024xf32, #tpu.memory_space<vmem>>, %arg13: memref<8x1x1024xf32, #tpu.memory_space<vmem>>, %arg14: memref<8x1x1024xf32, #tpu.memory_space<vmem>>, %arg15: memref<8x1x1024xf32, #tpu.memory_space<vmem>>, %arg16: memref<8x1x1024xf32, #tpu.memory_space<vmem>>, %arg17: memref<!tpu.dma_semaphore, #tpu.memory_space<semaphore_mem>>, %arg18: memref<!tpu.dma_semaphore, #tpu.memory_space<semaphore_mem>>, %arg19: memref<!tpu.dma_semaphore, #tpu.memory_space<semaphore_mem>>, %arg20: memref<!tpu.dma_semaphore, #tpu.memory_space<semaphore_mem>>, %arg21: memref<!tpu.dma_semaphore, #tpu.memory_space<semaphore_mem>>, %arg22: memref<!tpu.dma_semaphore, #tpu.memory_space<semaphore_mem>>, %arg23: memref<!tpu.dma_semaphore, #tpu.memory_space<semaphore_mem>>, %arg24: memref<!tpu.dma_semaphore, #tpu.memory_space<semaphore_mem>>, %arg25: memref<!tpu.dma_semaphore, #tpu.memory_space<semaphore_mem>>, %arg26: memref<!tpu.dma_semaphore, #tpu.memory_space<semaphore_mem>>) attributes {dimension_semantics = [#tpu.dimension_semantics<core_parallel>, #tpu.dimension_semantics<subcore_parallel>], iteration_bounds = array<i64: 2, 16>, scalar_prefetch = 0 : i64, scratch_operands = 22 : i64, tpu.core_type = #tpu.core_type<sc_vector_subcore>, window_params = [{transform_indices = #map}, {transform_indices = #map1}, {transform_indices = #map2}]} {
    %mul3A = arith.constant 2 : i32
    %mul3A_0 = arith.muli %arg1, %mul3A : i32
    %add3A = arith.addi %mul3A_0, %arg0 : i32
    %mul3A_1 = arith.constant 128 : i32
    %mul3A_2 = arith.muli %add3A, %mul3A_1 : i32
    %mul3A_3 = arith.constant 50 : i32
    %mul3A_4 = arith.muli %mul3A_2, %mul3A_3 : i32
    "tpu.region"() ({
      %run_scoped3A = tpu.sem_alloc : memref<!tpu.dma_semaphore, #tpu.memory_space<semaphore_mem>>
      %dma_start3A_143 = tpu.memref_slice %arg3[%mul3A_4] : memref<204800xi32, #tpu.memory_space<hbm>> -> memref<6400xi32, #tpu.memory_space<hbm>>
      %dma_start3A_144 = tpu.memref_slice %arg3[%mul3A_4] : memref<204800xi32, #tpu.memory_space<hbm>> -> memref<6400xi32, #tpu.memory_space<hbm>>
      tpu.enqueue_dma source(%dma_start3A_144 : memref<6400xi32, #tpu.memory_space<hbm>>) target(%arg5 : memref<6400xi32, #tpu.memory_space<vmem>>) target_semaphore(%run_scoped3A : memref<!tpu.dma_semaphore, #tpu.memory_space<semaphore_mem>>)
      %dma_wait3A_145 = tpu.memref_slice %arg3[%mul3A_4] : memref<204800xi32, #tpu.memory_space<hbm>> -> memref<6400xi32, #tpu.memory_space<hbm>>
      %dma_wait3A_146 = tpu.memref_slice %arg3[%mul3A_4] : memref<204800xi32, #tpu.memory_space<hbm>> -> memref<6400xi32, #tpu.memory_space<hbm>>
      tpu.wait_dma2 semaphore(%run_scoped3A : memref<!tpu.dma_semaphore, #tpu.memory_space<semaphore_mem>>) src(%dma_wait3A_146 : memref<6400xi32, #tpu.memory_space<hbm>>) dst(%arg5 : memref<6400xi32, #tpu.memory_space<vmem>>)
      tpu.yield
    }) : () -> ()
    %iota3A = tpu.iota {dimensions = array<i32: 0>} : vector<16xi32>
    %add3A_5 = arith.constant 0 : i32
    %add3A_6 = vector.broadcast %add3A_5 : i32 to vector<16xi32>
    %add3A_7 = arith.addi %iota3A, %add3A_6 : vector<16xi32>
    %add3A_8 = arith.constant 16 : i32
    %add3A_9 = vector.broadcast %add3A_8 : i32 to vector<16xi32>
    %add3A_10 = arith.addi %iota3A, %add3A_9 : vector<16xi32>
    %add3A_11 = arith.constant 32 : i32
    %add3A_12 = vector.broadcast %add3A_11 : i32 to vector<16xi32>
    %add3A_13 = arith.addi %iota3A, %add3A_12 : vector<16xi32>
    %add3A_14 = arith.constant 48 : i32
    %add3A_15 = vector.broadcast %add3A_14 : i32 to vector<16xi32>
    %add3A_16 = arith.addi %iota3A, %add3A_15 : vector<16xi32>
    %add3A_17 = arith.constant 64 : i32
    %add3A_18 = vector.broadcast %add3A_17 : i32 to vector<16xi32>
    %add3A_19 = arith.addi %iota3A, %add3A_18 : vector<16xi32>
    %add3A_20 = arith.constant 80 : i32
    %add3A_21 = vector.broadcast %add3A_20 : i32 to vector<16xi32>
    %add3A_22 = arith.addi %iota3A, %add3A_21 : vector<16xi32>
    %add3A_23 = arith.constant 96 : i32
    %add3A_24 = vector.broadcast %add3A_23 : i32 to vector<16xi32>
    %add3A_25 = arith.addi %iota3A, %add3A_24 : vector<16xi32>
    %add3A_26 = arith.constant 112 : i32
    %add3A_27 = vector.broadcast %add3A_26 : i32 to vector<16xi32>
    %add3A_28 = arith.addi %iota3A, %add3A_27 : vector<16xi32>
    %add3A_29 = arith.constant 0 : i32
    %add3A_30 = vector.broadcast %add3A_29 : i32 to vector<16xi32>
    %add3A_31 = arith.addi %iota3A, %add3A_30 : vector<16xi32>
    %mul3A_32 = arith.constant 50 : i32
    %mul3A_33 = vector.broadcast %mul3A_32 : i32 to vector<16xi32>
    %mul3A_34 = arith.muli %add3A_31, %mul3A_33 : vector<16xi32>
    %add3A_35 = arith.constant 16 : i32
    %add3A_36 = vector.broadcast %add3A_35 : i32 to vector<16xi32>
    %add3A_37 = arith.addi %iota3A, %add3A_36 : vector<16xi32>
    %mul3A_38 = arith.constant 50 : i32
    %mul3A_39 = vector.broadcast %mul3A_38 : i32 to vector<16xi32>
    %mul3A_40 = arith.muli %add3A_37, %mul3A_39 : vector<16xi32>
    %add3A_41 = arith.constant 32 : i32
    %add3A_42 = vector.broadcast %add3A_41 : i32 to vector<16xi32>
    %add3A_43 = arith.addi %iota3A, %add3A_42 : vector<16xi32>
    %mul3A_44 = arith.constant 50 : i32
    %mul3A_45 = vector.broadcast %mul3A_44 : i32 to vector<16xi32>
    %mul3A_46 = arith.muli %add3A_43, %mul3A_45 : vector<16xi32>
    %add3A_47 = arith.constant 48 : i32
    %add3A_48 = vector.broadcast %add3A_47 : i32 to vector<16xi32>
    %add3A_49 = arith.addi %iota3A, %add3A_48 : vector<16xi32>
    %mul3A_50 = arith.constant 50 : i32
    %mul3A_51 = vector.broadcast %mul3A_50 : i32 to vector<16xi32>
    %mul3A_52 = arith.muli %add3A_49, %mul3A_51 : vector<16xi32>
    %add3A_53 = arith.constant 64 : i32
    %add3A_54 = vector.broadcast %add3A_53 : i32 to vector<16xi32>
    %add3A_55 = arith.addi %iota3A, %add3A_54 : vector<16xi32>
    %mul3A_56 = arith.constant 50 : i32
    %mul3A_57 = vector.broadcast %mul3A_56 : i32 to vector<16xi32>
    %mul3A_58 = arith.muli %add3A_55, %mul3A_57 : vector<16xi32>
    %add3A_59 = arith.constant 80 : i32
    %add3A_60 = vector.broadcast %add3A_59 : i32 to vector<16xi32>
    %add3A_61 = arith.addi %iota3A, %add3A_60 : vector<16xi32>
    %mul3A_62 = arith.constant 50 : i32
    %mul3A_63 = vector.broadcast %mul3A_62 : i32 to vector<16xi32>
    %mul3A_64 = arith.muli %add3A_61, %mul3A_63 : vector<16xi32>
    %add3A_65 = arith.constant 96 : i32
    %add3A_66 = vector.broadcast %add3A_65 : i32 to vector<16xi32>
    %add3A_67 = arith.addi %iota3A, %add3A_66 : vector<16xi32>
    %mul3A_68 = arith.constant 50 : i32
    %mul3A_69 = vector.broadcast %mul3A_68 : i32 to vector<16xi32>
    %mul3A_70 = arith.muli %add3A_67, %mul3A_69 : vector<16xi32>
    %add3A_71 = arith.constant 112 : i32
    %add3A_72 = vector.broadcast %add3A_71 : i32 to vector<16xi32>
    %add3A_73 = arith.addi %iota3A, %add3A_72 : vector<16xi32>
    %mul3A_74 = arith.constant 50 : i32
    %mul3A_75 = vector.broadcast %mul3A_74 : i32 to vector<16xi32>
    %mul3A_76 = arith.muli %add3A_73, %mul3A_75 : vector<16xi32>
    %parallel_loop3A = arith.constant 0 : i32
    %parallel_loop3A_77 = arith.constant 50 : i32
    %parallel_loop3A_78 = arith.constant 1 : i32
    scf.for %parallel_loop3A_143 = %parallel_loop3A to %parallel_loop3A_77 step %parallel_loop3A_78  : i32 {
      %parallel_loop3A_144 = vector.broadcast %parallel_loop3A_143 : i32 to vector<16xi32>
      %parallel_loop3A_145 = arith.addi %mul3A_34, %parallel_loop3A_144 : vector<16xi32>
      %parallel_loop3A_146 = tpu.vector_load_idx %arg5[%parallel_loop3A_145] : memref<6400xi32, #tpu.memory_space<vmem>>[vector<16xi32>], vector<16xi32>,
      %parallel_loop3A_147 = arith.constant 128 : i32
      %parallel_loop3A_148 = arith.muli %parallel_loop3A_143, %parallel_loop3A_147 : i32
      %parallel_loop3A_149 = arith.constant 0 : i32
      %parallel_loop3A_150 = arith.addi %parallel_loop3A_148, %parallel_loop3A_149 : i32
      %parallel_loop3A_151 = arith.index_cast %parallel_loop3A_150 : i32 to index
      %parallel_loop3A_152 = tpu.vector_load %arg6[%parallel_loop3A_151] {strides = array<i32>} : memref<6400xi32, #tpu.memory_space<vmem>>, vector<16xi32>,
      tpu.vector_store %arg6[%parallel_loop3A_151], %parallel_loop3A_146 {strides = array<i32>} : memref<6400xi32, #tpu.memory_space<vmem>>, vector<16xi32>,
      %parallel_loop3A_153 = vector.broadcast %parallel_loop3A_143 : i32 to vector<16xi32>
      %parallel_loop3A_154 = arith.addi %mul3A_40, %parallel_loop3A_153 : vector<16xi32>
      %parallel_loop3A_155 = tpu.vector_load_idx %arg5[%parallel_loop3A_154] : memref<6400xi32, #tpu.memory_space<vmem>>[vector<16xi32>], vector<16xi32>,
      %parallel_loop3A_156 = arith.constant 128 : i32
      %parallel_loop3A_157 = arith.muli %parallel_loop3A_143, %parallel_loop3A_156 : i32
      %parallel_loop3A_158 = arith.constant 16 : i32
      %parallel_loop3A_159 = arith.addi %parallel_loop3A_157, %parallel_loop3A_158 : i32
      %parallel_loop3A_160 = arith.index_cast %parallel_loop3A_159 : i32 to index
      %parallel_loop3A_161 = tpu.vector_load %arg6[%parallel_loop3A_160] {strides = array<i32>} : memref<6400xi32, #tpu.memory_space<vmem>>, vector<16xi32>,
      tpu.vector_store %arg6[%parallel_loop3A_160], %parallel_loop3A_155 {strides = array<i32>} : memref<6400xi32, #tpu.memory_space<vmem>>, vector<16xi32>,
      %parallel_loop3A_162 = vector.broadcast %parallel_loop3A_143 : i32 to vector<16xi32>
      %parallel_loop3A_163 = arith.addi %mul3A_46, %parallel_loop3A_162 : vector<16xi32>
      %parallel_loop3A_164 = tpu.vector_load_idx %arg5[%parallel_loop3A_163] : memref<6400xi32, #tpu.memory_space<vmem>>[vector<16xi32>], vector<16xi32>,
      %parallel_loop3A_165 = arith.constant 128 : i32
      %parallel_loop3A_166 = arith.muli %parallel_loop3A_143, %parallel_loop3A_165 : i32
      %parallel_loop3A_167 = arith.constant 32 : i32
      %parallel_loop3A_168 = arith.addi %parallel_loop3A_166, %parallel_loop3A_167 : i32
      %parallel_loop3A_169 = arith.index_cast %parallel_loop3A_168 : i32 to index
      %parallel_loop3A_170 = tpu.vector_load %arg6[%parallel_loop3A_169] {strides = array<i32>} : memref<6400xi32, #tpu.memory_space<vmem>>, vector<16xi32>,
      tpu.vector_store %arg6[%parallel_loop3A_169], %parallel_loop3A_164 {strides = array<i32>} : memref<6400xi32, #tpu.memory_space<vmem>>, vector<16xi32>,
      %parallel_loop3A_171 = vector.broadcast %parallel_loop3A_143 : i32 to vector<16xi32>
      %parallel_loop3A_172 = arith.addi %mul3A_52, %parallel_loop3A_171 : vector<16xi32>
      %parallel_loop3A_173 = tpu.vector_load_idx %arg5[%parallel_loop3A_172] : memref<6400xi32, #tpu.memory_space<vmem>>[vector<16xi32>], vector<16xi32>,
      %parallel_loop3A_174 = arith.constant 128 : i32
      %parallel_loop3A_175 = arith.muli %parallel_loop3A_143, %parallel_loop3A_174 : i32
      %parallel_loop3A_176 = arith.constant 48 : i32
      %parallel_loop3A_177 = arith.addi %parallel_loop3A_175, %parallel_loop3A_176 : i32
      %parallel_loop3A_178 = arith.index_cast %parallel_loop3A_177 : i32 to index
      %parallel_loop3A_179 = tpu.vector_load %arg6[%parallel_loop3A_178] {strides = array<i32>} : memref<6400xi32, #tpu.memory_space<vmem>>, vector<16xi32>,
      tpu.vector_store %arg6[%parallel_loop3A_178], %parallel_loop3A_173 {strides = array<i32>} : memref<6400xi32, #tpu.memory_space<vmem>>, vector<16xi32>,
      %parallel_loop3A_180 = vector.broadcast %parallel_loop3A_143 : i32 to vector<16xi32>
      %parallel_loop3A_181 = arith.addi %mul3A_58, %parallel_loop3A_180 : vector<16xi32>
      %parallel_loop3A_182 = tpu.vector_load_idx %arg5[%parallel_loop3A_181] : memref<6400xi32, #tpu.memory_space<vmem>>[vector<16xi32>], vector<16xi32>,
      %parallel_loop3A_183 = arith.constant 128 : i32
      %parallel_loop3A_184 = arith.muli %parallel_loop3A_143, %parallel_loop3A_183 : i32
      %parallel_loop3A_185 = arith.constant 64 : i32
      %parallel_loop3A_186 = arith.addi %parallel_loop3A_184, %parallel_loop3A_185 : i32
      %parallel_loop3A_187 = arith.index_cast %parallel_loop3A_186 : i32 to index
      %parallel_loop3A_188 = tpu.vector_load %arg6[%parallel_loop3A_187] {strides = array<i32>} : memref<6400xi32, #tpu.memory_space<vmem>>, vector<16xi32>,
      tpu.vector_store %arg6[%parallel_loop3A_187], %parallel_loop3A_182 {strides = array<i32>} : memref<6400xi32, #tpu.memory_space<vmem>>, vector<16xi32>,
      %parallel_loop3A_189 = vector.broadcast %parallel_loop3A_143 : i32 to vector<16xi32>
      %parallel_loop3A_190 = arith.addi %mul3A_64, %parallel_loop3A_189 : vector<16xi32>
      %parallel_loop3A_191 = tpu.vector_load_idx %arg5[%parallel_loop3A_190] : memref<6400xi32, #tpu.memory_space<vmem>>[vector<16xi32>], vector<16xi32>,
      %parallel_loop3A_192 = arith.constant 128 : i32
      %parallel_loop3A_193 = arith.muli %parallel_loop3A_143, %parallel_loop3A_192 : i32
      %parallel_loop3A_194 = arith.constant 80 : i32
      %parallel_loop3A_195 = arith.addi %parallel_loop3A_193, %parallel_loop3A_194 : i32
      %parallel_loop3A_196 = arith.index_cast %parallel_loop3A_195 : i32 to index
      %parallel_loop3A_197 = tpu.vector_load %arg6[%parallel_loop3A_196] {strides = array<i32>} : memref<6400xi32, #tpu.memory_space<vmem>>, vector<16xi32>,
      tpu.vector_store %arg6[%parallel_loop3A_196], %parallel_loop3A_191 {strides = array<i32>} : memref<6400xi32, #tpu.memory_space<vmem>>, vector<16xi32>,
      %parallel_loop3A_198 = vector.broadcast %parallel_loop3A_143 : i32 to vector<16xi32>
      %parallel_loop3A_199 = arith.addi %mul3A_70, %parallel_loop3A_198 : vector<16xi32>
      %parallel_loop3A_200 = tpu.vector_load_idx %arg5[%parallel_loop3A_199] : memref<6400xi32, #tpu.memory_space<vmem>>[vector<16xi32>], vector<16xi32>,
      %parallel_loop3A_201 = arith.constant 128 : i32
      %parallel_loop3A_202 = arith.muli %parallel_loop3A_143, %parallel_loop3A_201 : i32
      %parallel_loop3A_203 = arith.constant 96 : i32
      %parallel_loop3A_204 = arith.addi %parallel_loop3A_202, %parallel_loop3A_203 : i32
      %parallel_loop3A_205 = arith.index_cast %parallel_loop3A_204 : i32 to index
      %parallel_loop3A_206 = tpu.vector_load %arg6[%parallel_loop3A_205] {strides = array<i32>} : memref<6400xi32, #tpu.memory_space<vmem>>, vector<16xi32>,
      tpu.vector_store %arg6[%parallel_loop3A_205], %parallel_loop3A_200 {strides = array<i32>} : memref<6400xi32, #tpu.memory_space<vmem>>, vector<16xi32>,
      %parallel_loop3A_207 = vector.broadcast %parallel_loop3A_143 : i32 to vector<16xi32>
      %parallel_loop3A_208 = arith.addi %mul3A_76, %parallel_loop3A_207 : vector<16xi32>
      %parallel_loop3A_209 = tpu.vector_load_idx %arg5[%parallel_loop3A_208] : memref<6400xi32, #tpu.memory_space<vmem>>[vector<16xi32>], vector<16xi32>,
      %parallel_loop3A_210 = arith.constant 128 : i32
      %parallel_loop3A_211 = arith.muli %parallel_loop3A_143, %parallel_loop3A_210 : i32
      %parallel_loop3A_212 = arith.constant 112 : i32
      %parallel_loop3A_213 = arith.addi %parallel_loop3A_211, %parallel_loop3A_212 : i32
      %parallel_loop3A_214 = arith.index_cast %parallel_loop3A_213 : i32 to index
      %parallel_loop3A_215 = tpu.vector_load %arg6[%parallel_loop3A_214] {strides = array<i32>} : memref<6400xi32, #tpu.memory_space<vmem>>, vector<16xi32>,
      tpu.vector_store %arg6[%parallel_loop3A_214], %parallel_loop3A_209 {strides = array<i32>} : memref<6400xi32, #tpu.memory_space<vmem>>, vector<16xi32>,
    } {sc.loop_unroll_factor = 1 : i64, sc.parallel_access}
    %broadcast_in_dim3A = arith.constant 0 : i32
    %broadcast_in_dim3A_79 = vector.broadcast %broadcast_in_dim3A : i32 to vector<16xi32>
    %dma_start3A = arith.constant 0 : i32
    %dma_start3A_80 = tpu.memref_slice %arg6[%dma_start3A] : memref<6400xi32, #tpu.memory_space<vmem>> -> memref<128xi32, #tpu.memory_space<vmem>>
    %dma_start3A_81 = arith.constant 0 : i32
    %dma_start3A_82 = arith.constant 0 : i32
    %dma_start3A_83 = tpu.memref_slice %arg2[%dma_start3A_81, %dma_start3A_82] : memref<100000x64xf32, #tpu.memory_space<hbm>> -> memref<100000x64xf32, #tpu.memory_space<hbm>>
    tpu.enqueue_indirect_dma source(%dma_start3A_83 : memref<100000x64xf32, #tpu.memory_space<hbm>>) target(%arg7 : memref<128x64xf32, #tpu.memory_space<vmem>>) offsets(%dma_start3A_80 : memref<128xi32, #tpu.memory_space<vmem>>) semaphore(%arg17 : memref<!tpu.dma_semaphore, #tpu.memory_space<semaphore_mem>>)
    %dma_start3A_84 = arith.constant 128 : i32
    %dma_start3A_85 = tpu.memref_slice %arg6[%dma_start3A_84] : memref<6400xi32, #tpu.memory_space<vmem>> -> memref<128xi32, #tpu.memory_space<vmem>>
    %dma_start3A_86 = arith.constant 0 : i32
    %dma_start3A_87 = arith.constant 0 : i32
    %dma_start3A_88 = tpu.memref_slice %arg2[%dma_start3A_86, %dma_start3A_87] : memref<100000x64xf32, #tpu.memory_space<hbm>> -> memref<100000x64xf32, #tpu.memory_space<hbm>>
    tpu.enqueue_indirect_dma source(%dma_start3A_88 : memref<100000x64xf32, #tpu.memory_space<hbm>>) target(%arg8 : memref<128x64xf32, #tpu.memory_space<vmem>>) offsets(%dma_start3A_85 : memref<128xi32, #tpu.memory_space<vmem>>) semaphore(%arg18 : memref<!tpu.dma_semaphore, #tpu.memory_space<semaphore_mem>>)
    %dma_start3A_89 = arith.constant 256 : i32
    %dma_start3A_90 = tpu.memref_slice %arg6[%dma_start3A_89] : memref<6400xi32, #tpu.memory_space<vmem>> -> memref<128xi32, #tpu.memory_space<vmem>>
    %dma_start3A_91 = arith.constant 0 : i32
    %dma_start3A_92 = arith.constant 0 : i32
    %dma_start3A_93 = tpu.memref_slice %arg2[%dma_start3A_91, %dma_start3A_92] : memref<100000x64xf32, #tpu.memory_space<hbm>> -> memref<100000x64xf32, #tpu.memory_space<hbm>>
    tpu.enqueue_indirect_dma source(%dma_start3A_93 : memref<100000x64xf32, #tpu.memory_space<hbm>>) target(%arg9 : memref<128x64xf32, #tpu.memory_space<vmem>>) offsets(%dma_start3A_90 : memref<128xi32, #tpu.memory_space<vmem>>) semaphore(%arg19 : memref<!tpu.dma_semaphore, #tpu.memory_space<semaphore_mem>>)
    %dma_start3A_94 = arith.constant 384 : i32
    %dma_start3A_95 = tpu.memref_slice %arg6[%dma_start3A_94] : memref<6400xi32, #tpu.memory_space<vmem>> -> memref<128xi32, #tpu.memory_space<vmem>>
    %dma_start3A_96 = arith.constant 0 : i32
    %dma_start3A_97 = arith.constant 0 : i32
    %dma_start3A_98 = tpu.memref_slice %arg2[%dma_start3A_96, %dma_start3A_97] : memref<100000x64xf32, #tpu.memory_space<hbm>> -> memref<100000x64xf32, #tpu.memory_space<hbm>>
    tpu.enqueue_indirect_dma source(%dma_start3A_98 : memref<100000x64xf32, #tpu.memory_space<hbm>>) target(%arg10 : memref<128x64xf32, #tpu.memory_space<vmem>>) offsets(%dma_start3A_95 : memref<128xi32, #tpu.memory_space<vmem>>) semaphore(%arg20 : memref<!tpu.dma_semaphore, #tpu.memory_space<semaphore_mem>>)
    %scan3A = arith.constant 0 : i32
    %scan3A_99 = arith.constant 0 : i32
    %scan3A_100 = arith.constant 10 : i32
    %scan3A_101 = arith.addi %scan3A_99, %scan3A_100 : i32
    %scan3A_102 = arith.constant 1 : i32
    scf.for %scan3A_143 = %scan3A_99 to %scan3A_101 step %scan3A_102  : i32 {
      %mul3A_144 = arith.constant 5 : i32
      %mul3A_145 = arith.muli %scan3A_143, %mul3A_144 : i32
      %add3A_146 = arith.constant 0 : i32
      %add3A_147 = arith.addi %mul3A_145, %add3A_146 : i32
      %add3A_148 = arith.constant 5 : i32
      %add3A_149 = arith.addi %add3A_147, %add3A_148 : i32
      %sub3A = arith.constant 1 : i32
      %sub3A_150 = arith.subi %add3A_149, %sub3A : i32
      %lt3A = arith.constant 50 : i32
      %lt3A_151 = arith.cmpi slt, %sub3A_150, %lt3A : i32
      %convert_element_type3A = arith.extui %lt3A_151 : i1 to i32
      %cond3A = arith.constant 0 : i32
      %cond3A_152 = arith.cmpi ne, %convert_element_type3A, %cond3A : i32
      scf.if %cond3A_152 {
        %add3A_296 = arith.constant 5 : i32
        %add3A_297 = arith.addi %add3A_147, %add3A_296 : i32
        %sub3A_298 = arith.constant 1 : i32
        %sub3A_299 = arith.subi %add3A_297, %sub3A_298 : i32
        %mul3A_300 = arith.constant 128 : i32
        %mul3A_301 = arith.muli %sub3A_299, %mul3A_300 : i32
        %dma_start3A_302 = tpu.memref_slice %arg6[%mul3A_301] : memref<6400xi32, #tpu.memory_space<vmem>> -> memref<128xi32, #tpu.memory_space<vmem>>
        %dma_start3A_303 = arith.constant 0 : i32
        %dma_start3A_304 = arith.constant 0 : i32
        %dma_start3A_305 = tpu.memref_slice %arg2[%dma_start3A_303, %dma_start3A_304] : memref<100000x64xf32, #tpu.memory_space<hbm>> -> memref<100000x64xf32, #tpu.memory_space<hbm>>
        tpu.enqueue_indirect_dma source(%dma_start3A_305 : memref<100000x64xf32, #tpu.memory_space<hbm>>) target(%arg11 : memref<128x64xf32, #tpu.memory_space<vmem>>) offsets(%dma_start3A_302 : memref<128xi32, #tpu.memory_space<vmem>>) semaphore(%arg21 : memref<!tpu.dma_semaphore, #tpu.memory_space<semaphore_mem>>)
      } else {
      }
      %dma_wait3A_153 = arith.constant 0 : i32
      %dma_wait3A_154 = arith.constant 0 : i32
      %dma_wait3A_155 = tpu.memref_slice %arg2[%dma_wait3A_153, %dma_wait3A_154] : memref<100000x64xf32, #tpu.memory_space<hbm>> -> memref<128x64xf32, #tpu.memory_space<hbm>>
      %dma_wait3A_156 = arith.constant 0 : i32
      %dma_wait3A_157 = arith.constant 0 : i32
      %dma_wait3A_158 = tpu.memref_slice %arg2[%dma_wait3A_156, %dma_wait3A_157] : memref<100000x64xf32, #tpu.memory_space<hbm>> -> memref<128x64xf32, #tpu.memory_space<hbm>>
      tpu.wait_dma2 semaphore(%arg17 : memref<!tpu.dma_semaphore, #tpu.memory_space<semaphore_mem>>) src(%dma_wait3A_158 : memref<128x64xf32, #tpu.memory_space<hbm>>) dst(%arg7 : memref<128x64xf32, #tpu.memory_space<vmem>>)
      %ge3A = arith.constant 5 : i32
      %ge3A_159 = arith.cmpi sge, %add3A_147, %ge3A : i32
      %convert_element_type3A_160 = arith.extui %ge3A_159 : i1 to i32
      %cond3A_161 = arith.constant 0 : i32
      %cond3A_162 = arith.cmpi ne, %convert_element_type3A_160, %cond3A_161 : i32
      scf.if %cond3A_162 {
        %dma_wait3A_296 = arith.constant 0 : i32
        %dma_wait3A_297 = arith.constant 0 : i32
        %dma_wait3A_298 = arith.constant 0 : i32
        %dma_wait3A_299 = tpu.memref_slice %arg4[%dma_wait3A_296, %dma_wait3A_297, %dma_wait3A_298] : memref<400x32x1024xf32, #tpu.memory_space<hbm>> -> memref<8x1x1024xf32, #tpu.memory_space<hbm>>
        %dma_wait3A_300 = arith.constant 0 : i32
        %dma_wait3A_301 = arith.constant 0 : i32
        %dma_wait3A_302 = arith.constant 0 : i32
        %dma_wait3A_303 = tpu.memref_slice %arg4[%dma_wait3A_300, %dma_wait3A_301, %dma_wait3A_302] : memref<400x32x1024xf32, #tpu.memory_space<hbm>> -> memref<8x1x1024xf32, #tpu.memory_space<hbm>>
        tpu.wait_dma2 semaphore(%arg22 : memref<!tpu.dma_semaphore, #tpu.memory_space<semaphore_mem>>) src(%arg12 : memref<8x1x1024xf32, #tpu.memory_space<vmem>>) dst(%dma_wait3A_303 : memref<8x1x1024xf32, #tpu.memory_space<hbm>>)
      } else {
      }
      %parallel_loop3A_163 = arith.constant 0 : i32
      %parallel_loop3A_164 = arith.constant 64 : i32
      %parallel_loop3A_165 = arith.constant 1 : i32
      scf.for %parallel_loop3A_296 = %parallel_loop3A_163 to %parallel_loop3A_164 step %parallel_loop3A_165  : i32 {
        %parallel_loop3A_297 = arith.constant 15 : i32
        %parallel_loop3A_298 = arith.andi %parallel_loop3A_296, %parallel_loop3A_297 : i32
        %parallel_loop3A_299 = arith.constant 4 : i32
        %parallel_loop3A_300 = arith.shrsi %parallel_loop3A_296, %parallel_loop3A_299 : i32
        %parallel_loop3A_301 = vector.broadcast %parallel_loop3A_298 : i32 to vector<16xi32>
        %parallel_loop3A_302 = arith.addi %parallel_loop3A_301, %iota3A : vector<16xi32>
        %parallel_loop3A_303 = arith.constant 15 : i32
        %parallel_loop3A_304 = vector.broadcast %parallel_loop3A_303 : i32 to vector<16xi32>
        %parallel_loop3A_305 = arith.andi %parallel_loop3A_302, %parallel_loop3A_304 : vector<16xi32>
        %parallel_loop3A_306 = arith.constant 16 : i32
        %parallel_loop3A_307 = arith.muli %parallel_loop3A_300, %parallel_loop3A_306 : i32
        %parallel_loop3A_308 = vector.broadcast %parallel_loop3A_307 : i32 to vector<16xi32>
        %parallel_loop3A_309 = arith.addi %parallel_loop3A_305, %parallel_loop3A_308 : vector<16xi32>
        %parallel_loop3A_310 = arith.constant 3 : i32
        %parallel_loop3A_311 = vector.broadcast %parallel_loop3A_310 : i32 to vector<16xi32>
        %parallel_loop3A_312 = arith.shrsi %parallel_loop3A_305, %parallel_loop3A_311 : vector<16xi32>
        %parallel_loop3A_313 = arith.constant 2 : i32
        %parallel_loop3A_314 = arith.muli %parallel_loop3A_300, %parallel_loop3A_313 : i32
        %parallel_loop3A_315 = vector.broadcast %parallel_loop3A_314 : i32 to vector<16xi32>
        %parallel_loop3A_316 = arith.addi %parallel_loop3A_312, %parallel_loop3A_315 : vector<16xi32>
        %parallel_loop3A_317 = arith.constant 7 : i32
        %parallel_loop3A_318 = vector.broadcast %parallel_loop3A_317 : i32 to vector<16xi32>
        %parallel_loop3A_319 = arith.andi %parallel_loop3A_305, %parallel_loop3A_318 : vector<16xi32>
        %parallel_loop3A_320 = arith.constant 128 : i32
        %parallel_loop3A_321 = vector.broadcast %parallel_loop3A_320 : i32 to vector<16xi32>
        %parallel_loop3A_322 = arith.muli %parallel_loop3A_319, %parallel_loop3A_321 : vector<16xi32>
        %parallel_loop3A_323 = arith.addi %parallel_loop3A_322, %iota3A : vector<16xi32>
        %parallel_loop3A_324 = tpu.vector_load_idx %arg7[%add3A_7, %parallel_loop3A_309] : memref<128x64xf32, #tpu.memory_space<vmem>>[vector<16xi32>, vector<16xi32>], vector<16xf32>,
        %parallel_loop3A_325 = arith.constant 0 : i32
        %parallel_loop3A_326 = vector.broadcast %parallel_loop3A_325 : i32 to vector<16xi32>
        %parallel_loop3A_327 = arith.addi %parallel_loop3A_323, %parallel_loop3A_326 : vector<16xi32>
        tpu.vector_store_idx %arg12[%parallel_loop3A_316, %broadcast_in_dim3A_79, %parallel_loop3A_327], %parallel_loop3A_324 : memref<8x1x1024xf32, #tpu.memory_space<vmem>>[vector<16xi32>, vector<16xi32>, vector<16xi32>], vector<16xf32>,
        %parallel_loop3A_328 = tpu.vector_load_idx %arg7[%add3A_10, %parallel_loop3A_309] : memref<128x64xf32, #tpu.memory_space<vmem>>[vector<16xi32>, vector<16xi32>], vector<16xf32>,
        %parallel_loop3A_329 = arith.constant 16 : i32
        %parallel_loop3A_330 = vector.broadcast %parallel_loop3A_329 : i32 to vector<16xi32>
        %parallel_loop3A_331 = arith.addi %parallel_loop3A_323, %parallel_loop3A_330 : vector<16xi32>
        tpu.vector_store_idx %arg12[%parallel_loop3A_316, %broadcast_in_dim3A_79, %parallel_loop3A_331], %parallel_loop3A_328 : memref<8x1x1024xf32, #tpu.memory_space<vmem>>[vector<16xi32>, vector<16xi32>, vector<16xi32>], vector<16xf32>,
        %parallel_loop3A_332 = tpu.vector_load_idx %arg7[%add3A_13, %parallel_loop3A_309] : memref<128x64xf32, #tpu.memory_space<vmem>>[vector<16xi32>, vector<16xi32>], vector<16xf32>,
        %parallel_loop3A_333 = arith.constant 32 : i32
        %parallel_loop3A_334 = vector.broadcast %parallel_loop3A_333 : i32 to vector<16xi32>
        %parallel_loop3A_335 = arith.addi %parallel_loop3A_323, %parallel_loop3A_334 : vector<16xi32>
        tpu.vector_store_idx %arg12[%parallel_loop3A_316, %broadcast_in_dim3A_79, %parallel_loop3A_335], %parallel_loop3A_332 : memref<8x1x1024xf32, #tpu.memory_space<vmem>>[vector<16xi32>, vector<16xi32>, vector<16xi32>], vector<16xf32>,
        %parallel_loop3A_336 = tpu.vector_load_idx %arg7[%add3A_16, %parallel_loop3A_309] : memref<128x64xf32, #tpu.memory_space<vmem>>[vector<16xi32>, vector<16xi32>], vector<16xf32>,
        %parallel_loop3A_337 = arith.constant 48 : i32
        %parallel_loop3A_338 = vector.broadcast %parallel_loop3A_337 : i32 to vector<16xi32>
        %parallel_loop3A_339 = arith.addi %parallel_loop3A_323, %parallel_loop3A_338 : vector<16xi32>
        tpu.vector_store_idx %arg12[%parallel_loop3A_316, %broadcast_in_dim3A_79, %parallel_loop3A_339], %parallel_loop3A_336 : memref<8x1x1024xf32, #tpu.memory_space<vmem>>[vector<16xi32>, vector<16xi32>, vector<16xi32>], vector<16xf32>,
        %parallel_loop3A_340 = tpu.vector_load_idx %arg7[%add3A_19, %parallel_loop3A_309] : memref<128x64xf32, #tpu.memory_space<vmem>>[vector<16xi32>, vector<16xi32>], vector<16xf32>,
        %parallel_loop3A_341 = arith.constant 64 : i32
        %parallel_loop3A_342 = vector.broadcast %parallel_loop3A_341 : i32 to vector<16xi32>
        %parallel_loop3A_343 = arith.addi %parallel_loop3A_323, %parallel_loop3A_342 : vector<16xi32>
        tpu.vector_store_idx %arg12[%parallel_loop3A_316, %broadcast_in_dim3A_79, %parallel_loop3A_343], %parallel_loop3A_340 : memref<8x1x1024xf32, #tpu.memory_space<vmem>>[vector<16xi32>, vector<16xi32>, vector<16xi32>], vector<16xf32>,
        %parallel_loop3A_344 = tpu.vector_load_idx %arg7[%add3A_22, %parallel_loop3A_309] : memref<128x64xf32, #tpu.memory_space<vmem>>[vector<16xi32>, vector<16xi32>], vector<16xf32>,
        %parallel_loop3A_345 = arith.constant 80 : i32
        %parallel_loop3A_346 = vector.broadcast %parallel_loop3A_345 : i32 to vector<16xi32>
        %parallel_loop3A_347 = arith.addi %parallel_loop3A_323, %parallel_loop3A_346 : vector<16xi32>
        tpu.vector_store_idx %arg12[%parallel_loop3A_316, %broadcast_in_dim3A_79, %parallel_loop3A_347], %parallel_loop3A_344 : memref<8x1x1024xf32, #tpu.memory_space<vmem>>[vector<16xi32>, vector<16xi32>, vector<16xi32>], vector<16xf32>,
        %parallel_loop3A_348 = tpu.vector_load_idx %arg7[%add3A_25, %parallel_loop3A_309] : memref<128x64xf32, #tpu.memory_space<vmem>>[vector<16xi32>, vector<16xi32>], vector<16xf32>,
        %parallel_loop3A_349 = arith.constant 96 : i32
        %parallel_loop3A_350 = vector.broadcast %parallel_loop3A_349 : i32 to vector<16xi32>
        %parallel_loop3A_351 = arith.addi %parallel_loop3A_323, %parallel_loop3A_350 : vector<16xi32>
        tpu.vector_store_idx %arg12[%parallel_loop3A_316, %broadcast_in_dim3A_79, %parallel_loop3A_351], %parallel_loop3A_348 : memref<8x1x1024xf32, #tpu.memory_space<vmem>>[vector<16xi32>, vector<16xi32>, vector<16xi32>], vector<16xf32>,
        %parallel_loop3A_352 = tpu.vector_load_idx %arg7[%add3A_28, %parallel_loop3A_309] : memref<128x64xf32, #tpu.memory_space<vmem>>[vector<16xi32>, vector<16xi32>], vector<16xf32>,
        %parallel_loop3A_353 = arith.constant 112 : i32
        %parallel_loop3A_354 = vector.broadcast %parallel_loop3A_353 : i32 to vector<16xi32>
        %parallel_loop3A_355 = arith.addi %parallel_loop3A_323, %parallel_loop3A_354 : vector<16xi32>
        tpu.vector_store_idx %arg12[%parallel_loop3A_316, %broadcast_in_dim3A_79, %parallel_loop3A_355], %parallel_loop3A_352 : memref<8x1x1024xf32, #tpu.memory_space<vmem>>[vector<16xi32>, vector<16xi32>, vector<16xi32>], vector<16xf32>,
      } {sc.loop_unroll_factor = 1 : i64, sc.parallel_access}
      %mul3A_166 = arith.constant 8 : i32
      %mul3A_167 = arith.muli %add3A_147, %mul3A_166 : i32
      %dma_start3A_168 = arith.constant 0 : i32
      %dma_start3A_169 = tpu.memref_slice %arg4[%mul3A_167, %add3A, %dma_start3A_168] : memref<400x32x1024xf32, #tpu.memory_space<hbm>> -> memref<8x1x1024xf32, #tpu.memory_space<hbm>>
      %dma_start3A_170 = arith.constant 0 : i32
      %dma_start3A_171 = tpu.memref_slice %arg4[%mul3A_167, %add3A, %dma_start3A_170] : memref<400x32x1024xf32, #tpu.memory_space<hbm>> -> memref<8x1x1024xf32, #tpu.memory_space<hbm>>
      tpu.enqueue_dma source(%arg12 : memref<8x1x1024xf32, #tpu.memory_space<vmem>>) target(%dma_start3A_171 : memref<8x1x1024xf32, #tpu.memory_space<hbm>>) target_semaphore(%arg22 : memref<!tpu.dma_semaphore, #tpu.memory_space<semaphore_mem>>)
      %add3A_172 = arith.constant 1 : i32
      %add3A_173 = arith.addi %mul3A_145, %add3A_172 : i32
      %add3A_174 = arith.constant 5 : i32
      %add3A_175 = arith.addi %add3A_173, %add3A_174 : i32
      %sub3A_176 = arith.constant 1 : i32
      %sub3A_177 = arith.subi %add3A_175, %sub3A_176 : i32
      %lt3A_178 = arith.constant 50 : i32
      %lt3A_179 = arith.cmpi slt, %sub3A_177, %lt3A_178 : i32
      %convert_element_type3A_180 = arith.extui %lt3A_179 : i1 to i32
      %cond3A_181 = arith.constant 0 : i32
      %cond3A_182 = arith.cmpi ne, %convert_element_type3A_180, %cond3A_181 : i32
      scf.if %cond3A_182 {
        %add3A_296 = arith.constant 5 : i32
        %add3A_297 = arith.addi %add3A_173, %add3A_296 : i32
        %sub3A_298 = arith.constant 1 : i32
        %sub3A_299 = arith.subi %add3A_297, %sub3A_298 : i32
        %mul3A_300 = arith.constant 128 : i32
        %mul3A_301 = arith.muli %sub3A_299, %mul3A_300 : i32
        %dma_start3A_302 = tpu.memref_slice %arg6[%mul3A_301] : memref<6400xi32, #tpu.memory_space<vmem>> -> memref<128xi32, #tpu.memory_space<vmem>>
        %dma_start3A_303 = arith.constant 0 : i32
        %dma_start3A_304 = arith.constant 0 : i32
        %dma_start3A_305 = tpu.memref_slice %arg2[%dma_start3A_303, %dma_start3A_304] : memref<100000x64xf32, #tpu.memory_space<hbm>> -> memref<100000x64xf32, #tpu.memory_space<hbm>>
        tpu.enqueue_indirect_dma source(%dma_start3A_305 : memref<100000x64xf32, #tpu.memory_space<hbm>>) target(%arg7 : memref<128x64xf32, #tpu.memory_space<vmem>>) offsets(%dma_start3A_302 : memref<128xi32, #tpu.memory_space<vmem>>) semaphore(%arg17 : memref<!tpu.dma_semaphore, #tpu.memory_space<semaphore_mem>>)
      } else {
      }
      %dma_wait3A_183 = arith.constant 0 : i32
      %dma_wait3A_184 = arith.constant 0 : i32
      %dma_wait3A_185 = tpu.memref_slice %arg2[%dma_wait3A_183, %dma_wait3A_184] : memref<100000x64xf32, #tpu.memory_space<hbm>> -> memref<128x64xf32, #tpu.memory_space<hbm>>
      %dma_wait3A_186 = arith.constant 0 : i32
      %dma_wait3A_187 = arith.constant 0 : i32
      %dma_wait3A_188 = tpu.memref_slice %arg2[%dma_wait3A_186, %dma_wait3A_187] : memref<100000x64xf32, #tpu.memory_space<hbm>> -> memref<128x64xf32, #tpu.memory_space<hbm>>
      tpu.wait_dma2 semaphore(%arg18 : memref<!tpu.dma_semaphore, #tpu.memory_space<semaphore_mem>>) src(%dma_wait3A_188 : memref<128x64xf32, #tpu.memory_space<hbm>>) dst(%arg8 : memref<128x64xf32, #tpu.memory_space<vmem>>)
      %ge3A_189 = arith.constant 5 : i32
      %ge3A_190 = arith.cmpi sge, %add3A_173, %ge3A_189 : i32
      %convert_element_type3A_191 = arith.extui %ge3A_190 : i1 to i32
      %cond3A_192 = arith.constant 0 : i32
      %cond3A_193 = arith.cmpi ne, %convert_element_type3A_191, %cond3A_192 : i32
      scf.if %cond3A_193 {
        %dma_wait3A_296 = arith.constant 0 : i32
        %dma_wait3A_297 = arith.constant 0 : i32
        %dma_wait3A_298 = arith.constant 0 : i32
        %dma_wait3A_299 = tpu.memref_slice %arg4[%dma_wait3A_296, %dma_wait3A_297, %dma_wait3A_298] : memref<400x32x1024xf32, #tpu.memory_space<hbm>> -> memref<8x1x1024xf32, #tpu.memory_space<hbm>>
        %dma_wait3A_300 = arith.constant 0 : i32
        %dma_wait3A_301 = arith.constant 0 : i32
        %dma_wait3A_302 = arith.constant 0 : i32
        %dma_wait3A_303 = tpu.memref_slice %arg4[%dma_wait3A_300, %dma_wait3A_301, %dma_wait3A_302] : memref<400x32x1024xf32, #tpu.memory_space<hbm>> -> memref<8x1x1024xf32, #tpu.memory_space<hbm>>
        tpu.wait_dma2 semaphore(%arg23 : memref<!tpu.dma_semaphore, #tpu.memory_space<semaphore_mem>>) src(%arg13 : memref<8x1x1024xf32, #tpu.memory_space<vmem>>) dst(%dma_wait3A_303 : memref<8x1x1024xf32, #tpu.memory_space<hbm>>)
      } else {
      }
      %parallel_loop3A_194 = arith.constant 0 : i32
      %parallel_loop3A_195 = arith.constant 64 : i32
      %parallel_loop3A_196 = arith.constant 1 : i32
      scf.for %parallel_loop3A_296 = %parallel_loop3A_194 to %parallel_loop3A_195 step %parallel_loop3A_196  : i32 {
        %parallel_loop3A_297 = arith.constant 15 : i32
        %parallel_loop3A_298 = arith.andi %parallel_loop3A_296, %parallel_loop3A_297 : i32
        %parallel_loop3A_299 = arith.constant 4 : i32
        %parallel_loop3A_300 = arith.shrsi %parallel_loop3A_296, %parallel_loop3A_299 : i32
        %parallel_loop3A_301 = vector.broadcast %parallel_loop3A_298 : i32 to vector<16xi32>
        %parallel_loop3A_302 = arith.addi %parallel_loop3A_301, %iota3A : vector<16xi32>
        %parallel_loop3A_303 = arith.constant 15 : i32
        %parallel_loop3A_304 = vector.broadcast %parallel_loop3A_303 : i32 to vector<16xi32>
        %parallel_loop3A_305 = arith.andi %parallel_loop3A_302, %parallel_loop3A_304 : vector<16xi32>
        %parallel_loop3A_306 = arith.constant 16 : i32
        %parallel_loop3A_307 = arith.muli %parallel_loop3A_300, %parallel_loop3A_306 : i32
        %parallel_loop3A_308 = vector.broadcast %parallel_loop3A_307 : i32 to vector<16xi32>
        %parallel_loop3A_309 = arith.addi %parallel_loop3A_305, %parallel_loop3A_308 : vector<16xi32>
        %parallel_loop3A_310 = arith.constant 3 : i32
        %parallel_loop3A_311 = vector.broadcast %parallel_loop3A_310 : i32 to vector<16xi32>
        %parallel_loop3A_312 = arith.shrsi %parallel_loop3A_305, %parallel_loop3A_311 : vector<16xi32>
        %parallel_loop3A_313 = arith.constant 2 : i32
        %parallel_loop3A_314 = arith.muli %parallel_loop3A_300, %parallel_loop3A_313 : i32
        %parallel_loop3A_315 = vector.broadcast %parallel_loop3A_314 : i32 to vector<16xi32>
        %parallel_loop3A_316 = arith.addi %parallel_loop3A_312, %parallel_loop3A_315 : vector<16xi32>
        %parallel_loop3A_317 = arith.constant 7 : i32
        %parallel_loop3A_318 = vector.broadcast %parallel_loop3A_317 : i32 to vector<16xi32>
        %parallel_loop3A_319 = arith.andi %parallel_loop3A_305, %parallel_loop3A_318 : vector<16xi32>
        %parallel_loop3A_320 = arith.constant 128 : i32
        %parallel_loop3A_321 = vector.broadcast %parallel_loop3A_320 : i32 to vector<16xi32>
        %parallel_loop3A_322 = arith.muli %parallel_loop3A_319, %parallel_loop3A_321 : vector<16xi32>
        %parallel_loop3A_323 = arith.addi %parallel_loop3A_322, %iota3A : vector<16xi32>
        %parallel_loop3A_324 = tpu.vector_load_idx %arg8[%add3A_7, %parallel_loop3A_309] : memref<128x64xf32, #tpu.memory_space<vmem>>[vector<16xi32>, vector<16xi32>], vector<16xf32>,
        %parallel_loop3A_325 = arith.constant 0 : i32
        %parallel_loop3A_326 = vector.broadcast %parallel_loop3A_325 : i32 to vector<16xi32>
        %parallel_loop3A_327 = arith.addi %parallel_loop3A_323, %parallel_loop3A_326 : vector<16xi32>
        tpu.vector_store_idx %arg13[%parallel_loop3A_316, %broadcast_in_dim3A_79, %parallel_loop3A_327], %parallel_loop3A_324 : memref<8x1x1024xf32, #tpu.memory_space<vmem>>[vector<16xi32>, vector<16xi32>, vector<16xi32>], vector<16xf32>,
        %parallel_loop3A_328 = tpu.vector_load_idx %arg8[%add3A_10, %parallel_loop3A_309] : memref<128x64xf32, #tpu.memory_space<vmem>>[vector<16xi32>, vector<16xi32>], vector<16xf32>,
        %parallel_loop3A_329 = arith.constant 16 : i32
        %parallel_loop3A_330 = vector.broadcast %parallel_loop3A_329 : i32 to vector<16xi32>
        %parallel_loop3A_331 = arith.addi %parallel_loop3A_323, %parallel_loop3A_330 : vector<16xi32>
        tpu.vector_store_idx %arg13[%parallel_loop3A_316, %broadcast_in_dim3A_79, %parallel_loop3A_331], %parallel_loop3A_328 : memref<8x1x1024xf32, #tpu.memory_space<vmem>>[vector<16xi32>, vector<16xi32>, vector<16xi32>], vector<16xf32>,
        %parallel_loop3A_332 = tpu.vector_load_idx %arg8[%add3A_13, %parallel_loop3A_309] : memref<128x64xf32, #tpu.memory_space<vmem>>[vector<16xi32>, vector<16xi32>], vector<16xf32>,
        %parallel_loop3A_333 = arith.constant 32 : i32
        %parallel_loop3A_334 = vector.broadcast %parallel_loop3A_333 : i32 to vector<16xi32>
        %parallel_loop3A_335 = arith.addi %parallel_loop3A_323, %parallel_loop3A_334 : vector<16xi32>
        tpu.vector_store_idx %arg13[%parallel_loop3A_316, %broadcast_in_dim3A_79, %parallel_loop3A_335], %parallel_loop3A_332 : memref<8x1x1024xf32, #tpu.memory_space<vmem>>[vector<16xi32>, vector<16xi32>, vector<16xi32>], vector<16xf32>,
        %parallel_loop3A_336 = tpu.vector_load_idx %arg8[%add3A_16, %parallel_loop3A_309] : memref<128x64xf32, #tpu.memory_space<vmem>>[vector<16xi32>, vector<16xi32>], vector<16xf32>,
        %parallel_loop3A_337 = arith.constant 48 : i32
        %parallel_loop3A_338 = vector.broadcast %parallel_loop3A_337 : i32 to vector<16xi32>
        %parallel_loop3A_339 = arith.addi %parallel_loop3A_323, %parallel_loop3A_338 : vector<16xi32>
        tpu.vector_store_idx %arg13[%parallel_loop3A_316, %broadcast_in_dim3A_79, %parallel_loop3A_339], %parallel_loop3A_336 : memref<8x1x1024xf32, #tpu.memory_space<vmem>>[vector<16xi32>, vector<16xi32>, vector<16xi32>], vector<16xf32>,
        %parallel_loop3A_340 = tpu.vector_load_idx %arg8[%add3A_19, %parallel_loop3A_309] : memref<128x64xf32, #tpu.memory_space<vmem>>[vector<16xi32>, vector<16xi32>], vector<16xf32>,
        %parallel_loop3A_341 = arith.constant 64 : i32
        %parallel_loop3A_342 = vector.broadcast %parallel_loop3A_341 : i32 to vector<16xi32>
        %parallel_loop3A_343 = arith.addi %parallel_loop3A_323, %parallel_loop3A_342 : vector<16xi32>
        tpu.vector_store_idx %arg13[%parallel_loop3A_316, %broadcast_in_dim3A_79, %parallel_loop3A_343], %parallel_loop3A_340 : memref<8x1x1024xf32, #tpu.memory_space<vmem>>[vector<16xi32>, vector<16xi32>, vector<16xi32>], vector<16xf32>,
        %parallel_loop3A_344 = tpu.vector_load_idx %arg8[%add3A_22, %parallel_loop3A_309] : memref<128x64xf32, #tpu.memory_space<vmem>>[vector<16xi32>, vector<16xi32>], vector<16xf32>,
        %parallel_loop3A_345 = arith.constant 80 : i32
        %parallel_loop3A_346 = vector.broadcast %parallel_loop3A_345 : i32 to vector<16xi32>
        %parallel_loop3A_347 = arith.addi %parallel_loop3A_323, %parallel_loop3A_346 : vector<16xi32>
        tpu.vector_store_idx %arg13[%parallel_loop3A_316, %broadcast_in_dim3A_79, %parallel_loop3A_347], %parallel_loop3A_344 : memref<8x1x1024xf32, #tpu.memory_space<vmem>>[vector<16xi32>, vector<16xi32>, vector<16xi32>], vector<16xf32>,
        %parallel_loop3A_348 = tpu.vector_load_idx %arg8[%add3A_25, %parallel_loop3A_309] : memref<128x64xf32, #tpu.memory_space<vmem>>[vector<16xi32>, vector<16xi32>], vector<16xf32>,
        %parallel_loop3A_349 = arith.constant 96 : i32
        %parallel_loop3A_350 = vector.broadcast %parallel_loop3A_349 : i32 to vector<16xi32>
        %parallel_loop3A_351 = arith.addi %parallel_loop3A_323, %parallel_loop3A_350 : vector<16xi32>
        tpu.vector_store_idx %arg13[%parallel_loop3A_316, %broadcast_in_dim3A_79, %parallel_loop3A_351], %parallel_loop3A_348 : memref<8x1x1024xf32, #tpu.memory_space<vmem>>[vector<16xi32>, vector<16xi32>, vector<16xi32>], vector<16xf32>,
        %parallel_loop3A_352 = tpu.vector_load_idx %arg8[%add3A_28, %parallel_loop3A_309] : memref<128x64xf32, #tpu.memory_space<vmem>>[vector<16xi32>, vector<16xi32>], vector<16xf32>,
        %parallel_loop3A_353 = arith.constant 112 : i32
        %parallel_loop3A_354 = vector.broadcast %parallel_loop3A_353 : i32 to vector<16xi32>
        %parallel_loop3A_355 = arith.addi %parallel_loop3A_323, %parallel_loop3A_354 : vector<16xi32>
        tpu.vector_store_idx %arg13[%parallel_loop3A_316, %broadcast_in_dim3A_79, %parallel_loop3A_355], %parallel_loop3A_352 : memref<8x1x1024xf32, #tpu.memory_space<vmem>>[vector<16xi32>, vector<16xi32>, vector<16xi32>], vector<16xf32>,
      } {sc.loop_unroll_factor = 1 : i64, sc.parallel_access}
      %mul3A_197 = arith.constant 8 : i32
      %mul3A_198 = arith.muli %add3A_173, %mul3A_197 : i32
      %dma_start3A_199 = arith.constant 0 : i32
      %dma_start3A_200 = tpu.memref_slice %arg4[%mul3A_198, %add3A, %dma_start3A_199] : memref<400x32x1024xf32, #tpu.memory_space<hbm>> -> memref<8x1x1024xf32, #tpu.memory_space<hbm>>
      %dma_start3A_201 = arith.constant 0 : i32
      %dma_start3A_202 = tpu.memref_slice %arg4[%mul3A_198, %add3A, %dma_start3A_201] : memref<400x32x1024xf32, #tpu.memory_space<hbm>> -> memref<8x1x1024xf32, #tpu.memory_space<hbm>>
      tpu.enqueue_dma source(%arg13 : memref<8x1x1024xf32, #tpu.memory_space<vmem>>) target(%dma_start3A_202 : memref<8x1x1024xf32, #tpu.memory_space<hbm>>) target_semaphore(%arg23 : memref<!tpu.dma_semaphore, #tpu.memory_space<semaphore_mem>>)
      %add3A_203 = arith.constant 2 : i32
      %add3A_204 = arith.addi %mul3A_145, %add3A_203 : i32
      %add3A_205 = arith.constant 5 : i32
      %add3A_206 = arith.addi %add3A_204, %add3A_205 : i32
      %sub3A_207 = arith.constant 1 : i32
      %sub3A_208 = arith.subi %add3A_206, %sub3A_207 : i32
      %lt3A_209 = arith.constant 50 : i32
      %lt3A_210 = arith.cmpi slt, %sub3A_208, %lt3A_209 : i32
      %convert_element_type3A_211 = arith.extui %lt3A_210 : i1 to i32
      %cond3A_212 = arith.constant 0 : i32
      %cond3A_213 = arith.cmpi ne, %convert_element_type3A_211, %cond3A_212 : i32
      scf.if %cond3A_213 {
        %add3A_296 = arith.constant 5 : i32
        %add3A_297 = arith.addi %add3A_204, %add3A_296 : i32
        %sub3A_298 = arith.constant 1 : i32
        %sub3A_299 = arith.subi %add3A_297, %sub3A_298 : i32
        %mul3A_300 = arith.constant 128 : i32
        %mul3A_301 = arith.muli %sub3A_299, %mul3A_300 : i32
        %dma_start3A_302 = tpu.memref_slice %arg6[%mul3A_301] : memref<6400xi32, #tpu.memory_space<vmem>> -> memref<128xi32, #tpu.memory_space<vmem>>
        %dma_start3A_303 = arith.constant 0 : i32
        %dma_start3A_304 = arith.constant 0 : i32
        %dma_start3A_305 = tpu.memref_slice %arg2[%dma_start3A_303, %dma_start3A_304] : memref<100000x64xf32, #tpu.memory_space<hbm>> -> memref<100000x64xf32, #tpu.memory_space<hbm>>
        tpu.enqueue_indirect_dma source(%dma_start3A_305 : memref<100000x64xf32, #tpu.memory_space<hbm>>) target(%arg8 : memref<128x64xf32, #tpu.memory_space<vmem>>) offsets(%dma_start3A_302 : memref<128xi32, #tpu.memory_space<vmem>>) semaphore(%arg18 : memref<!tpu.dma_semaphore, #tpu.memory_space<semaphore_mem>>)
      } else {
      }
      %dma_wait3A_214 = arith.constant 0 : i32
      %dma_wait3A_215 = arith.constant 0 : i32
      %dma_wait3A_216 = tpu.memref_slice %arg2[%dma_wait3A_214, %dma_wait3A_215] : memref<100000x64xf32, #tpu.memory_space<hbm>> -> memref<128x64xf32, #tpu.memory_space<hbm>>
      %dma_wait3A_217 = arith.constant 0 : i32
      %dma_wait3A_218 = arith.constant 0 : i32
      %dma_wait3A_219 = tpu.memref_slice %arg2[%dma_wait3A_217, %dma_wait3A_218] : memref<100000x64xf32, #tpu.memory_space<hbm>> -> memref<128x64xf32, #tpu.memory_space<hbm>>
      tpu.wait_dma2 semaphore(%arg19 : memref<!tpu.dma_semaphore, #tpu.memory_space<semaphore_mem>>) src(%dma_wait3A_219 : memref<128x64xf32, #tpu.memory_space<hbm>>) dst(%arg9 : memref<128x64xf32, #tpu.memory_space<vmem>>)
      %ge3A_220 = arith.constant 5 : i32
      %ge3A_221 = arith.cmpi sge, %add3A_204, %ge3A_220 : i32
      %convert_element_type3A_222 = arith.extui %ge3A_221 : i1 to i32
      %cond3A_223 = arith.constant 0 : i32
      %cond3A_224 = arith.cmpi ne, %convert_element_type3A_222, %cond3A_223 : i32
      scf.if %cond3A_224 {
        %dma_wait3A_296 = arith.constant 0 : i32
        %dma_wait3A_297 = arith.constant 0 : i32
        %dma_wait3A_298 = arith.constant 0 : i32
        %dma_wait3A_299 = tpu.memref_slice %arg4[%dma_wait3A_296, %dma_wait3A_297, %dma_wait3A_298] : memref<400x32x1024xf32, #tpu.memory_space<hbm>> -> memref<8x1x1024xf32, #tpu.memory_space<hbm>>
        %dma_wait3A_300 = arith.constant 0 : i32
        %dma_wait3A_301 = arith.constant 0 : i32
        %dma_wait3A_302 = arith.constant 0 : i32
        %dma_wait3A_303 = tpu.memref_slice %arg4[%dma_wait3A_300, %dma_wait3A_301, %dma_wait3A_302] : memref<400x32x1024xf32, #tpu.memory_space<hbm>> -> memref<8x1x1024xf32, #tpu.memory_space<hbm>>
        tpu.wait_dma2 semaphore(%arg24 : memref<!tpu.dma_semaphore, #tpu.memory_space<semaphore_mem>>) src(%arg14 : memref<8x1x1024xf32, #tpu.memory_space<vmem>>) dst(%dma_wait3A_303 : memref<8x1x1024xf32, #tpu.memory_space<hbm>>)
      } else {
      }
      %parallel_loop3A_225 = arith.constant 0 : i32
      %parallel_loop3A_226 = arith.constant 64 : i32
      %parallel_loop3A_227 = arith.constant 1 : i32
      scf.for %parallel_loop3A_296 = %parallel_loop3A_225 to %parallel_loop3A_226 step %parallel_loop3A_227  : i32 {
        %parallel_loop3A_297 = arith.constant 15 : i32
        %parallel_loop3A_298 = arith.andi %parallel_loop3A_296, %parallel_loop3A_297 : i32
        %parallel_loop3A_299 = arith.constant 4 : i32
        %parallel_loop3A_300 = arith.shrsi %parallel_loop3A_296, %parallel_loop3A_299 : i32
        %parallel_loop3A_301 = vector.broadcast %parallel_loop3A_298 : i32 to vector<16xi32>
        %parallel_loop3A_302 = arith.addi %parallel_loop3A_301, %iota3A : vector<16xi32>
        %parallel_loop3A_303 = arith.constant 15 : i32
        %parallel_loop3A_304 = vector.broadcast %parallel_loop3A_303 : i32 to vector<16xi32>
        %parallel_loop3A_305 = arith.andi %parallel_loop3A_302, %parallel_loop3A_304 : vector<16xi32>
        %parallel_loop3A_306 = arith.constant 16 : i32
        %parallel_loop3A_307 = arith.muli %parallel_loop3A_300, %parallel_loop3A_306 : i32
        %parallel_loop3A_308 = vector.broadcast %parallel_loop3A_307 : i32 to vector<16xi32>
        %parallel_loop3A_309 = arith.addi %parallel_loop3A_305, %parallel_loop3A_308 : vector<16xi32>
        %parallel_loop3A_310 = arith.constant 3 : i32
        %parallel_loop3A_311 = vector.broadcast %parallel_loop3A_310 : i32 to vector<16xi32>
        %parallel_loop3A_312 = arith.shrsi %parallel_loop3A_305, %parallel_loop3A_311 : vector<16xi32>
        %parallel_loop3A_313 = arith.constant 2 : i32
        %parallel_loop3A_314 = arith.muli %parallel_loop3A_300, %parallel_loop3A_313 : i32
        %parallel_loop3A_315 = vector.broadcast %parallel_loop3A_314 : i32 to vector<16xi32>
        %parallel_loop3A_316 = arith.addi %parallel_loop3A_312, %parallel_loop3A_315 : vector<16xi32>
        %parallel_loop3A_317 = arith.constant 7 : i32
        %parallel_loop3A_318 = vector.broadcast %parallel_loop3A_317 : i32 to vector<16xi32>
        %parallel_loop3A_319 = arith.andi %parallel_loop3A_305, %parallel_loop3A_318 : vector<16xi32>
        %parallel_loop3A_320 = arith.constant 128 : i32
        %parallel_loop3A_321 = vector.broadcast %parallel_loop3A_320 : i32 to vector<16xi32>
        %parallel_loop3A_322 = arith.muli %parallel_loop3A_319, %parallel_loop3A_321 : vector<16xi32>
        %parallel_loop3A_323 = arith.addi %parallel_loop3A_322, %iota3A : vector<16xi32>
        %parallel_loop3A_324 = tpu.vector_load_idx %arg9[%add3A_7, %parallel_loop3A_309] : memref<128x64xf32, #tpu.memory_space<vmem>>[vector<16xi32>, vector<16xi32>], vector<16xf32>,
        %parallel_loop3A_325 = arith.constant 0 : i32
        %parallel_loop3A_326 = vector.broadcast %parallel_loop3A_325 : i32 to vector<16xi32>
        %parallel_loop3A_327 = arith.addi %parallel_loop3A_323, %parallel_loop3A_326 : vector<16xi32>
        tpu.vector_store_idx %arg14[%parallel_loop3A_316, %broadcast_in_dim3A_79, %parallel_loop3A_327], %parallel_loop3A_324 : memref<8x1x1024xf32, #tpu.memory_space<vmem>>[vector<16xi32>, vector<16xi32>, vector<16xi32>], vector<16xf32>,
        %parallel_loop3A_328 = tpu.vector_load_idx %arg9[%add3A_10, %parallel_loop3A_309] : memref<128x64xf32, #tpu.memory_space<vmem>>[vector<16xi32>, vector<16xi32>], vector<16xf32>,
        %parallel_loop3A_329 = arith.constant 16 : i32
        %parallel_loop3A_330 = vector.broadcast %parallel_loop3A_329 : i32 to vector<16xi32>
        %parallel_loop3A_331 = arith.addi %parallel_loop3A_323, %parallel_loop3A_330 : vector<16xi32>
        tpu.vector_store_idx %arg14[%parallel_loop3A_316, %broadcast_in_dim3A_79, %parallel_loop3A_331], %parallel_loop3A_328 : memref<8x1x1024xf32, #tpu.memory_space<vmem>>[vector<16xi32>, vector<16xi32>, vector<16xi32>], vector<16xf32>,
        %parallel_loop3A_332 = tpu.vector_load_idx %arg9[%add3A_13, %parallel_loop3A_309] : memref<128x64xf32, #tpu.memory_space<vmem>>[vector<16xi32>, vector<16xi32>], vector<16xf32>,
        %parallel_loop3A_333 = arith.constant 32 : i32
        %parallel_loop3A_334 = vector.broadcast %parallel_loop3A_333 : i32 to vector<16xi32>
        %parallel_loop3A_335 = arith.addi %parallel_loop3A_323, %parallel_loop3A_334 : vector<16xi32>
        tpu.vector_store_idx %arg14[%parallel_loop3A_316, %broadcast_in_dim3A_79, %parallel_loop3A_335], %parallel_loop3A_332 : memref<8x1x1024xf32, #tpu.memory_space<vmem>>[vector<16xi32>, vector<16xi32>, vector<16xi32>], vector<16xf32>,
        %parallel_loop3A_336 = tpu.vector_load_idx %arg9[%add3A_16, %parallel_loop3A_309] : memref<128x64xf32, #tpu.memory_space<vmem>>[vector<16xi32>, vector<16xi32>], vector<16xf32>,
        %parallel_loop3A_337 = arith.constant 48 : i32
        %parallel_loop3A_338 = vector.broadcast %parallel_loop3A_337 : i32 to vector<16xi32>
        %parallel_loop3A_339 = arith.addi %parallel_loop3A_323, %parallel_loop3A_338 : vector<16xi32>
        tpu.vector_store_idx %arg14[%parallel_loop3A_316, %broadcast_in_dim3A_79, %parallel_loop3A_339], %parallel_loop3A_336 : memref<8x1x1024xf32, #tpu.memory_space<vmem>>[vector<16xi32>, vector<16xi32>, vector<16xi32>], vector<16xf32>,
        %parallel_loop3A_340 = tpu.vector_load_idx %arg9[%add3A_19, %parallel_loop3A_309] : memref<128x64xf32, #tpu.memory_space<vmem>>[vector<16xi32>, vector<16xi32>], vector<16xf32>,
        %parallel_loop3A_341 = arith.constant 64 : i32
        %parallel_loop3A_342 = vector.broadcast %parallel_loop3A_341 : i32 to vector<16xi32>
        %parallel_loop3A_343 = arith.addi %parallel_loop3A_323, %parallel_loop3A_342 : vector<16xi32>
        tpu.vector_store_idx %arg14[%parallel_loop3A_316, %broadcast_in_dim3A_79, %parallel_loop3A_343], %parallel_loop3A_340 : memref<8x1x1024xf32, #tpu.memory_space<vmem>>[vector<16xi32>, vector<16xi32>, vector<16xi32>], vector<16xf32>,
        %parallel_loop3A_344 = tpu.vector_load_idx %arg9[%add3A_22, %parallel_loop3A_309] : memref<128x64xf32, #tpu.memory_space<vmem>>[vector<16xi32>, vector<16xi32>], vector<16xf32>,
        %parallel_loop3A_345 = arith.constant 80 : i32
        %parallel_loop3A_346 = vector.broadcast %parallel_loop3A_345 : i32 to vector<16xi32>
        %parallel_loop3A_347 = arith.addi %parallel_loop3A_323, %parallel_loop3A_346 : vector<16xi32>
        tpu.vector_store_idx %arg14[%parallel_loop3A_316, %broadcast_in_dim3A_79, %parallel_loop3A_347], %parallel_loop3A_344 : memref<8x1x1024xf32, #tpu.memory_space<vmem>>[vector<16xi32>, vector<16xi32>, vector<16xi32>], vector<16xf32>,
        %parallel_loop3A_348 = tpu.vector_load_idx %arg9[%add3A_25, %parallel_loop3A_309] : memref<128x64xf32, #tpu.memory_space<vmem>>[vector<16xi32>, vector<16xi32>], vector<16xf32>,
        %parallel_loop3A_349 = arith.constant 96 : i32
        %parallel_loop3A_350 = vector.broadcast %parallel_loop3A_349 : i32 to vector<16xi32>
        %parallel_loop3A_351 = arith.addi %parallel_loop3A_323, %parallel_loop3A_350 : vector<16xi32>
        tpu.vector_store_idx %arg14[%parallel_loop3A_316, %broadcast_in_dim3A_79, %parallel_loop3A_351], %parallel_loop3A_348 : memref<8x1x1024xf32, #tpu.memory_space<vmem>>[vector<16xi32>, vector<16xi32>, vector<16xi32>], vector<16xf32>,
        %parallel_loop3A_352 = tpu.vector_load_idx %arg9[%add3A_28, %parallel_loop3A_309] : memref<128x64xf32, #tpu.memory_space<vmem>>[vector<16xi32>, vector<16xi32>], vector<16xf32>,
        %parallel_loop3A_353 = arith.constant 112 : i32
        %parallel_loop3A_354 = vector.broadcast %parallel_loop3A_353 : i32 to vector<16xi32>
        %parallel_loop3A_355 = arith.addi %parallel_loop3A_323, %parallel_loop3A_354 : vector<16xi32>
        tpu.vector_store_idx %arg14[%parallel_loop3A_316, %broadcast_in_dim3A_79, %parallel_loop3A_355], %parallel_loop3A_352 : memref<8x1x1024xf32, #tpu.memory_space<vmem>>[vector<16xi32>, vector<16xi32>, vector<16xi32>], vector<16xf32>,
      } {sc.loop_unroll_factor = 1 : i64, sc.parallel_access}
      %mul3A_228 = arith.constant 8 : i32
      %mul3A_229 = arith.muli %add3A_204, %mul3A_228 : i32
      %dma_start3A_230 = arith.constant 0 : i32
      %dma_start3A_231 = tpu.memref_slice %arg4[%mul3A_229, %add3A, %dma_start3A_230] : memref<400x32x1024xf32, #tpu.memory_space<hbm>> -> memref<8x1x1024xf32, #tpu.memory_space<hbm>>
      %dma_start3A_232 = arith.constant 0 : i32
      %dma_start3A_233 = tpu.memref_slice %arg4[%mul3A_229, %add3A, %dma_start3A_232] : memref<400x32x1024xf32, #tpu.memory_space<hbm>> -> memref<8x1x1024xf32, #tpu.memory_space<hbm>>
      tpu.enqueue_dma source(%arg14 : memref<8x1x1024xf32, #tpu.memory_space<vmem>>) target(%dma_start3A_233 : memref<8x1x1024xf32, #tpu.memory_space<hbm>>) target_semaphore(%arg24 : memref<!tpu.dma_semaphore, #tpu.memory_space<semaphore_mem>>)
      %add3A_234 = arith.constant 3 : i32
      %add3A_235 = arith.addi %mul3A_145, %add3A_234 : i32
      %add3A_236 = arith.constant 5 : i32
      %add3A_237 = arith.addi %add3A_235, %add3A_236 : i32
      %sub3A_238 = arith.constant 1 : i32
      %sub3A_239 = arith.subi %add3A_237, %sub3A_238 : i32
      %lt3A_240 = arith.constant 50 : i32
      %lt3A_241 = arith.cmpi slt, %sub3A_239, %lt3A_240 : i32
      %convert_element_type3A_242 = arith.extui %lt3A_241 : i1 to i32
      %cond3A_243 = arith.constant 0 : i32
      %cond3A_244 = arith.cmpi ne, %convert_element_type3A_242, %cond3A_243 : i32
      scf.if %cond3A_244 {
        %add3A_296 = arith.constant 5 : i32
        %add3A_297 = arith.addi %add3A_235, %add3A_296 : i32
        %sub3A_298 = arith.constant 1 : i32
        %sub3A_299 = arith.subi %add3A_297, %sub3A_298 : i32
        %mul3A_300 = arith.constant 128 : i32
        %mul3A_301 = arith.muli %sub3A_299, %mul3A_300 : i32
        %dma_start3A_302 = tpu.memref_slice %arg6[%mul3A_301] : memref<6400xi32, #tpu.memory_space<vmem>> -> memref<128xi32, #tpu.memory_space<vmem>>
        %dma_start3A_303 = arith.constant 0 : i32
        %dma_start3A_304 = arith.constant 0 : i32
        %dma_start3A_305 = tpu.memref_slice %arg2[%dma_start3A_303, %dma_start3A_304] : memref<100000x64xf32, #tpu.memory_space<hbm>> -> memref<100000x64xf32, #tpu.memory_space<hbm>>
        tpu.enqueue_indirect_dma source(%dma_start3A_305 : memref<100000x64xf32, #tpu.memory_space<hbm>>) target(%arg9 : memref<128x64xf32, #tpu.memory_space<vmem>>) offsets(%dma_start3A_302 : memref<128xi32, #tpu.memory_space<vmem>>) semaphore(%arg19 : memref<!tpu.dma_semaphore, #tpu.memory_space<semaphore_mem>>)
      } else {
      }
      %dma_wait3A_245 = arith.constant 0 : i32
      %dma_wait3A_246 = arith.constant 0 : i32
      %dma_wait3A_247 = tpu.memref_slice %arg2[%dma_wait3A_245, %dma_wait3A_246] : memref<100000x64xf32, #tpu.memory_space<hbm>> -> memref<128x64xf32, #tpu.memory_space<hbm>>
      %dma_wait3A_248 = arith.constant 0 : i32
      %dma_wait3A_249 = arith.constant 0 : i32
      %dma_wait3A_250 = tpu.memref_slice %arg2[%dma_wait3A_248, %dma_wait3A_249] : memref<100000x64xf32, #tpu.memory_space<hbm>> -> memref<128x64xf32, #tpu.memory_space<hbm>>
      tpu.wait_dma2 semaphore(%arg20 : memref<!tpu.dma_semaphore, #tpu.memory_space<semaphore_mem>>) src(%dma_wait3A_250 : memref<128x64xf32, #tpu.memory_space<hbm>>) dst(%arg10 : memref<128x64xf32, #tpu.memory_space<vmem>>)
      %ge3A_251 = arith.constant 5 : i32
      %ge3A_252 = arith.cmpi sge, %add3A_235, %ge3A_251 : i32
      %convert_element_type3A_253 = arith.extui %ge3A_252 : i1 to i32
      %cond3A_254 = arith.constant 0 : i32
      %cond3A_255 = arith.cmpi ne, %convert_element_type3A_253, %cond3A_254 : i32
      scf.if %cond3A_255 {
        %dma_wait3A_296 = arith.constant 0 : i32
        %dma_wait3A_297 = arith.constant 0 : i32
        %dma_wait3A_298 = arith.constant 0 : i32
        %dma_wait3A_299 = tpu.memref_slice %arg4[%dma_wait3A_296, %dma_wait3A_297, %dma_wait3A_298] : memref<400x32x1024xf32, #tpu.memory_space<hbm>> -> memref<8x1x1024xf32, #tpu.memory_space<hbm>>
        %dma_wait3A_300 = arith.constant 0 : i32
        %dma_wait3A_301 = arith.constant 0 : i32
        %dma_wait3A_302 = arith.constant 0 : i32
        %dma_wait3A_303 = tpu.memref_slice %arg4[%dma_wait3A_300, %dma_wait3A_301, %dma_wait3A_302] : memref<400x32x1024xf32, #tpu.memory_space<hbm>> -> memref<8x1x1024xf32, #tpu.memory_space<hbm>>
        tpu.wait_dma2 semaphore(%arg25 : memref<!tpu.dma_semaphore, #tpu.memory_space<semaphore_mem>>) src(%arg15 : memref<8x1x1024xf32, #tpu.memory_space<vmem>>) dst(%dma_wait3A_303 : memref<8x1x1024xf32, #tpu.memory_space<hbm>>)
      } else {
      }
      %parallel_loop3A_256 = arith.constant 0 : i32
      %parallel_loop3A_257 = arith.constant 64 : i32
      %parallel_loop3A_258 = arith.constant 1 : i32
      scf.for %parallel_loop3A_296 = %parallel_loop3A_256 to %parallel_loop3A_257 step %parallel_loop3A_258  : i32 {
        %parallel_loop3A_297 = arith.constant 15 : i32
        %parallel_loop3A_298 = arith.andi %parallel_loop3A_296, %parallel_loop3A_297 : i32
        %parallel_loop3A_299 = arith.constant 4 : i32
        %parallel_loop3A_300 = arith.shrsi %parallel_loop3A_296, %parallel_loop3A_299 : i32
        %parallel_loop3A_301 = vector.broadcast %parallel_loop3A_298 : i32 to vector<16xi32>
        %parallel_loop3A_302 = arith.addi %parallel_loop3A_301, %iota3A : vector<16xi32>
        %parallel_loop3A_303 = arith.constant 15 : i32
        %parallel_loop3A_304 = vector.broadcast %parallel_loop3A_303 : i32 to vector<16xi32>
        %parallel_loop3A_305 = arith.andi %parallel_loop3A_302, %parallel_loop3A_304 : vector<16xi32>
        %parallel_loop3A_306 = arith.constant 16 : i32
        %parallel_loop3A_307 = arith.muli %parallel_loop3A_300, %parallel_loop3A_306 : i32
        %parallel_loop3A_308 = vector.broadcast %parallel_loop3A_307 : i32 to vector<16xi32>
        %parallel_loop3A_309 = arith.addi %parallel_loop3A_305, %parallel_loop3A_308 : vector<16xi32>
        %parallel_loop3A_310 = arith.constant 3 : i32
        %parallel_loop3A_311 = vector.broadcast %parallel_loop3A_310 : i32 to vector<16xi32>
        %parallel_loop3A_312 = arith.shrsi %parallel_loop3A_305, %parallel_loop3A_311 : vector<16xi32>
        %parallel_loop3A_313 = arith.constant 2 : i32
        %parallel_loop3A_314 = arith.muli %parallel_loop3A_300, %parallel_loop3A_313 : i32
        %parallel_loop3A_315 = vector.broadcast %parallel_loop3A_314 : i32 to vector<16xi32>
        %parallel_loop3A_316 = arith.addi %parallel_loop3A_312, %parallel_loop3A_315 : vector<16xi32>
        %parallel_loop3A_317 = arith.constant 7 : i32
        %parallel_loop3A_318 = vector.broadcast %parallel_loop3A_317 : i32 to vector<16xi32>
        %parallel_loop3A_319 = arith.andi %parallel_loop3A_305, %parallel_loop3A_318 : vector<16xi32>
        %parallel_loop3A_320 = arith.constant 128 : i32
        %parallel_loop3A_321 = vector.broadcast %parallel_loop3A_320 : i32 to vector<16xi32>
        %parallel_loop3A_322 = arith.muli %parallel_loop3A_319, %parallel_loop3A_321 : vector<16xi32>
        %parallel_loop3A_323 = arith.addi %parallel_loop3A_322, %iota3A : vector<16xi32>
        %parallel_loop3A_324 = tpu.vector_load_idx %arg10[%add3A_7, %parallel_loop3A_309] : memref<128x64xf32, #tpu.memory_space<vmem>>[vector<16xi32>, vector<16xi32>], vector<16xf32>,
        %parallel_loop3A_325 = arith.constant 0 : i32
        %parallel_loop3A_326 = vector.broadcast %parallel_loop3A_325 : i32 to vector<16xi32>
        %parallel_loop3A_327 = arith.addi %parallel_loop3A_323, %parallel_loop3A_326 : vector<16xi32>
        tpu.vector_store_idx %arg15[%parallel_loop3A_316, %broadcast_in_dim3A_79, %parallel_loop3A_327], %parallel_loop3A_324 : memref<8x1x1024xf32, #tpu.memory_space<vmem>>[vector<16xi32>, vector<16xi32>, vector<16xi32>], vector<16xf32>,
        %parallel_loop3A_328 = tpu.vector_load_idx %arg10[%add3A_10, %parallel_loop3A_309] : memref<128x64xf32, #tpu.memory_space<vmem>>[vector<16xi32>, vector<16xi32>], vector<16xf32>,
        %parallel_loop3A_329 = arith.constant 16 : i32
        %parallel_loop3A_330 = vector.broadcast %parallel_loop3A_329 : i32 to vector<16xi32>
        %parallel_loop3A_331 = arith.addi %parallel_loop3A_323, %parallel_loop3A_330 : vector<16xi32>
        tpu.vector_store_idx %arg15[%parallel_loop3A_316, %broadcast_in_dim3A_79, %parallel_loop3A_331], %parallel_loop3A_328 : memref<8x1x1024xf32, #tpu.memory_space<vmem>>[vector<16xi32>, vector<16xi32>, vector<16xi32>], vector<16xf32>,
        %parallel_loop3A_332 = tpu.vector_load_idx %arg10[%add3A_13, %parallel_loop3A_309] : memref<128x64xf32, #tpu.memory_space<vmem>>[vector<16xi32>, vector<16xi32>], vector<16xf32>,
        %parallel_loop3A_333 = arith.constant 32 : i32
        %parallel_loop3A_334 = vector.broadcast %parallel_loop3A_333 : i32 to vector<16xi32>
        %parallel_loop3A_335 = arith.addi %parallel_loop3A_323, %parallel_loop3A_334 : vector<16xi32>
        tpu.vector_store_idx %arg15[%parallel_loop3A_316, %broadcast_in_dim3A_79, %parallel_loop3A_335], %parallel_loop3A_332 : memref<8x1x1024xf32, #tpu.memory_space<vmem>>[vector<16xi32>, vector<16xi32>, vector<16xi32>], vector<16xf32>,
        %parallel_loop3A_336 = tpu.vector_load_idx %arg10[%add3A_16, %parallel_loop3A_309] : memref<128x64xf32, #tpu.memory_space<vmem>>[vector<16xi32>, vector<16xi32>], vector<16xf32>,
        %parallel_loop3A_337 = arith.constant 48 : i32
        %parallel_loop3A_338 = vector.broadcast %parallel_loop3A_337 : i32 to vector<16xi32>
        %parallel_loop3A_339 = arith.addi %parallel_loop3A_323, %parallel_loop3A_338 : vector<16xi32>
        tpu.vector_store_idx %arg15[%parallel_loop3A_316, %broadcast_in_dim3A_79, %parallel_loop3A_339], %parallel_loop3A_336 : memref<8x1x1024xf32, #tpu.memory_space<vmem>>[vector<16xi32>, vector<16xi32>, vector<16xi32>], vector<16xf32>,
        %parallel_loop3A_340 = tpu.vector_load_idx %arg10[%add3A_19, %parallel_loop3A_309] : memref<128x64xf32, #tpu.memory_space<vmem>>[vector<16xi32>, vector<16xi32>], vector<16xf32>,
        %parallel_loop3A_341 = arith.constant 64 : i32
        %parallel_loop3A_342 = vector.broadcast %parallel_loop3A_341 : i32 to vector<16xi32>
        %parallel_loop3A_343 = arith.addi %parallel_loop3A_323, %parallel_loop3A_342 : vector<16xi32>
        tpu.vector_store_idx %arg15[%parallel_loop3A_316, %broadcast_in_dim3A_79, %parallel_loop3A_343], %parallel_loop3A_340 : memref<8x1x1024xf32, #tpu.memory_space<vmem>>[vector<16xi32>, vector<16xi32>, vector<16xi32>], vector<16xf32>,
        %parallel_loop3A_344 = tpu.vector_load_idx %arg10[%add3A_22, %parallel_loop3A_309] : memref<128x64xf32, #tpu.memory_space<vmem>>[vector<16xi32>, vector<16xi32>], vector<16xf32>,
        %parallel_loop3A_345 = arith.constant 80 : i32
        %parallel_loop3A_346 = vector.broadcast %parallel_loop3A_345 : i32 to vector<16xi32>
        %parallel_loop3A_347 = arith.addi %parallel_loop3A_323, %parallel_loop3A_346 : vector<16xi32>
        tpu.vector_store_idx %arg15[%parallel_loop3A_316, %broadcast_in_dim3A_79, %parallel_loop3A_347], %parallel_loop3A_344 : memref<8x1x1024xf32, #tpu.memory_space<vmem>>[vector<16xi32>, vector<16xi32>, vector<16xi32>], vector<16xf32>,
        %parallel_loop3A_348 = tpu.vector_load_idx %arg10[%add3A_25, %parallel_loop3A_309] : memref<128x64xf32, #tpu.memory_space<vmem>>[vector<16xi32>, vector<16xi32>], vector<16xf32>,
        %parallel_loop3A_349 = arith.constant 96 : i32
        %parallel_loop3A_350 = vector.broadcast %parallel_loop3A_349 : i32 to vector<16xi32>
        %parallel_loop3A_351 = arith.addi %parallel_loop3A_323, %parallel_loop3A_350 : vector<16xi32>
        tpu.vector_store_idx %arg15[%parallel_loop3A_316, %broadcast_in_dim3A_79, %parallel_loop3A_351], %parallel_loop3A_348 : memref<8x1x1024xf32, #tpu.memory_space<vmem>>[vector<16xi32>, vector<16xi32>, vector<16xi32>], vector<16xf32>,
        %parallel_loop3A_352 = tpu.vector_load_idx %arg10[%add3A_28, %parallel_loop3A_309] : memref<128x64xf32, #tpu.memory_space<vmem>>[vector<16xi32>, vector<16xi32>], vector<16xf32>,
        %parallel_loop3A_353 = arith.constant 112 : i32
        %parallel_loop3A_354 = vector.broadcast %parallel_loop3A_353 : i32 to vector<16xi32>
        %parallel_loop3A_355 = arith.addi %parallel_loop3A_323, %parallel_loop3A_354 : vector<16xi32>
        tpu.vector_store_idx %arg15[%parallel_loop3A_316, %broadcast_in_dim3A_79, %parallel_loop3A_355], %parallel_loop3A_352 : memref<8x1x1024xf32, #tpu.memory_space<vmem>>[vector<16xi32>, vector<16xi32>, vector<16xi32>], vector<16xf32>,
      } {sc.loop_unroll_factor = 1 : i64, sc.parallel_access}
      %mul3A_259 = arith.constant 8 : i32
      %mul3A_260 = arith.muli %add3A_235, %mul3A_259 : i32
      %dma_start3A_261 = arith.constant 0 : i32
      %dma_start3A_262 = tpu.memref_slice %arg4[%mul3A_260, %add3A, %dma_start3A_261] : memref<400x32x1024xf32, #tpu.memory_space<hbm>> -> memref<8x1x1024xf32, #tpu.memory_space<hbm>>
      %dma_start3A_263 = arith.constant 0 : i32
      %dma_start3A_264 = tpu.memref_slice %arg4[%mul3A_260, %add3A, %dma_start3A_263] : memref<400x32x1024xf32, #tpu.memory_space<hbm>> -> memref<8x1x1024xf32, #tpu.memory_space<hbm>>
      tpu.enqueue_dma source(%arg15 : memref<8x1x1024xf32, #tpu.memory_space<vmem>>) target(%dma_start3A_264 : memref<8x1x1024xf32, #tpu.memory_space<hbm>>) target_semaphore(%arg25 : memref<!tpu.dma_semaphore, #tpu.memory_space<semaphore_mem>>)
      %add3A_265 = arith.constant 4 : i32
      %add3A_266 = arith.addi %mul3A_145, %add3A_265 : i32
      %add3A_267 = arith.constant 5 : i32
      %add3A_268 = arith.addi %add3A_266, %add3A_267 : i32
      %sub3A_269 = arith.constant 1 : i32
      %sub3A_270 = arith.subi %add3A_268, %sub3A_269 : i32
      %lt3A_271 = arith.constant 50 : i32
      %lt3A_272 = arith.cmpi slt, %sub3A_270, %lt3A_271 : i32
      %convert_element_type3A_273 = arith.extui %lt3A_272 : i1 to i32
      %cond3A_274 = arith.constant 0 : i32
      %cond3A_275 = arith.cmpi ne, %convert_element_type3A_273, %cond3A_274 : i32
      scf.if %cond3A_275 {
        %add3A_296 = arith.constant 5 : i32
        %add3A_297 = arith.addi %add3A_266, %add3A_296 : i32
        %sub3A_298 = arith.constant 1 : i32
        %sub3A_299 = arith.subi %add3A_297, %sub3A_298 : i32
        %mul3A_300 = arith.constant 128 : i32
        %mul3A_301 = arith.muli %sub3A_299, %mul3A_300 : i32
        %dma_start3A_302 = tpu.memref_slice %arg6[%mul3A_301] : memref<6400xi32, #tpu.memory_space<vmem>> -> memref<128xi32, #tpu.memory_space<vmem>>
        %dma_start3A_303 = arith.constant 0 : i32
        %dma_start3A_304 = arith.constant 0 : i32
        %dma_start3A_305 = tpu.memref_slice %arg2[%dma_start3A_303, %dma_start3A_304] : memref<100000x64xf32, #tpu.memory_space<hbm>> -> memref<100000x64xf32, #tpu.memory_space<hbm>>
        tpu.enqueue_indirect_dma source(%dma_start3A_305 : memref<100000x64xf32, #tpu.memory_space<hbm>>) target(%arg10 : memref<128x64xf32, #tpu.memory_space<vmem>>) offsets(%dma_start3A_302 : memref<128xi32, #tpu.memory_space<vmem>>) semaphore(%arg20 : memref<!tpu.dma_semaphore, #tpu.memory_space<semaphore_mem>>)
      } else {
      }
      %dma_wait3A_276 = arith.constant 0 : i32
      %dma_wait3A_277 = arith.constant 0 : i32
      %dma_wait3A_278 = tpu.memref_slice %arg2[%dma_wait3A_276, %dma_wait3A_277] : memref<100000x64xf32, #tpu.memory_space<hbm>> -> memref<128x64xf32, #tpu.memory_space<hbm>>
      %dma_wait3A_279 = arith.constant 0 : i32
      %dma_wait3A_280 = arith.constant 0 : i32
      %dma_wait3A_281 = tpu.memref_slice %arg2[%dma_wait3A_279, %dma_wait3A_280] : memref<100000x64xf32, #tpu.memory_space<hbm>> -> memref<128x64xf32, #tpu.memory_space<hbm>>
      tpu.wait_dma2 semaphore(%arg21 : memref<!tpu.dma_semaphore, #tpu.memory_space<semaphore_mem>>) src(%dma_wait3A_281 : memref<128x64xf32, #tpu.memory_space<hbm>>) dst(%arg11 : memref<128x64xf32, #tpu.memory_space<vmem>>)
      %ge3A_282 = arith.constant 5 : i32
      %ge3A_283 = arith.cmpi sge, %add3A_266, %ge3A_282 : i32
      %convert_element_type3A_284 = arith.extui %ge3A_283 : i1 to i32
      %cond3A_285 = arith.constant 0 : i32
      %cond3A_286 = arith.cmpi ne, %convert_element_type3A_284, %cond3A_285 : i32
      scf.if %cond3A_286 {
        %dma_wait3A_296 = arith.constant 0 : i32
        %dma_wait3A_297 = arith.constant 0 : i32
        %dma_wait3A_298 = arith.constant 0 : i32
        %dma_wait3A_299 = tpu.memref_slice %arg4[%dma_wait3A_296, %dma_wait3A_297, %dma_wait3A_298] : memref<400x32x1024xf32, #tpu.memory_space<hbm>> -> memref<8x1x1024xf32, #tpu.memory_space<hbm>>
        %dma_wait3A_300 = arith.constant 0 : i32
        %dma_wait3A_301 = arith.constant 0 : i32
        %dma_wait3A_302 = arith.constant 0 : i32
        %dma_wait3A_303 = tpu.memref_slice %arg4[%dma_wait3A_300, %dma_wait3A_301, %dma_wait3A_302] : memref<400x32x1024xf32, #tpu.memory_space<hbm>> -> memref<8x1x1024xf32, #tpu.memory_space<hbm>>
        tpu.wait_dma2 semaphore(%arg26 : memref<!tpu.dma_semaphore, #tpu.memory_space<semaphore_mem>>) src(%arg16 : memref<8x1x1024xf32, #tpu.memory_space<vmem>>) dst(%dma_wait3A_303 : memref<8x1x1024xf32, #tpu.memory_space<hbm>>)
      } else {
      }
      %parallel_loop3A_287 = arith.constant 0 : i32
      %parallel_loop3A_288 = arith.constant 64 : i32
      %parallel_loop3A_289 = arith.constant 1 : i32
      scf.for %parallel_loop3A_296 = %parallel_loop3A_287 to %parallel_loop3A_288 step %parallel_loop3A_289  : i32 {
        %parallel_loop3A_297 = arith.constant 15 : i32
        %parallel_loop3A_298 = arith.andi %parallel_loop3A_296, %parallel_loop3A_297 : i32
        %parallel_loop3A_299 = arith.constant 4 : i32
        %parallel_loop3A_300 = arith.shrsi %parallel_loop3A_296, %parallel_loop3A_299 : i32
        %parallel_loop3A_301 = vector.broadcast %parallel_loop3A_298 : i32 to vector<16xi32>
        %parallel_loop3A_302 = arith.addi %parallel_loop3A_301, %iota3A : vector<16xi32>
        %parallel_loop3A_303 = arith.constant 15 : i32
        %parallel_loop3A_304 = vector.broadcast %parallel_loop3A_303 : i32 to vector<16xi32>
        %parallel_loop3A_305 = arith.andi %parallel_loop3A_302, %parallel_loop3A_304 : vector<16xi32>
        %parallel_loop3A_306 = arith.constant 16 : i32
        %parallel_loop3A_307 = arith.muli %parallel_loop3A_300, %parallel_loop3A_306 : i32
        %parallel_loop3A_308 = vector.broadcast %parallel_loop3A_307 : i32 to vector<16xi32>
        %parallel_loop3A_309 = arith.addi %parallel_loop3A_305, %parallel_loop3A_308 : vector<16xi32>
        %parallel_loop3A_310 = arith.constant 3 : i32
        %parallel_loop3A_311 = vector.broadcast %parallel_loop3A_310 : i32 to vector<16xi32>
        %parallel_loop3A_312 = arith.shrsi %parallel_loop3A_305, %parallel_loop3A_311 : vector<16xi32>
        %parallel_loop3A_313 = arith.constant 2 : i32
        %parallel_loop3A_314 = arith.muli %parallel_loop3A_300, %parallel_loop3A_313 : i32
        %parallel_loop3A_315 = vector.broadcast %parallel_loop3A_314 : i32 to vector<16xi32>
        %parallel_loop3A_316 = arith.addi %parallel_loop3A_312, %parallel_loop3A_315 : vector<16xi32>
        %parallel_loop3A_317 = arith.constant 7 : i32
        %parallel_loop3A_318 = vector.broadcast %parallel_loop3A_317 : i32 to vector<16xi32>
        %parallel_loop3A_319 = arith.andi %parallel_loop3A_305, %parallel_loop3A_318 : vector<16xi32>
        %parallel_loop3A_320 = arith.constant 128 : i32
        %parallel_loop3A_321 = vector.broadcast %parallel_loop3A_320 : i32 to vector<16xi32>
        %parallel_loop3A_322 = arith.muli %parallel_loop3A_319, %parallel_loop3A_321 : vector<16xi32>
        %parallel_loop3A_323 = arith.addi %parallel_loop3A_322, %iota3A : vector<16xi32>
        %parallel_loop3A_324 = tpu.vector_load_idx %arg11[%add3A_7, %parallel_loop3A_309] : memref<128x64xf32, #tpu.memory_space<vmem>>[vector<16xi32>, vector<16xi32>], vector<16xf32>,
        %parallel_loop3A_325 = arith.constant 0 : i32
        %parallel_loop3A_326 = vector.broadcast %parallel_loop3A_325 : i32 to vector<16xi32>
        %parallel_loop3A_327 = arith.addi %parallel_loop3A_323, %parallel_loop3A_326 : vector<16xi32>
        tpu.vector_store_idx %arg16[%parallel_loop3A_316, %broadcast_in_dim3A_79, %parallel_loop3A_327], %parallel_loop3A_324 : memref<8x1x1024xf32, #tpu.memory_space<vmem>>[vector<16xi32>, vector<16xi32>, vector<16xi32>], vector<16xf32>,
        %parallel_loop3A_328 = tpu.vector_load_idx %arg11[%add3A_10, %parallel_loop3A_309] : memref<128x64xf32, #tpu.memory_space<vmem>>[vector<16xi32>, vector<16xi32>], vector<16xf32>,
        %parallel_loop3A_329 = arith.constant 16 : i32
        %parallel_loop3A_330 = vector.broadcast %parallel_loop3A_329 : i32 to vector<16xi32>
        %parallel_loop3A_331 = arith.addi %parallel_loop3A_323, %parallel_loop3A_330 : vector<16xi32>
        tpu.vector_store_idx %arg16[%parallel_loop3A_316, %broadcast_in_dim3A_79, %parallel_loop3A_331], %parallel_loop3A_328 : memref<8x1x1024xf32, #tpu.memory_space<vmem>>[vector<16xi32>, vector<16xi32>, vector<16xi32>], vector<16xf32>,
        %parallel_loop3A_332 = tpu.vector_load_idx %arg11[%add3A_13, %parallel_loop3A_309] : memref<128x64xf32, #tpu.memory_space<vmem>>[vector<16xi32>, vector<16xi32>], vector<16xf32>,
        %parallel_loop3A_333 = arith.constant 32 : i32
        %parallel_loop3A_334 = vector.broadcast %parallel_loop3A_333 : i32 to vector<16xi32>
        %parallel_loop3A_335 = arith.addi %parallel_loop3A_323, %parallel_loop3A_334 : vector<16xi32>
        tpu.vector_store_idx %arg16[%parallel_loop3A_316, %broadcast_in_dim3A_79, %parallel_loop3A_335], %parallel_loop3A_332 : memref<8x1x1024xf32, #tpu.memory_space<vmem>>[vector<16xi32>, vector<16xi32>, vector<16xi32>], vector<16xf32>,
        %parallel_loop3A_336 = tpu.vector_load_idx %arg11[%add3A_16, %parallel_loop3A_309] : memref<128x64xf32, #tpu.memory_space<vmem>>[vector<16xi32>, vector<16xi32>], vector<16xf32>,
        %parallel_loop3A_337 = arith.constant 48 : i32
        %parallel_loop3A_338 = vector.broadcast %parallel_loop3A_337 : i32 to vector<16xi32>
        %parallel_loop3A_339 = arith.addi %parallel_loop3A_323, %parallel_loop3A_338 : vector<16xi32>
        tpu.vector_store_idx %arg16[%parallel_loop3A_316, %broadcast_in_dim3A_79, %parallel_loop3A_339], %parallel_loop3A_336 : memref<8x1x1024xf32, #tpu.memory_space<vmem>>[vector<16xi32>, vector<16xi32>, vector<16xi32>], vector<16xf32>,
        %parallel_loop3A_340 = tpu.vector_load_idx %arg11[%add3A_19, %parallel_loop3A_309] : memref<128x64xf32, #tpu.memory_space<vmem>>[vector<16xi32>, vector<16xi32>], vector<16xf32>,
        %parallel_loop3A_341 = arith.constant 64 : i32
        %parallel_loop3A_342 = vector.broadcast %parallel_loop3A_341 : i32 to vector<16xi32>
        %parallel_loop3A_343 = arith.addi %parallel_loop3A_323, %parallel_loop3A_342 : vector<16xi32>
        tpu.vector_store_idx %arg16[%parallel_loop3A_316, %broadcast_in_dim3A_79, %parallel_loop3A_343], %parallel_loop3A_340 : memref<8x1x1024xf32, #tpu.memory_space<vmem>>[vector<16xi32>, vector<16xi32>, vector<16xi32>], vector<16xf32>,
        %parallel_loop3A_344 = tpu.vector_load_idx %arg11[%add3A_22, %parallel_loop3A_309] : memref<128x64xf32, #tpu.memory_space<vmem>>[vector<16xi32>, vector<16xi32>], vector<16xf32>,
        %parallel_loop3A_345 = arith.constant 80 : i32
        %parallel_loop3A_346 = vector.broadcast %parallel_loop3A_345 : i32 to vector<16xi32>
        %parallel_loop3A_347 = arith.addi %parallel_loop3A_323, %parallel_loop3A_346 : vector<16xi32>
        tpu.vector_store_idx %arg16[%parallel_loop3A_316, %broadcast_in_dim3A_79, %parallel_loop3A_347], %parallel_loop3A_344 : memref<8x1x1024xf32, #tpu.memory_space<vmem>>[vector<16xi32>, vector<16xi32>, vector<16xi32>], vector<16xf32>,
        %parallel_loop3A_348 = tpu.vector_load_idx %arg11[%add3A_25, %parallel_loop3A_309] : memref<128x64xf32, #tpu.memory_space<vmem>>[vector<16xi32>, vector<16xi32>], vector<16xf32>,
        %parallel_loop3A_349 = arith.constant 96 : i32
        %parallel_loop3A_350 = vector.broadcast %parallel_loop3A_349 : i32 to vector<16xi32>
        %parallel_loop3A_351 = arith.addi %parallel_loop3A_323, %parallel_loop3A_350 : vector<16xi32>
        tpu.vector_store_idx %arg16[%parallel_loop3A_316, %broadcast_in_dim3A_79, %parallel_loop3A_351], %parallel_loop3A_348 : memref<8x1x1024xf32, #tpu.memory_space<vmem>>[vector<16xi32>, vector<16xi32>, vector<16xi32>], vector<16xf32>,
        %parallel_loop3A_352 = tpu.vector_load_idx %arg11[%add3A_28, %parallel_loop3A_309] : memref<128x64xf32, #tpu.memory_space<vmem>>[vector<16xi32>, vector<16xi32>], vector<16xf32>,
        %parallel_loop3A_353 = arith.constant 112 : i32
        %parallel_loop3A_354 = vector.broadcast %parallel_loop3A_353 : i32 to vector<16xi32>
        %parallel_loop3A_355 = arith.addi %parallel_loop3A_323, %parallel_loop3A_354 : vector<16xi32>
        tpu.vector_store_idx %arg16[%parallel_loop3A_316, %broadcast_in_dim3A_79, %parallel_loop3A_355], %parallel_loop3A_352 : memref<8x1x1024xf32, #tpu.memory_space<vmem>>[vector<16xi32>, vector<16xi32>, vector<16xi32>], vector<16xf32>,
      } {sc.loop_unroll_factor = 1 : i64, sc.parallel_access}
      %mul3A_290 = arith.constant 8 : i32
      %mul3A_291 = arith.muli %add3A_266, %mul3A_290 : i32
      %dma_start3A_292 = arith.constant 0 : i32
      %dma_start3A_293 = tpu.memref_slice %arg4[%mul3A_291, %add3A, %dma_start3A_292] : memref<400x32x1024xf32, #tpu.memory_space<hbm>> -> memref<8x1x1024xf32, #tpu.memory_space<hbm>>
      %dma_start3A_294 = arith.constant 0 : i32
      %dma_start3A_295 = tpu.memref_slice %arg4[%mul3A_291, %add3A, %dma_start3A_294] : memref<400x32x1024xf32, #tpu.memory_space<hbm>> -> memref<8x1x1024xf32, #tpu.memory_space<hbm>>
      tpu.enqueue_dma source(%arg16 : memref<8x1x1024xf32, #tpu.memory_space<vmem>>) target(%dma_start3A_295 : memref<8x1x1024xf32, #tpu.memory_space<hbm>>) target_semaphore(%arg26 : memref<!tpu.dma_semaphore, #tpu.memory_space<semaphore_mem>>)
    }
    %scan3A_103 = arith.constant 10 : i32
    %dma_wait3A = arith.constant 0 : i32
    %dma_wait3A_104 = arith.constant 0 : i32
    %dma_wait3A_105 = arith.constant 0 : i32
    %dma_wait3A_106 = tpu.memref_slice %arg4[%dma_wait3A, %dma_wait3A_104, %dma_wait3A_105] : memref<400x32x1024xf32, #tpu.memory_space<hbm>> -> memref<8x1x1024xf32, #tpu.memory_space<hbm>>
    %dma_wait3A_107 = arith.constant 0 : i32
    %dma_wait3A_108 = arith.constant 0 : i32
    %dma_wait3A_109 = arith.constant 0 : i32
    %dma_wait3A_110 = tpu.memref_slice %arg4[%dma_wait3A_107, %dma_wait3A_108, %dma_wait3A_109] : memref<400x32x1024xf32, #tpu.memory_space<hbm>> -> memref<8x1x1024xf32, #tpu.memory_space<hbm>>
    tpu.wait_dma2 semaphore(%arg22 : memref<!tpu.dma_semaphore, #tpu.memory_space<semaphore_mem>>) src(%arg12 : memref<8x1x1024xf32, #tpu.memory_space<vmem>>) dst(%dma_wait3A_110 : memref<8x1x1024xf32, #tpu.memory_space<hbm>>)
    %dma_wait3A_111 = arith.constant 0 : i32
    %dma_wait3A_112 = arith.constant 0 : i32
    %dma_wait3A_113 = arith.constant 0 : i32
    %dma_wait3A_114 = tpu.memref_slice %arg4[%dma_wait3A_111, %dma_wait3A_112, %dma_wait3A_113] : memref<400x32x1024xf32, #tpu.memory_space<hbm>> -> memref<8x1x1024xf32, #tpu.memory_space<hbm>>
    %dma_wait3A_115 = arith.constant 0 : i32
    %dma_wait3A_116 = arith.constant 0 : i32
    %dma_wait3A_117 = arith.constant 0 : i32
    %dma_wait3A_118 = tpu.memref_slice %arg4[%dma_wait3A_115, %dma_wait3A_116, %dma_wait3A_117] : memref<400x32x1024xf32, #tpu.memory_space<hbm>> -> memref<8x1x1024xf32, #tpu.memory_space<hbm>>
    tpu.wait_dma2 semaphore(%arg23 : memref<!tpu.dma_semaphore, #tpu.memory_space<semaphore_mem>>) src(%arg13 : memref<8x1x1024xf32, #tpu.memory_space<vmem>>) dst(%dma_wait3A_118 : memref<8x1x1024xf32, #tpu.memory_space<hbm>>)
    %dma_wait3A_119 = arith.constant 0 : i32
    %dma_wait3A_120 = arith.constant 0 : i32
    %dma_wait3A_121 = arith.constant 0 : i32
    %dma_wait3A_122 = tpu.memref_slice %arg4[%dma_wait3A_119, %dma_wait3A_120, %dma_wait3A_121] : memref<400x32x1024xf32, #tpu.memory_space<hbm>> -> memref<8x1x1024xf32, #tpu.memory_space<hbm>>
    %dma_wait3A_123 = arith.constant 0 : i32
    %dma_wait3A_124 = arith.constant 0 : i32
    %dma_wait3A_125 = arith.constant 0 : i32
    %dma_wait3A_126 = tpu.memref_slice %arg4[%dma_wait3A_123, %dma_wait3A_124, %dma_wait3A_125] : memref<400x32x1024xf32, #tpu.memory_space<hbm>> -> memref<8x1x1024xf32, #tpu.memory_space<hbm>>
    tpu.wait_dma2 semaphore(%arg24 : memref<!tpu.dma_semaphore, #tpu.memory_space<semaphore_mem>>) src(%arg14 : memref<8x1x1024xf32, #tpu.memory_space<vmem>>) dst(%dma_wait3A_126 : memref<8x1x1024xf32, #tpu.memory_space<hbm>>)
    %dma_wait3A_127 = arith.constant 0 : i32
    %dma_wait3A_128 = arith.constant 0 : i32
    %dma_wait3A_129 = arith.constant 0 : i32
    %dma_wait3A_130 = tpu.memref_slice %arg4[%dma_wait3A_127, %dma_wait3A_128, %dma_wait3A_129] : memref<400x32x1024xf32, #tpu.memory_space<hbm>> -> memref<8x1x1024xf32, #tpu.memory_space<hbm>>
    %dma_wait3A_131 = arith.constant 0 : i32
    %dma_wait3A_132 = arith.constant 0 : i32
    %dma_wait3A_133 = arith.constant 0 : i32
    %dma_wait3A_134 = tpu.memref_slice %arg4[%dma_wait3A_131, %dma_wait3A_132, %dma_wait3A_133] : memref<400x32x1024xf32, #tpu.memory_space<hbm>> -> memref<8x1x1024xf32, #tpu.memory_space<hbm>>
    tpu.wait_dma2 semaphore(%arg25 : memref<!tpu.dma_semaphore, #tpu.memory_space<semaphore_mem>>) src(%arg15 : memref<8x1x1024xf32, #tpu.memory_space<vmem>>) dst(%dma_wait3A_134 : memref<8x1x1024xf32, #tpu.memory_space<hbm>>)
    %dma_wait3A_135 = arith.constant 0 : i32
    %dma_wait3A_136 = arith.constant 0 : i32
    %dma_wait3A_137 = arith.constant 0 : i32
    %dma_wait3A_138 = tpu.memref_slice %arg4[%dma_wait3A_135, %dma_wait3A_136, %dma_wait3A_137] : memref<400x32x1024xf32, #tpu.memory_space<hbm>> -> memref<8x1x1024xf32, #tpu.memory_space<hbm>>
    %dma_wait3A_139 = arith.constant 0 : i32
    %dma_wait3A_140 = arith.constant 0 : i32
    %dma_wait3A_141 = arith.constant 0 : i32
    %dma_wait3A_142 = tpu.memref_slice %arg4[%dma_wait3A_139, %dma_wait3A_140, %dma_wait3A_141] : memref<400x32x1024xf32, #tpu.memory_space<hbm>> -> memref<8x1x1024xf32, #tpu.memory_space<hbm>>
    tpu.wait_dma2 semaphore(%arg26 : memref<!tpu.dma_semaphore, #tpu.memory_space<semaphore_mem>>) src(%arg16 : memref<8x1x1024xf32, #tpu.memory_space<vmem>>) dst(%dma_wait3A_142 : memref<8x1x1024xf32, #tpu.memory_space<hbm>>)
    return
  }
}

</mosaic_0001>

<sc_bundles>
// kernel: kernel.3.cloned.1.call-start
scs
__scs_entry_jumppad:
0x0: {  	(pc) =	sbr.rel $0x88, $3  }
0x1: {  	(tag) =	ssettag $0x0;
	lr =	simm.s32 $0x1  }
0x2: {  	[smem:$0x3F9F] =	sst lr;
	_ =	strace $0xD0000000  }
0x3: {  	_ = 	snop  }
0x4: {  	_ = 	snop  }
0x5: {  	_ = 	snop  }
0x6: {  	_ = 	snop  }
0x7: {  	_ = 	snop  }
__scs_overlays_trampoline_lowered:
0x8: {  	[smem:$0x3FAE] =	sst s0  }
0x9: {  	[smem:$0x3FAF] =	sst s1  }
0xa: {  	[smem:$0x3FB0] =	sst s2  }
0xb: {  	[smem:$0x3FB1] =	sst s3  }
0xc: {  	[smem:$0x3FB2] =	sst s4  }
0xd: {  	[smem:$0x3FB3] =	sst s5  }
0xe: {  	[smem:$0x3FB4] =	sst s6  }
0xf: {  	[smem:$0x3FB5] =	sst s7  }
0x10: {  	[smem:$0x3FB6] =	sst s8  }
0x11: {  	[smem:$0x3FB7] =	sst s9;
	s0 =	simm.s32 @!p0 $0x0  }
0x12: {  	s1 =	sld [smem:$0x3F9D];
	s0 =	simm.s32 @p0 $0x1  }
0x13: {  	[smem:$0x3FB8] =	sst s0;
	s0 =	simm.s32 @!p1 $0x0  }
0x14: {  	s2 =	sld [smem:$0x3F9C];
	s0 =	simm.s32 @p1 $0x1  }
0x15: {  	[smem:$0x3FB9] =	sst s0;
	s0 =	simm.s32 @!p2 $0x0  }
0x16: {  	s3 =	sld [smem:$0x3FDB];
	s0 =	simm.s32 @p2 $0x1  }
0x17: {  	s4 =	simm.s32 $0x1BF5;
	[smem:$0x3FBB] =	sst s0  }
0x18: {  	s0 =	sld [smem:$0x3F9E];
	_ =	swait.ge [sflag:s4], $0x0  }
0x19: {  	s7 =	sld [smem:$0x3F9F]  }
0x1a: {  	s8 =	sadd.s32 $0xFFFFE003, lr  }
0x1b: {  	s9 =	sadd.s32 $0xFFFFFEF7, lr;
	s5 =	simm.s32 $0xFFFFFFFF;
	p2 =	slt.u32 s8, $0xFFFFF086  }
0x1c: {  	p1 =	slt.u32 s9, $0xF7A;
	s5 =	simm.s32 @!p2 $0x0  }
0x1d: {  	s5 =	simm.s32 @p1 $0x1;
	p0 =	seq.s32 s7, s2  }
0x1e: {  	s7 =	smul.u32 @!p0 $0xF7A, s2;
	p2 =	seq.s32 @!p0 s5, $0x0  }
0x1f: {  	s9 =	smul.u32 $0xF7A, s1;
	s8 =	simm.s32 @!p0 $0x1BF5;
	p2 =	por !p2, p0  }
0x20: {  	[sflag:s8] =	ssyncset.s32 @!p0 $0xFFFFF086;
	s6 =	sadd.s32 @!p0 s3, s7;
	s7 =	simm.s32 @!p0 $0x108  }
0x21: {  	s3 =	sadd.s32 s3, s9;
	s6 =	sadd.s32 @!p0 $0x88, s6;
	s7 =	simm.s32 @p2 $0x1082  }
0x22: {  	[simem:s7], [sflag:s8] =	dma.local @!p0 [hbm:s6], $0xF7A  }
0x23: {  	s9 =	sor.u32 $0xD0000000, s2;
	s6 =	simm.s32 $0x108;
	_ =	swait.ge @!p0 [sflag:s8], $0x0  }
0x24: {  	s3 =	sadd.s32 $0x88, s3;
	s6 =	simm.s32 @!p1 $0x1082;
	[sflag:s4] =	ssyncset.s32 $0xFFFFF086  }
0x25: {  	[simem:s6], [sflag:s4] =	dma.local [hbm:s3], $0xF7A  }
0x26: {  	[smem:$0x3F9F] =	sst s1;
	(tag) =	ssettag s2;
	_ =	strace s9  }
0x27: {  	s1 =	sld [smem:$0x3FAF]  }
0x28: {  	s2 =	sld [smem:$0x3FB0]  }
0x29: {  	s4 =	sld [smem:$0x3FB2]  }
0x2a: {  	p0 =	seq.s32 s5, $0x0;
	s5 =	sld [smem:$0x3FB3]  }
0x2b: {  	s6 =	sld [smem:$0x3FB4]  }
0x2c: {  	s7 =	sld [smem:$0x3FB5]  }
0x2d: {  	s3 =	simm.s32 $0x108;
	s8 =	sld [smem:$0x3FB6]  }
0x2e: {  	s3 =	simm.s32 @!p0 $0x1082;
	s9 =	sld [smem:$0x3FB7]  }
0x2f: {  	lr =	sadd.s32 s0, s3;
	s0 =	sld [smem:$0x3FAE]  }
0x30: {  	s3 =	sld [smem:$0x3FB1]  }
0x31: {  	[smem:$0x3FBA] =	sst s10  }
0x32: {  	s10 =	sld [smem:$0x3FB8];
	_ =	sdelay $0x3  }
0x33: {  	p0 =	seq.s32 s10, $0x1;
	s10 =	sld [smem:$0x3FBA];
	_ =	sdelay $0x3  }
0x34: {  	[smem:$0x3FBA] =	sst s10  }
0x35: {  	s10 =	sld [smem:$0x3FB9];
	_ =	sdelay $0x3  }
0x36: {  	p1 =	seq.s32 s10, $0x1;
	s10 =	sld [smem:$0x3FBA];
	_ =	sdelay $0x3  }
0x37: {  	[smem:$0x3FBA] =	sst s10  }
0x38: {  	s10 =	sld [smem:$0x3FBB]  }
0x39: {  	_ = 	snop;
	(pc) =	sbr.ind lr, $3  }
0x3a: {  	_ = 	snop  }
0x3b: {  	_ = 	snop  }
0x3c: {  	p2 =	seq.s32 s10, $0x1;
	s10 =	sld [smem:$0x3FBA]  }
0x3d: {  	_ =	shalt  }
0x3e: {  	_ =	shalt  }
0x3f: {  	_ =	shalt  }
0x40: {  	_ =	shalt  }
0x41: {  	_ =	shalt  }
0x42: {  	_ =	shalt  }
0x43: {  	_ =	shalt  }
0x44: {  	_ =	shalt  }
0x45: {  	_ =	shalt  }
0x46: {  	_ =	shalt  }
0x47: {  	_ =	shalt  }
0x48: {  	_ =	shalt  }
0x49: {  	_ =	shalt  }
0x4a: {  	_ =	shalt  }
0x4b: {  	_ =	shalt  }
0x4c: {  	_ =	shalt  }
0x4d: {  	_ =	shalt  }
0x4e: {  	_ =	shalt  }
0x4f: {  	_ =	shalt  }
0x50: {  	_ =	shalt  }
0x51: {  	_ =	shalt  }
0x52: {  	_ =	shalt  }
0x53: {  	_ =	shalt  }
0x54: {  	_ =	shalt  }
0x55: {  	_ =	shalt  }
0x56: {  	_ =	shalt  }
0x57: {  	_ =	shalt  }
0x58: {  	_ =	shalt  }
0x59: {  	_ =	shalt  }
0x5a: {  	_ =	shalt  }
0x5b: {  	_ =	shalt  }
0x5c: {  	_ =	shalt  }
0x5d: {  	_ =	shalt  }
0x5e: {  	_ =	shalt  }
0x5f: {  	_ =	shalt  }
0x60: {  	_ =	shalt  }
0x61: {  	_ =	shalt  }
0x62: {  	_ =	shalt  }
0x63: {  	_ =	shalt  }
0x64: {  	_ =	shalt  }
0x65: {  	_ =	shalt  }
0x66: {  	_ =	shalt  }
0x67: {  	_ =	shalt  }
0x68: {  	_ =	shalt  }
0x69: {  	_ =	shalt  }
0x6a: {  	_ =	shalt  }
0x6b: {  	_ =	shalt  }
0x6c: {  	_ =	shalt  }
0x6d: {  	_ =	shalt  }
0x6e: {  	_ =	shalt  }
0x6f: {  	_ =	shalt  }
0x70: {  	_ =	shalt  }
0x71: {  	_ =	shalt  }
0x72: {  	_ =	shalt  }
0x73: {  	_ =	shalt  }
0x74: {  	_ =	shalt  }
0x75: {  	_ =	shalt  }
0x76: {  	_ =	shalt  }
0x77: {  	_ =	shalt  }
0x78: {  	_ =	shalt  }
0x79: {  	_ =	shalt  }
0x7a: {  	_ =	shalt  }
0x7b: {  	_ =	shalt  }
0x7c: {  	_ =	shalt  }
0x7d: {  	_ =	shalt  }
0x7e: {  	_ =	shalt  }
0x7f: {  	_ =	shalt  }
0x80: {  	_ =	shalt  }
0x81: {  	_ =	shalt  }
0x82: {  	_ =	shalt  }
0x83: {  	_ =	shalt  }
0x84: {  	_ =	shalt  }
0x85: {  	_ =	shalt  }
0x86: {  	_ =	shalt  }
0x87: {  	_ =	shalt  }
.Lfunc_end0:
.L_simem_size_0:
called_computation_lowered:
.L_overlay_start_0:
0x88: {  	s2 =	sld [smem:$0x3FD9]  }
0x89: {  	s3 =	sld [smem:$0x3FFE];
	_ =	sdelay $0x1  }
0x8a: {  	s1 =	srdreg.scid  }
0x8b: {  	s0 =	sand.u32 $0x1, s1  }
0x8c: {  	s17 =	sshll.u32 s0, $0xA;
	s2 =	sadd.s32 s3, s2  }
0x8d: {  	s2 =	sadd.s32 s2, s17  }
0x8e: {  	[smem:$0x3FC6] =	sst s2  }
0x8f: {  	_ = 	snop  }
0x90: {  	s2 =	sld [smem:$0x3FD0];
	(tm) =	ssettm $0x1  }
0x91: {  	s18 =	sld [smem:$0x3FFB];
	_ =	sdelay $0x3  }
0x92: {  	_ =	strace s18  }
0x93: {  	s3 =	sld [smem:$0x3FFC];
	_ =	sdelay $0x3  }
0x94: {  	_ =	strace s3  }
0x95: {  	s3 =	sld [smem:$0x3FFD];
	_ =	sdelay $0x3  }
0x96: {  	_ =	strace s3  }
0x97: {  	_ =	strace $0x8FFFFFFF  }
0x98: {  	s19 =	sld [smem:$0x3FDB];
	_ =	sdelay $0x1  }
0x99: {  	s4 =	simm.s32 $_scs_section_size  }
0x9a: {  	s5 =	simm.s32 $_size__tile_overlayer_lowered;
	s6 =	simm.s32 $_tile_overlayer_lowered  }
0x9b: {  	s22 =	simm.s32 $0x1BFF;
	s21 =	sshll.u32 s6, $0x1;
	s3 =	sadd.s32 s4, s19  }
0x9c: {  	s7 =	simm.s32 $0x0;
	s20 =	sshll.u32 s5, $0x1;
	s5 =	sadd.s32 s21, s3  }
0x9d: {  	[timem:s7], [sflag:s22] =	dma.local [hbm:s5], s20  }
0x9e: {  	_ =	swait.ge [sflag:s22], s20  }
0x9f: {  	s4 =	ssub.s32 $0x0, s20;
	[sflag:s22] =	ssyncset.done $0x0  }
0xa0: {  	[sflag:s22] =	ssyncadd.s32 s4;
	_ =	sdelay $0x1  }
0xa1: {  	s23 =	simm.s32 $0x1B8B  }
0xa2: {  	_ =	swait.ge [sflag:s23], $0x1  }
0xa3: {  	[sflag:s23] =	ssyncset.done $0x0  }
0xa4: {  	s25 =	simm.s32 $0x1B8E;
	s24 =	sld [smem:$0x3FFE];
	[sflag:s23] =	ssyncadd.s32 $0xFFFFFFFF  }
0xa5: {  	s26 =	simm.s32 $execute0_lowered;
	[smem:$0x3FD2] =	sst s25  }
0xa6: {  	s5 =	sshll.u32 s26, $0x1;
	_ =	strace $0x80000046;
	[dreg:$0x1] =	wrdreg $0xFFFFFFFF  }
0xa7: {  	s28 =	simm.s32 $_size_execute0_lowered;
	s3 =	sadd.s32 s3, s5;
	[dreg:$0x0] =	wrdreg $0x0  }
0xa8: {  	s5 =	sshll.u32 s28, $0x1;
	[dreg:$0x2] =	wrdreg s3  }
0xa9: {  	[dreg:$0x3] =	wrdreg s5  }
0xaa: {  	[dreg:$0x4] =	wrdreg $0xC0  }
0xab: {  	_ =	task [dreg:s7], $0x5FFFF  }
0xac: {  	[dreg:$0x1] =	wrdreg $0xFFFFFFFF  }
0xad: {  	[dreg:$0x0] =	wrdreg $0x60  }
0xae: {  	[dreg:$0x2] =	wrdreg s24  }
0xaf: {  	[dreg:$0x3] =	wrdreg s2  }
0xb0: {  	[dreg:$0x4] =	wrdreg $0x9  }
0xb1: {  	_ =	task.clear_ibuf [dreg:s7], $0x5FFFF;
	_ =	strace $0x90000046  }
0xb2: {  	s29 =	simm.s32 $0x9;
	_ =	strace $0x80000048  }
0xb3: {  	_ =	swait.ge [sflag:s29], $0x1  }
0xb4: {  	[sflag:s29] =	ssyncadd.s32 $0xFFFFFFFF  }
0xb5: {  	_ =	strace $0x90000048  }
0xb6: {  	_ =	sfence  }
0xb7: {  	s30 =	sld [smem:$0x0];
	_ =	sdelay $0x2  }
0xb8: {  	s31 =	sshll.u32 s1, $0xD;
	s1 =	sshrl.u32 s1, $0x2  }
0xb9: {  	s3 =	sand.u32 $0x4000, s31;
	s1 =	sadd.s32 s1, s30  }
0xba: {  	s0 =	sor.u32 s3, s0;
	s1 =	sshll.u32 s1, $0x11  }
0xbb: {  	s0 =	sor.u32 s1, s0  }
0xbc: {  	s0 =	sadd.s32 $0x8F2B, s0  }
0xbd: {  	[sflag:s0] =	ssyncadd.remote.s32 $0x1  }
0xbe: {  	_ =	sfence.sel $0xFFFF  }
0xbf: {  	[dreg:$0x0] =	wrdreg $0xFFFFFFFF;
	(pc) =	sbr.abs _section_cstart, $3  }
0xc0: {  	[dreg:$0x1] =	wrdreg $0xFFFFFFFF  }
0xc1: {  	_ =	task.clear_ibuf [dreg:s7], $0x2FFFF;
	_ =	strace $0x9FFFFFFF  }
0xc2: {  	(tm) =	ssettm $0x7FFFFFFF  }
0xc3: {  	_ =	shalt  }
tec
execute0_lowered:
.L_overlay_start_1:
0x0: {  	(tag) =	ssettag $0x1  }
0x1: {  	s0 =	rddreg [dreg:$0x0];
	s1 =	srdreg.scid  }
0x2: {  	s3 =	stileid.u32;
	s2 =	rddreg [dreg:$0x1]  }
0x3: {  	s14 =	simm.s32 $0x3200;
	s16 =	simm.s32 $0x5200;
	s18 =	simm.s32 $0x7200  }
0x4: {  	s20 =	simm.s32 $0x9200;
	s21 =	simm.s32 $0xB200;
	s23 =	simm.s32 $0xD200  }
0x5: {  	s24 =	simm.s32 $0x400;
	s1 =	sand.u32 $0x1, s1;
	s4 =	sshll.u32 s3, $0x1  }
0x6: {  	v0 =	vlaneseq.u32;
	s25 =	simm.s32 $0x8000;
	s5 =	sor.u32 s1, s4;
	s1 =	ssub.s32 $0x2, s1  }
0x7: {  	s3 =	simm.s32 $0x0;
	v1 =	vmul.u32 $0x32, v0;
	v6 =	vmul.u32 $0x40, v0;
	v11 =	vor.u32 $0x10, v0;
	s6 =	smul.u32 $0x320, s5;
	s30 =	sshrl.u32 s1, $0x1  }
0x8: {  	v12 =	vand.u32 $0x7, v0;
	v14 =	vor.u32 $0x20, v0;
	v16 =	vor.u32 $0x30, v0;
	[smem:$0x7FF] =	sst s3;
	s4 =	sadd.s32 $0x6800, s0;
	s1 =	ssub.s32 s1, s30  }
0x9: {  	v18 =	vor.u32 $0x40, v0;
	v20 =	vor.u32 $0x50, v0;
	v22 =	vor.u32 $0x60, v0;
	_ =	strace $0x80000047;
	s0 =	sadd.s32 s6, s0;
	s31 =	smax.u32 s1, $0x1  }
0xa: {  	v24 =	vor.u32 $0x70, v0;
	v2 =	vadd.s32 $0x320, v1;
	v3 =	vadd.s32 $0x640, v1;
	s6 =	sshll.u32 s5, $0xA;
	s0 =	sadd.s32 $0x400, s0;
	[dreg:$0x7] =	wrdreg s31  }
0xb: {  	s29 =	simm.s32 $0xF200;
	v4 =	vadd.s32 $0x960, v1;
	v5 =	vadd.s32 $0xC80, v1;
	v7 =	vadd.s32 $0xFA0, v1;
	s13 =	sor.u32 $0x40000, s6;
	[dreg:$0x3] =	wrdreg s0  }
0xc: {  	s15 =	simm.s32 $0x13200;
	v8 =	vadd.s32 $0x12C0, v1;
	v9 =	vadd.s32 $0x15E0, v1;
	v10 =	vor.u32 $0x400, v6;
	s17 =	sor.u32 $0x80000, s6;
	[dreg:$0x4] =	wrdreg s13  }
0xd: {  	s8 =	simm.s32 $0x0;
	v13 =	vor.u32 $0x800, v6;
	v15 =	vor.u32 $0xC00, v6;
	v17 =	vor.u32 $0x1000, v6;
	s19 =	sor.u32 $0xC0000, s6;
	[dreg:$0x5] =	wrdreg s17  }
0xe: {  	v19 =	vor.u32 $0x1400, v6;
	v21 =	vor.u32 $0x1800, v6;
	v23 =	vor.u32 $0x1C00, v6;
	s1 =	simm.s32 $0x11200;
	s5 =	simm.s32 $0x15200;
	[dreg:$0x6] =	wrdreg s19  }
.LBB2_1:
0xf: {  	[dreg:$0x8] =	wrdreg s8  }
0x10: {  	v25 =	vadd.s32 s3, v1;
	s0 =	rddreg [dreg:$0x3];
	s26 =	simm.s32 $0xB  }
0x11: {  	[tilespmem:s3], [sflag:$0xB] =	stream.linear.gather [hbm4b:s0+s3], $0x1900, $0x38;
	[tilespmem:$0x17200] =	vst v63  }
0x12: {  	_ =	swait.ge [sflag:s26], $0x1900  }
0x13: {  	[sflag:s26] =	ssyncset.done $0x0  }
0x14: {  	[sflag:s26] =	ssyncadd.s32 $0xFFFFE700  }
0x15: {  	v25 =	vld.idx.msk [tilespmem:v25+s3+$0x0], $0xffff  }
0x16: {  	s13 =	simm.s32 $0x1;
	v26 =	vadd.s32 s3, v2  }
0x17: {  	v27 =	vadd.s32 s13, v1;
	_ =	sdelay $0x1  }
0x18: {  	s19 =	simm.s32 $0x1940  }
0x19: {  	[tilespmem:s19+$0xFFFFFFC0] =	vst v25  }
0x1a: {  	v25 =	vld.idx.msk [tilespmem:v26+s3+$0x0], $0xffff  }
0x1b: {  	v26 =	vld.idx.msk [tilespmem:v27+s3+$0x0], $0xffff;
	v27 =	vadd.s32 s3, v3  }
0x1c: {  	s8 =	simm.s32 $0x2;
	v28 =	vadd.s32 s13, v2  }
0x1d: {  	v29 =	vadd.s32 s8, v1;
	_ =	sdelay $0x1  }
0x1e: {  	s11 =	simm.s32 $0x19C0;
	[tilespmem:s19+$0xFFFFFFD0] =	vst v25  }
0x1f: {  	[tilespmem:s11+$0xFFFFFFC0] =	vst v26;
	v25 =	vld.idx.msk [tilespmem:v27+s3+$0x0], $0xffff  }
0x20: {  	v26 =	vld.idx.msk [tilespmem:v28+s3+$0x0], $0xffff;
	v27 =	vadd.s32 s3, v4  }
0x21: {  	v28 =	vld.idx.msk [tilespmem:v29+s3+$0x0], $0xffff;
	v29 =	vadd.s32 s13, v3  }
0x22: {  	s9 =	simm.s32 $0x3;
	v30 =	vadd.s32 s8, v2  }
0x23: {  	v31 =	vadd.s32 s9, v1  }
0x24: {  	s28 =	simm.s32 $0x4;
	[tilespmem:s19+$0xFFFFFFE0] =	vst v25  }
0x25: {  	s7 =	simm.s32 $0x1A40;
	v33 =	vadd.s32 s28, v1;
	[tilespmem:s11+$0xFFFFFFD0] =	vst v26;
	v25 =	vld.idx.msk [tilespmem:v27+s3+$0x0], $0xffff  }
0x26: {  	[tilespmem:s7+$0xFFFFFFC0] =	vst v28;
	v26 =	vld.idx.msk [tilespmem:v29+s3+$0x0], $0xffff;
	v27 =	vadd.s32 s3, v5  }
0x27: {  	v28 =	vld.idx.msk [tilespmem:v30+s3+$0x0], $0xffff;
	v29 =	vadd.s32 s13, v4  }
0x28: {  	v30 =	vld.idx.msk [tilespmem:v31+s3+$0x0], $0xffff;
	v31 =	vadd.s32 s8, v3  }
0x29: {  	v32 =	vadd.s32 s9, v2  }
0x2a: {  	v58 =	vld.idx.msk [tilespmem:v33+s3+$0x0], $0xffff;
	[tilespmem:s19+$0xFFFFFFF0] =	vst v25  }
0x2b: {  	v34 =	vadd.s32 s28, v2;
	[tilespmem:s11+$0xFFFFFFE0] =	vst v26;
	v25 =	vld.idx.msk [tilespmem:v27+s3+$0x0], $0xffff  }
0x2c: {  	s10 =	simm.s32 $0x1AC0;
	[tilespmem:s7+$0xFFFFFFD0] =	vst v28;
	v26 =	vld.idx.msk [tilespmem:v29+s3+$0x0], $0xffff;
	v27 =	vadd.s32 s3, v7  }
0x2d: {  	[tilespmem:s10+$0xFFFFFFC0] =	vst v30;
	v28 =	vld.idx.msk [tilespmem:v31+s3+$0x0], $0xffff;
	v29 =	vadd.s32 s13, v5  }
0x2e: {  	s31 =	simm.s32 $0x1B40;
	v30 =	vld.idx.msk [tilespmem:v32+s3+$0x0], $0xffff;
	v31 =	vadd.s32 s8, v4  }
0x2f: {  	v59 =	vadd.s32 s9, v3;
	[tilespmem:s31+$0xFFFFFFC0] =	vst v58  }
0x30: {  	v61 =	vld.idx.msk [tilespmem:v34+s3+$0x0], $0xffff;
	[tilespmem:s19+$0x0] =	vst v25  }
0x31: {  	s22 =	simm.s32 $0x5;
	[tilespmem:s11+$0xFFFFFFF0] =	vst v26;
	v26 =	vld.idx.msk [tilespmem:v27+s3+$0x0], $0xffff  }
0x32: {  	v25 =	vadd.s32 s22, v1;
	[tilespmem:s7+$0xFFFFFFE0] =	vst v28;
	v27 =	vld.idx.msk [tilespmem:v29+s3+$0x0], $0xffff  }
0x33: {  	v28 =	vadd.s32 s3, v8;
	[tilespmem:s10+$0xFFFFFFD0] =	vst v30;
	v29 =	vld.idx.msk [tilespmem:v31+s3+$0x0], $0xffff  }
0x34: {  	v35 =	vadd.s32 s28, v3;
	v31 =	vld.idx.msk [tilespmem:v59+s3+$0x0], $0xffff  }
0x35: {  	[tilespmem:s31+$0xFFFFFFD0] =	vst v61;
	v30 =	vadd.s32 s13, v7  }
0x36: {  	v60 =	vadd.s32 s8, v5;
	[tilespmem:s19+$0x10] =	vst v26  }
0x37: {  	v62 =	vadd.s32 s9, v4;
	v25 =	vld.idx.msk [tilespmem:v25+s3+$0x0], $0xffff;
	[tilespmem:s11+$0x0] =	vst v27  }
0x38: {  	v26 =	vadd.s32 s22, v2;
	[tilespmem:s7+$0xFFFFFFF0] =	vst v29;
	v27 =	vld.idx.msk [tilespmem:v28+s3+$0x0], $0xffff  }
0x39: {  	s30 =	simm.s32 $0x6;
	[tilespmem:s10+$0xFFFFFFE0] =	vst v31;
	v31 =	vadd.s32 s3, v9;
	v29 =	vld.idx.msk [tilespmem:v35+s3+$0x0], $0xffff  }
0x3a: {  	v28 =	vadd.s32 s30, v1;
	v36 =	vld.idx.msk [tilespmem:v30+s3+$0x0], $0xffff  }
0x3b: {  	v63 =	vadd.s32 s13, v8;
	s26 =	simm.s32 $0x1BC0;
	v37 =	vld.idx.msk [tilespmem:v60+s3+$0x0], $0xffff  }
0x3c: {  	v38 =	vld.idx.msk [tilespmem:v62+s3+$0x0], $0xffff;
	[tilespmem:s26+$0xFFFFFFC0] =	vst v25;
	v25 =	vadd.s32 s8, v7  }
0x3d: {  	v30 =	vld.idx.msk [tilespmem:v26+s3+$0x0], $0xffff;
	v26 =	vadd.s32 s9, v5;
	[tilespmem:s19+$0x20] =	vst v27  }
0x3e: {  	v27 =	vld.idx.msk [tilespmem:v31+s3+$0x0], $0xffff;
	v31 =	vadd.s32 s28, v4  }
0x3f: {  	v33 =	vadd.s32 s22, v3;
	v32 =	vld.idx.msk [tilespmem:v28+s3+$0x0], $0xffff;
	[tilespmem:s11+$0x10] =	vst v36  }
0x40: {  	s0 =	simm.s32 $0x7;
	v34 =	vadd.s32 s30, v2;
	[tilespmem:s7+$0x0] =	vst v37;
	v28 =	vld.idx.msk [tilespmem:v63+s3+$0x0], $0xffff  }
0x41: {  	s17 =	simm.s32 $0x8;
	s12 =	simm.s32 $0x1BC0;
	v35 =	vadd.s32 s0, v1;
	[tilespmem:s10+$0xFFFFFFF0] =	vst v38;
	v25 =	vld.idx.msk [tilespmem:v25+s3+$0x0], $0xffff  }
.LBB2_2:
0x42: {  	p0 =	sne.s32 s17, $0x31;
	[tilespmem:s31+$0xFFFFFFE0] =	vst v29;
	v36 =	vld.idx.msk [tilespmem:v26+s3+$0x0], $0xffff;
	v37 =	vadd.s32 s13, v9;
	s13 =	smov.u32 s8;
	s8 =	smov.u32 s9  }
0x43: {  	s12 =	sadd.s32 $0x80, s12;
	s9 =	smov.u32 s28;
	s28 =	smov.u32 s22;
	[tilespmem:s26+$0xFFFFFFD0] =	vst v30;
	v38 =	vld.idx.msk [tilespmem:v31+s3+$0x0], $0xffff;
	v39 =	vadd.s32 s13, v8  }
0x44: {  	s22 =	smov.u32 s30;
	s30 =	smov.u32 s0;
	s0 =	smov.u32 s17;
	v40 =	vadd.s32 s8, v7;
	[tilespmem:s12+$0xFFFFFFC0] =	vst v32;
	v29 =	vld.idx.msk [tilespmem:v33+s3+$0x0], $0xffff  }
.Ltmp0:
0x45: {  	v26 =	vadd.s32 s9, v5;
	v30 =	vld.idx.msk [tilespmem:v34+s3+$0x0], $0xffff;
	[tilespmem:s19+$0x30] =	vst v27;
	s19 =	smov.u32 s11;
	s11 =	smov.u32 s7;
	(pc) =	sbr.rel @p0 .LBB2_2-.Ltmp0, $4  }
0x46: {  	v31 =	vadd.s32 s28, v4;
	s7 =	smov.u32 s10;
	s10 =	smov.u32 s31;
	s31 =	smov.u32 s26;
	v32 =	vld.idx.msk [tilespmem:v35+s3+$0x0], $0xffff;
	[tilespmem:s19+$0x20] =	vst v28  }
0x47: {  	v33 =	vadd.s32 s22, v3;
	s26 =	smov.u32 s12;
	[tilespmem:s11+$0x10] =	vst v25;
	v27 =	vld.idx.msk [tilespmem:v37+s3+$0x0], $0xffff  }
0x48: {  	v34 =	vadd.s32 s30, v2;
	[tilespmem:s7+$0x0] =	vst v36;
	v28 =	vld.idx.msk [tilespmem:v39+s3+$0x0], $0xffff  }
0x49: {  	s17 =	sadd.s32 $0x1, s17;
	v35 =	vadd.s32 s0, v1;
	[tilespmem:s10+$0xFFFFFFF0] =	vst v38;
	v25 =	vld.idx.msk [tilespmem:v40+s3+$0x0], $0xffff  }
0x4a: {  	_ =	sdelay $0x3  }
0x4b: {  	v35 =	vld.idx.msk [tilespmem:v35+s3+$0x0], $0xffff  }
0x4c: {  	v36 =	vadd.s32 s0, v2;
	_ =	sdelay $0x1  }
0x4d: {  	s17 =	sadd.s32 $0x80, s12  }
0x4e: {  	[tilespmem:s17+$0xFFFFFFC0] =	vst v32;
	s12 =	sadd.s32 $0x80, s17  }
0x4f: {  	v32 =	vld.idx.msk [tilespmem:v34+s3+$0x0], $0xffff;
	[tilespmem:s12+$0xFFFFFFC0] =	vst v35  }
0x50: {  	v62 =	vadd.s32 s30, v3;
	v35 =	vld.idx.msk [tilespmem:v36+s3+$0x0], $0xffff  }
0x51: {  	v63 =	vadd.s32 s0, v3;
	_ =	sdelay $0x1  }
0x52: {  	[tilespmem:s26+$0xFFFFFFD0] =	vst v30  }
0x53: {  	v30 =	vld.idx.msk [tilespmem:v33+s3+$0x0], $0xffff;
	[tilespmem:s17+$0xFFFFFFD0] =	vst v32  }
0x54: {  	v40 =	vadd.s32 s22, v4;
	v41 =	vld.idx.msk [tilespmem:v62+s3+$0x0], $0xffff;
	[tilespmem:s12+$0xFFFFFFD0] =	vst v35  }
0x55: {  	v42 =	vadd.s32 s30, v4;
	v35 =	vld.idx.msk [tilespmem:v63+s3+$0x0], $0xffff  }
0x56: {  	v43 =	vadd.s32 s0, v4  }
0x57: {  	[tilespmem:s31+$0xFFFFFFE0] =	vst v29  }
0x58: {  	v29 =	vld.idx.msk [tilespmem:v31+s3+$0x0], $0xffff;
	[tilespmem:s26+$0xFFFFFFE0] =	vst v30  }
0x59: {  	v44 =	vadd.s32 s28, v5;
	v45 =	vld.idx.msk [tilespmem:v40+s3+$0x0], $0xffff;
	[tilespmem:s17+$0xFFFFFFE0] =	vst v41  }
0x5a: {  	v46 =	vadd.s32 s22, v5;
	v33 =	vld.idx.msk [tilespmem:v42+s3+$0x0], $0xffff;
	[tilespmem:s12+$0xFFFFFFE0] =	vst v35  }
0x5b: {  	[tilespmem:s19+$0x30] =	vst v27;
	v27 =	vadd.s32 s30, v5;
	v47 =	vld.idx.msk [tilespmem:v43+s3+$0x0], $0xffff  }
0x5c: {  	v48 =	vadd.s32 s0, v5;
	[tilespmem:s11+$0x20] =	vst v28  }
0x5d: {  	v26 =	vld.idx.msk [tilespmem:v26+s3+$0x0], $0xffff;
	v49 =	vadd.s32 s13, v9;
	[tilespmem:s31+$0xFFFFFFF0] =	vst v29  }
0x5e: {  	v50 =	vadd.s32 s9, v7;
	v30 =	vld.idx.msk [tilespmem:v44+s3+$0x0], $0xffff;
	[tilespmem:s26+$0xFFFFFFF0] =	vst v45  }
0x5f: {  	v51 =	vadd.s32 s28, v7;
	v32 =	vld.idx.msk [tilespmem:v46+s3+$0x0], $0xffff;
	[tilespmem:s17+$0xFFFFFFF0] =	vst v33  }
0x60: {  	v52 =	vadd.s32 s22, v7;
	v27 =	vld.idx.msk [tilespmem:v27+s3+$0x0], $0xffff;
	[tilespmem:s12+$0xFFFFFFF0] =	vst v47  }
0x61: {  	[tilespmem:s7+$0x10] =	vst v25;
	v25 =	vadd.s32 s30, v7;
	v28 =	vld.idx.msk [tilespmem:v48+s3+$0x0], $0xffff  }
0x62: {  	v53 =	vld.idx.msk [tilespmem:v49+s3+$0x0], $0xffff;
	[tilespmem:s10+$0x0] =	vst v26;
	v26 =	vadd.s32 s0, v7  }
0x63: {  	v54 =	vadd.s32 s8, v8;
	v29 =	vld.idx.msk [tilespmem:v50+s3+$0x0], $0xffff;
	[tilespmem:s31+$0x0] =	vst v30  }
0x64: {  	v55 =	vadd.s32 s9, v8;
	v31 =	vld.idx.msk [tilespmem:v51+s3+$0x0], $0xffff;
	[tilespmem:s26+$0x0] =	vst v32  }
0x65: {  	v56 =	vadd.s32 s28, v8;
	v33 =	vld.idx.msk [tilespmem:v52+s3+$0x0], $0xffff;
	[tilespmem:s17+$0x0] =	vst v27  }
0x66: {  	v27 =	vadd.s32 s22, v8;
	v25 =	vld.idx.msk [tilespmem:v25+s3+$0x0], $0xffff;
	[tilespmem:s12+$0x0] =	vst v28  }
0x67: {  	v57 =	vadd.s32 s30, v8;
	[tilespmem:s11+$0x30] =	vst v53;
	v26 =	vld.idx.msk [tilespmem:v26+s3+$0x0], $0xffff  }
0x68: {  	v59 =	vadd.s32 s0, v8;
	v58 =	vld.idx.msk [tilespmem:v54+s3+$0x0], $0xffff;
	[tilespmem:s10+$0x10] =	vst v29  }
0x69: {  	v60 =	vadd.s32 s8, v9;
	v30 =	vld.idx.msk [tilespmem:v55+s3+$0x0], $0xffff;
	[tilespmem:s31+$0x10] =	vst v31  }
0x6a: {  	v61 =	vadd.s32 s9, v9;
	v32 =	vld.idx.msk [tilespmem:v56+s3+$0x0], $0xffff;
	[tilespmem:s26+$0x10] =	vst v33  }
0x6b: {  	v62 =	vadd.s32 s28, v9;
	v27 =	vld.idx.msk [tilespmem:v27+s3+$0x0], $0xffff;
	[tilespmem:s17+$0x10] =	vst v25  }
0x6c: {  	v25 =	vadd.s32 s22, v9;
	v28 =	vld.idx.msk [tilespmem:v57+s3+$0x0], $0xffff;
	[tilespmem:s12+$0x10] =	vst v26  }
0x6d: {  	[tilespmem:s7+$0x20] =	vst v58;
	v26 =	vadd.s32 s30, v9;
	v29 =	vld.idx.msk [tilespmem:v59+s3+$0x0], $0xffff  }
0x6e: {  	v34 =	vld.idx.msk [tilespmem:v60+s3+$0x0], $0xffff;
	v63 =	vadd.s32 s0, v9;
	[tilespmem:s10+$0x20] =	vst v30  }
0x6f: {  	v31 =	vld.idx.msk [tilespmem:v61+s3+$0x0], $0xffff;
	[tilespmem:s31+$0x20] =	vst v32  }
0x70: {  	v32 =	vld.idx.msk [tilespmem:v62+s3+$0x0], $0xffff;
	[tilespmem:s26+$0x20] =	vst v27  }
0x71: {  	v25 =	vld.idx.msk [tilespmem:v25+s3+$0x0], $0xffff;
	[tilespmem:s17+$0x20] =	vst v28  }
0x72: {  	v26 =	vld.idx.msk [tilespmem:v26+s3+$0x0], $0xffff;
	[tilespmem:s12+$0x20] =	vst v29  }
0x73: {  	[tilespmem:s7+$0x30] =	vst v34;
	v27 =	vld.idx.msk [tilespmem:v63+s3+$0x0], $0xffff  }
0x74: {  	[tilespmem:s10+$0x30] =	vst v31  }
0x75: {  	[tilespmem:s31+$0x30] =	vst v32  }
0x76: {  	[tilespmem:s26+$0x30] =	vst v25  }
0x77: {  	[tilespmem:s17+$0x30] =	vst v26  }
0x78: {  	s13 =	simm.s32 $0x1900;
	s22 =	simm.s32 $0x80;
	[tilespmem:s12+$0x30] =	vst v27  }
0x79: {  	[tilespmem:s14], [sflag:$0x1] =	stream.indirect.gather [hbm4b:s4+s22], $0x40, s13, s22, $0xb8;
	[tilespmem:$0x17200] =	vst v63  }
0x7a: {  	s19 =	simm.s32 $0x1A00;
	s28 =	simm.s32 $0x2;
	s17 =	simm.s32 $0x1980  }
0x7b: {  	[tilespmem:s16], [sflag:$0x2] =	stream.indirect.gather [hbm4b:s4+s22], $0x40, s17, s22, $0xb8;
	[tilespmem:$0x17200] =	vst v63  }
0x7c: {  	s11 =	simm.s32 $0x0;
	s10 =	simm.s32 $0x0;
	s13 =	rddreg [dreg:$0x4]  }
0x7d: {  	[tilespmem:s18], [sflag:$0x3] =	stream.indirect.gather [hbm4b:s4+s22], $0x40, s19, s22, $0xb8;
	[tilespmem:$0x17200] =	vst v63  }
0x7e: {  	s31 =	simm.s32 $0x3;
	s26 =	simm.s32 $0x1A80;
	s17 =	rddreg [dreg:$0x5]  }
0x7f: {  	[tilespmem:s20], [sflag:$0x4] =	stream.indirect.gather [hbm4b:s4+s22], $0x40, s26, s22, $0xb8;
	[tilespmem:$0x17200] =	vst v63  }
0x80: {  	s30 =	simm.s32 $0x7;
	s19 =	rddreg [dreg:$0x6];
	s26 =	simm.s32 $0x1  }
.LBB2_4:
0x81: {  	s0 =	smul.u32 $0x5, s11;
	_ =	sdelay $0x1  }
0x82: {  	s7 =	sadd.s32 $0x4, s0  }
0x83: {  	s0 =	sshll.u32 s7, $0x7  }
0x84: {  	s8 =	sand.u32 $0xF, s10;
	s0 =	sand.u32 $0x3FFFFF80, s0  }
0x85: {  	s9 =	sand.u32 $0x30, s10;
	v25 =	vadd.s32 s8, v0;
	s0 =	sadd.s32 $0x1900, s0  }
0x86: {  	v26 =	vand.u32 $0xF, v25;
	[tilespmem:s21], [sflag:$0x5] =	stream.indirect.gather [hbm4b:s4+s22], $0x40, s0, s22, $0xb8;
	[tilespmem:$0x17200] =	vst v63  }
0x87: {  	v35 =	vor.u32 s9, v26;
	_ =	swait.ge [sflag:s26], $0x2000  }
0x88: {  	p0 =	seq.s32 s11, $0x0;
	s12 =	simm.s32 $0x0;
	v26 =	vshrl.u32 v25, $0x3;
	v27 =	vor.u32 v6, v35;
	[sflag:s26] =	ssyncset.done $0x0  }
0x89: {  	s8 =	simm.s32 @!p0 $0x6;
	v26 =	vand.u32 $0x1, v26;
	s0 =	sand.u32 $0x6, s12;
	[sflag:s26] =	ssyncadd.s32 $0xFFFFE000  }
0x8a: {  	v33 =	vshll.u32 v25, $0x7;
	v25 =	vor.u32 s0, v26;
	_ =	swait.ge @!p0 [sflag:s8], $0x2000  }
0x8b: {  	v26 =	vand.u32 $0x380, v33;
	v25 =	vshll.u32 v25, $0xA;
	[sflag:s8] =	ssyncset.done @!p0 $0x0  }
0x8c: {  	v26 =	vor.u32 v25, v26;
	[sflag:s8] =	ssyncadd.s32 @!p0 $0xFFFFE000  }
0x8d: {  	v26 =	vor.u32 v0, v26;
	v27 =	vld.idx.msk [tilespmem:v27+s14+$0x0], $0xffff  }
0x8e: {  	v28 =	vor.u32 v10, v35;
	_ =	sdelay $0x1  }
0x8f: {  	s9 =	simm.s32 $0x1  }
0x90: {  	v29 =	vor.u32 v11, v33;
	s12 =	sand.u32 $0xF, s9  }
0x91: {  	v30 =	vadd.s32 s12, v0;
	v34 =	vor.u32 v12, v25;
	[tilespmem:v26+s23+$0x0] =	vst.idx.msk $0xffff, v27;
	v26 =	vand.u32 $0x398, v29  }
0x92: {  	s0 =	sand.u32 $0x30, s9;
	v25 =	vand.u32 $0xF, v30;
	v28 =	vld.idx.msk [tilespmem:v28+s14+$0x0], $0xffff;
	v26 =	vor.u32 v26, v34  }
0x93: {  	v27 =	vor.u32 s0, v25;
	v29 =	vor.u32 v13, v35  }
0x94: {  	s8 =	simm.s32 $0x0;
	v25 =	vshrl.u32 v30, $0x3;
	v31 =	vor.u32 v6, v27  }
0x95: {  	s0 =	sand.u32 $0x6, s8;
	v32 =	vand.u32 $0x1, v25  }
0x96: {  	v25 =	vshll.u32 v30, $0x7;
	v30 =	vor.u32 v14, v33;
	v32 =	vor.u32 s0, v32  }
0x97: {  	v36 =	vand.u32 $0x380, v25;
	[tilespmem:v26+s23+$0x0] =	vst.idx.msk $0xffff, v28;
	v26 =	vshll.u32 v32, $0xA;
	v28 =	vand.u32 $0x3A8, v30  }
0x98: {  	v29 =	vld.idx.msk [tilespmem:v29+s14+$0x0], $0xffff;
	v30 =	vor.u32 v26, v36;
	v28 =	vor.u32 v28, v34  }
0x99: {  	v50 =	vor.u32 v15, v35;
	v31 =	vld.idx.msk [tilespmem:v31+s14+$0x0], $0xffff;
	v30 =	vor.u32 v0, v30  }
0x9a: {  	v51 =	vor.u32 v10, v27;
	_ =	sdelay $0x1  }
0x9b: {  	v37 =	vor.u32 v16, v33;
	s9 =	simm.s32 $0x2  }
0x9c: {  	s12 =	sand.u32 $0xF, s9;
	v26 =	vor.u32 v12, v26;
	[tilespmem:v28+s23+$0x0] =	vst.idx.msk $0xffff, v29;
	v28 =	vor.u32 v11, v25;
	v29 =	vand.u32 $0x3B8, v37  }
0x9d: {  	v38 =	vadd.s32 s12, v0;
	[tilespmem:v30+s23+$0x0] =	vst.idx.msk $0xffff, v31;
	v30 =	vld.idx.msk [tilespmem:v50+s14+$0x0], $0xffff;
	v28 =	vand.u32 $0x398, v28;
	v31 =	vor.u32 v29, v34  }
0x9e: {  	v54 =	vor.u32 v17, v35;
	s0 =	sand.u32 $0x30, s9;
	v29 =	vand.u32 $0xF, v38;
	v52 =	vld.idx.msk [tilespmem:v51+s14+$0x0], $0xffff;
	v53 =	vor.u32 v28, v26  }
0x9f: {  	v39 =	vor.u32 v13, v27;
	v29 =	vor.u32 s0, v29  }
0xa0: {  	s8 =	simm.s32 $0x0;
	v28 =	vshll.u32 v38, $0x7;
	v38 =	vshrl.u32 v38, $0x3;
	v40 =	vor.u32 v6, v29  }
0xa1: {  	v42 =	vor.u32 v18, v33;
	v43 =	vor.u32 v14, v25;
	s0 =	sand.u32 $0x6, s8;
	v38 =	vand.u32 $0x1, v38  }
0xa2: {  	v56 =	vand.u32 $0x3A8, v43;
	[tilespmem:v31+s23+$0x0] =	vst.idx.msk $0xffff, v30;
	v30 =	vor.u32 s0, v38;
	v31 =	vand.u32 $0x3C8, v42  }
0xa3: {  	v41 =	vand.u32 $0x380, v28;
	[tilespmem:v53+s23+$0x0] =	vst.idx.msk $0xffff, v52;
	v55 =	vld.idx.msk [tilespmem:v54+s14+$0x0], $0xffff;
	v30 =	vshll.u32 v30, $0xA;
	v31 =	vor.u32 v31, v34  }
0xa4: {  	v59 =	vor.u32 v19, v35;
	v36 =	vor.u32 v56, v26;
	v57 =	vld.idx.msk [tilespmem:v39+s14+$0x0], $0xffff;
	v58 =	vor.u32 v30, v41  }
0xa5: {  	v62 =	vor.u32 v20, v33;
	v60 =	vor.u32 v15, v27;
	s9 =	simm.s32 $0x3;
	v40 =	vld.idx.msk [tilespmem:v40+s14+$0x0], $0xffff;
	v38 =	vor.u32 v0, v58  }
0xa6: {  	v47 =	vor.u32 v22, v33;
	v45 =	vor.u32 v16, v25;
	s12 =	sand.u32 $0xF, s9;
	v61 =	vor.u32 v10, v29  }
0xa7: {  	v46 =	vor.u32 v21, v35;
	v50 =	vadd.s32 s12, v0;
	v51 =	vand.u32 $0x3B8, v45  }
0xa8: {  	v44 =	vor.u32 v11, v28;
	v49 =	vor.u32 v14, v28;
	[tilespmem:v31+s23+$0x0] =	vst.idx.msk $0xffff, v55;
	v31 =	vand.u32 $0x3D8, v62  }
0xa9: {  	v53 =	vor.u32 v51, v26;
	[tilespmem:v36+s23+$0x0] =	vst.idx.msk $0xffff, v57;
	v63 =	vld.idx.msk [tilespmem:v59+s14+$0x0], $0xffff;
	v52 =	vor.u32 v31, v34  }
0xaa: {  	v37 =	vshrl.u32 v50, $0x3;
	v30 =	vor.u32 v12, v30;
	v31 =	vand.u32 $0x398, v44;
	[tilespmem:v38+s23+$0x0] =	vst.idx.msk $0xffff, v40;
	v54 =	vld.idx.msk [tilespmem:v60+s14+$0x0], $0xffff  }
0xab: {  	s0 =	sand.u32 $0x30, s9;
	v55 =	vand.u32 $0xF, v50;
	v57 =	vor.u32 v17, v27;
	v56 =	vor.u32 v31, v30;
	v42 =	vld.idx.msk [tilespmem:v61+s14+$0x0], $0xffff  }
0xac: {  	v39 =	vor.u32 v23, v35;
	v58 =	vor.u32 v13, v29;
	v32 =	vor.u32 s0, v55  }
0xad: {  	s9 =	simm.s32 $0x0;
	v31 =	vshll.u32 v50, $0x7;
	v59 =	vor.u32 v6, v32;
	v50 =	vor.u32 v18, v25  }
0xae: {  	s0 =	sand.u32 $0x6, s9;
	v60 =	vand.u32 $0x1, v37;
	v48 =	vand.u32 $0x380, v31;
	v61 =	vand.u32 $0x3E8, v47;
	[tilespmem:v52+s23+$0x0] =	vst.idx.msk $0xffff, v63  }
0xaf: {  	v36 =	vor.u32 s0, v60;
	v62 =	vand.u32 $0x3C8, v50;
	v37 =	vor.u32 v61, v34;
	[tilespmem:v53+s23+$0x0] =	vst.idx.msk $0xffff, v54;
	v35 =	vld.idx.msk [tilespmem:v46+s14+$0x0], $0xffff  }
0xb0: {  	v38 =	vshll.u32 v36, $0xA;
	v55 =	vor.u32 v62, v26;
	v54 =	vand.u32 $0x3A8, v49;
	[tilespmem:v56+s23+$0x0] =	vst.idx.msk $0xffff, v42;
	v63 =	vld.idx.msk [tilespmem:v57+s14+$0x0], $0xffff  }
0xb1: {  	v56 =	vor.u32 v38, v48;
	v36 =	vor.u32 v54, v30;
	v57 =	vor.u32 v19, v27;
	v44 =	vld.idx.msk [tilespmem:v58+s14+$0x0], $0xffff  }
0xb2: {  	v45 =	vld.idx.msk [tilespmem:v59+s14+$0x0], $0xffff;
	v59 =	vor.u32 v15, v29;
	v58 =	vor.u32 v0, v56  }
0xb3: {  	v51 =	vor.u32 v16, v28;
	v40 =	vor.u32 v10, v32;
	s0 =	simm.s32 $0x4  }
0xb4: {  	v60 =	vor.u32 v20, v25;
	v61 =	vor.u32 v24, v33;
	s12 =	sand.u32 $0xF, s0;
	[tilespmem:v37+s23+$0x0] =	vst.idx.msk $0xffff, v35  }
0xb5: {  	v41 =	vor.u32 v11, v31;
	v62 =	vand.u32 $0x3F8, v61;
	v43 =	vadd.s32 s12, v0;
	[tilespmem:v55+s23+$0x0] =	vst.idx.msk $0xffff, v63;
	v33 =	vld.idx.msk [tilespmem:v39+s14+$0x0], $0xffff  }
0xb6: {  	v34 =	vor.u32 v62, v34;
	v42 =	vand.u32 $0x3B8, v51;
	v63 =	vand.u32 $0x3D8, v60;
	[tilespmem:v36+s23+$0x0] =	vst.idx.msk $0xffff, v44;
	v36 =	vld.idx.msk [tilespmem:v57+s14+$0x0], $0xffff  }
0xb7: {  	s8 =	simm.s32 $0x5;
	v35 =	vor.u32 v21, v27;
	[tilespmem:v58+s23+$0x0] =	vst.idx.msk $0xffff, v45;
	v37 =	vor.u32 v63, v26;
	v39 =	vld.idx.msk [tilespmem:v59+s14+$0x0], $0xffff  }
.LBB2_5:
0xb8: {  	p1 =	sne.s32 s8, $0x3F;
	v40 =	vld.idx.msk [tilespmem:v40+s14+$0x0], $0xffff;
	v41 =	vand.u32 $0x398, v41;
	v42 =	vor.u32 v42, v30;
	v44 =	vmovc v30;
	v30 =	vor.u32 v12, v38  }
0xb9: {  	s9 =	sand.u32 $0x30, s0;
	v38 =	vand.u32 $0xF, v43;
	v45 =	vor.u32 v17, v29;
	v41 =	vor.u32 v41, v30  }
0xba: {  	v46 =	vshll.u32 v43, $0x7;
	v48 =	vor.u32 v13, v32;
	v47 =	vor.u32 s9, v38  }
0xbb: {  	v49 =	vor.u32 v22, v25;
	v38 =	vshrl.u32 v43, $0x3;
	v43 =	vor.u32 v6, v47;
	[tilespmem:v34+s23+$0x0] =	vst.idx.msk $0xffff, v33  }
0xbc: {  	v50 =	vor.u32 v18, v28;
	s9 =	sshrl.u32 s0, $0x3;
	s0 =	smov.u32 s8;
	v33 =	vand.u32 $0x380, v46;
	v34 =	vor.u32 v14, v31;
	[tilespmem:v37+s23+$0x0] =	vst.idx.msk $0xffff, v36  }
0xbd: {  	s9 =	sand.u32 $0x6, s9;
	v36 =	vand.u32 $0x1, v38;
	v37 =	vand.u32 $0x3E8, v49;
	[tilespmem:v42+s23+$0x0] =	vst.idx.msk $0xffff, v39;
	v35 =	vld.idx.msk [tilespmem:v35+s14+$0x0], $0xffff;
	v39 =	vor.u32 v23, v27  }
0xbe: {  	v49 =	vor.u32 s9, v36;
	v37 =	vor.u32 v37, v26;
	[tilespmem:v41+s23+$0x0] =	vst.idx.msk $0xffff, v40;
	v36 =	vld.idx.msk [tilespmem:v45+s14+$0x0], $0xffff;
	v40 =	vand.u32 $0x3C8, v50  }
0xbf: {  	v34 =	vand.u32 $0x3A8, v34;
	v27 =	vmovc v29;
	v29 =	vmovc v32;
	v38 =	vshll.u32 v49, $0xA;
	v42 =	vld.idx.msk [tilespmem:v48+s14+$0x0], $0xffff;
	v45 =	vor.u32 v40, v44  }
0xc0: {  	v34 =	vor.u32 v34, v30;
	v33 =	vor.u32 v38, v33;
	v48 =	vld.idx.msk [tilespmem:v43+s14+$0x0], $0xffff;
	v43 =	vor.u32 v19, v27  }
0xc1: {  	v32 =	vmov v47;
	v50 =	vor.u32 v15, v29;
	v49 =	vor.u32 v0, v33  }
.Ltmp1:
0xc2: {  	v51 =	vor.u32 v24, v25;
	v25 =	vmovc v28;
	v47 =	vor.u32 v20, v28;
	v40 =	vor.u32 v10, v32;
	(pc) =	sbr.rel @p1 .LBB2_5-.Ltmp1, $4  }
0xc3: {  	v52 =	vor.u32 v16, v31;
	v28 =	vmov v31;
	v41 =	vor.u32 v11, v46;
	[tilespmem:v37+s23+$0x0] =	vst.idx.msk $0xffff, v35  }
0xc4: {  	v31 =	vmov v46;
	v35 =	vor.u32 v21, v27;
	v37 =	vand.u32 $0x3F8, v51;
	[tilespmem:v45+s23+$0x0] =	vst.idx.msk $0xffff, v36;
	v33 =	vld.idx.msk [tilespmem:v39+s14+$0x0], $0xffff  }
0xc5: {  	s9 =	sand.u32 $0xF, s8;
	v45 =	vand.u32 $0x3D8, v47;
	[tilespmem:v34+s23+$0x0] =	vst.idx.msk $0xffff, v42;
	v36 =	vld.idx.msk [tilespmem:v43+s14+$0x0], $0xffff;
	v34 =	vor.u32 v37, v26;
	v26 =	vmov v44  }
0xc6: {  	s8 =	sadd.s32 $0x1, s8;
	v43 =	vadd.s32 s9, v0;
	v42 =	vand.u32 $0x3B8, v52;
	[tilespmem:v49+s23+$0x0] =	vst.idx.msk $0xffff, v48;
	v39 =	vld.idx.msk [tilespmem:v50+s14+$0x0], $0xffff;
	v37 =	vor.u32 v45, v26  }
0xc7: {  	s8 =	sand.u32 $0x30, s0;
	v44 =	vand.u32 $0xF, v43  }
0xc8: {  	v44 =	vor.u32 s8, v44  }
0xc9: {  	v45 =	vshrl.u32 v43, $0x3;
	s9 =	sshrl.u32 s0, $0x3;
	v46 =	vor.u32 v6, v44  }
0xca: {  	v45 =	vand.u32 $0x1, v45;
	s0 =	sand.u32 $0x6, s9  }
0xcb: {  	v43 =	vshll.u32 v43, $0x7;
	v45 =	vor.u32 s0, v45  }
0xcc: {  	v47 =	vand.u32 $0x380, v43;
	v45 =	vshll.u32 v45, $0xA  }
0xcd: {  	v47 =	vor.u32 v45, v47  }
0xce: {  	v47 =	vor.u32 v0, v47;
	v46 =	vld.idx.msk [tilespmem:v46+s14+$0x0], $0xffff  }
0xcf: {  	v48 =	vor.u32 v10, v44;
	_ =	sdelay $0x2  }
0xd0: {  	v40 =	vld.idx.msk [tilespmem:v40+s14+$0x0], $0xffff;
	v41 =	vand.u32 $0x398, v41;
	v38 =	vor.u32 v12, v38;
	v49 =	vor.u32 v11, v43  }
0xd1: {  	v41 =	vor.u32 v41, v38;
	v52 =	vand.u32 $0x398, v49;
	v45 =	vor.u32 v12, v45;
	[tilespmem:v47+s23+$0x0] =	vst.idx.msk $0xffff, v46  }
0xd2: {  	v53 =	vor.u32 v13, v32;
	v46 =	vor.u32 v52, v45;
	v48 =	vld.idx.msk [tilespmem:v48+s14+$0x0], $0xffff  }
0xd3: {  	v54 =	vor.u32 v13, v44;
	_ =	sdelay $0x1  }
0xd4: {  	v50 =	vor.u32 v14, v31  }
0xd5: {  	v55 =	vand.u32 $0x3A8, v50;
	v56 =	vor.u32 v14, v43;
	[tilespmem:v41+s23+$0x0] =	vst.idx.msk $0xffff, v40  }
0xd6: {  	v40 =	vor.u32 v55, v38;
	v41 =	vand.u32 $0x3A8, v56;
	v47 =	vld.idx.msk [tilespmem:v53+s14+$0x0], $0xffff;
	[tilespmem:v46+s23+$0x0] =	vst.idx.msk $0xffff, v48  }
0xd7: {  	v57 =	vor.u32 v15, v32;
	v41 =	vor.u32 v41, v45;
	v48 =	vld.idx.msk [tilespmem:v54+s14+$0x0], $0xffff  }
0xd8: {  	v58 =	vor.u32 v15, v44;
	_ =	sdelay $0x1  }
0xd9: {  	v42 =	vor.u32 v42, v30;
	v59 =	vor.u32 v16, v31  }
0xda: {  	v51 =	vor.u32 v17, v29;
	v60 =	vand.u32 $0x3B8, v59;
	v61 =	vor.u32 v16, v43;
	[tilespmem:v40+s23+$0x0] =	vst.idx.msk $0xffff, v47  }
0xdb: {  	v62 =	vand.u32 $0x3B8, v61;
	v40 =	vor.u32 v60, v38;
	v46 =	vld.idx.msk [tilespmem:v57+s14+$0x0], $0xffff;
	[tilespmem:v41+s23+$0x0] =	vst.idx.msk $0xffff, v48  }
0xdc: {  	v63 =	vor.u32 v17, v32;
	v41 =	vor.u32 v62, v45;
	v48 =	vld.idx.msk [tilespmem:v58+s14+$0x0], $0xffff  }
0xdd: {  	v55 =	vor.u32 v17, v44  }
0xde: {  	v54 =	vor.u32 v18, v28  }
0xdf: {  	[tilespmem:v42+s23+$0x0] =	vst.idx.msk $0xffff, v39;
	v60 =	vor.u32 v18, v43;
	v57 =	vor.u32 v18, v31;
	v56 =	vand.u32 $0x3C8, v54  }
0xe0: {  	v42 =	vld.idx.msk [tilespmem:v51+s14+$0x0], $0xffff;
	v61 =	vand.u32 $0x3C8, v60;
	v59 =	vand.u32 $0x3C8, v57;
	v39 =	vor.u32 v56, v30;
	[tilespmem:v40+s23+$0x0] =	vst.idx.msk $0xffff, v46  }
0xe1: {  	v40 =	vor.u32 v59, v38;
	v47 =	vld.idx.msk [tilespmem:v63+s14+$0x0], $0xffff;
	v58 =	vor.u32 v19, v29;
	[tilespmem:v41+s23+$0x0] =	vst.idx.msk $0xffff, v48  }
0xe2: {  	v62 =	vor.u32 v19, v32;
	v41 =	vor.u32 v61, v45;
	v48 =	vld.idx.msk [tilespmem:v55+s14+$0x0], $0xffff  }
0xe3: {  	v52 =	vor.u32 v19, v44  }
0xe4: {  	v27 =	vor.u32 v23, v27;
	v54 =	vor.u32 v20, v31;
	v63 =	vor.u32 v20, v28  }
0xe5: {  	v57 =	vor.u32 v20, v43;
	v56 =	vand.u32 $0x3D8, v54;
	v53 =	vand.u32 $0x3D8, v63;
	[tilespmem:v39+s23+$0x0] =	vst.idx.msk $0xffff, v42  }
0xe6: {  	v39 =	vor.u32 v53, v30;
	[tilespmem:v40+s23+$0x0] =	vst.idx.msk $0xffff, v47;
	v47 =	vor.u32 v56, v38;
	v42 =	vld.idx.msk [tilespmem:v58+s14+$0x0], $0xffff  }
0xe7: {  	v46 =	vld.idx.msk [tilespmem:v62+s14+$0x0], $0xffff;
	v58 =	vand.u32 $0x3D8, v57;
	v55 =	vor.u32 v21, v29;
	[tilespmem:v41+s23+$0x0] =	vst.idx.msk $0xffff, v48  }
0xe8: {  	[tilespmem:v37+s23+$0x0] =	vst.idx.msk $0xffff, v36;
	v60 =	vor.u32 v21, v32;
	v41 =	vor.u32 v58, v45;
	v50 =	vld.idx.msk [tilespmem:v52+s14+$0x0], $0xffff  }
0xe9: {  	v54 =	vor.u32 v22, v43;
	v59 =	vor.u32 v22, v25;
	v63 =	vor.u32 v21, v44  }
0xea: {  	v35 =	vld.idx.msk [tilespmem:v35+s14+$0x0], $0xffff;
	v53 =	vor.u32 v23, v29;
	v61 =	vand.u32 $0x3E8, v59;
	v62 =	vor.u32 v22, v28  }
0xeb: {  	v36 =	vor.u32 v61, v26;
	v37 =	vand.u32 $0x3E8, v62;
	[tilespmem:v39+s23+$0x0] =	vst.idx.msk $0xffff, v42;
	v52 =	vor.u32 v22, v31  }
0xec: {  	v37 =	vor.u32 v37, v30;
	[tilespmem:v47+s23+$0x0] =	vst.idx.msk $0xffff, v46;
	v39 =	vld.idx.msk [tilespmem:v55+s14+$0x0], $0xffff;
	v40 =	vand.u32 $0x3E8, v52  }
0xed: {  	v46 =	vld.idx.msk [tilespmem:v60+s14+$0x0], $0xffff;
	v55 =	vand.u32 $0x3E8, v54;
	v40 =	vor.u32 v40, v38;
	[tilespmem:v41+s23+$0x0] =	vst.idx.msk $0xffff, v50  }
0xee: {  	v25 =	vor.u32 v24, v25;
	v56 =	vor.u32 v23, v32;
	v41 =	vor.u32 v55, v45;
	v57 =	vld.idx.msk [tilespmem:v63+s14+$0x0], $0xffff  }
0xef: {  	v25 =	vand.u32 $0x3F8, v25;
	v59 =	vor.u32 v24, v28;
	v58 =	vor.u32 v23, v44  }
0xf0: {  	v25 =	vor.u32 v25, v26;
	v28 =	vand.u32 $0x3F8, v59;
	[tilespmem:v36+s23+$0x0] =	vst.idx.msk $0xffff, v35  }
0xf1: {  	v61 =	vor.u32 v24, v43;
	v60 =	vor.u32 v24, v31;
	v27 =	vld.idx.msk [tilespmem:v27+s14+$0x0], $0xffff;
	[tilespmem:v37+s23+$0x0] =	vst.idx.msk $0xffff, v39  }
0xf2: {  	v28 =	vor.u32 v28, v30;
	v29 =	vand.u32 $0x3F8, v60;
	v26 =	vld.idx.msk [tilespmem:v53+s14+$0x0], $0xffff;
	[tilespmem:v40+s23+$0x0] =	vst.idx.msk $0xffff, v46  }
0xf3: {  	v30 =	vand.u32 $0x3F8, v61;
	v29 =	vor.u32 v29, v38;
	v62 =	vld.idx.msk [tilespmem:v56+s14+$0x0], $0xffff;
	[tilespmem:v41+s23+$0x0] =	vst.idx.msk $0xffff, v57  }
0xf4: {  	v30 =	vor.u32 v30, v45;
	v63 =	vld.idx.msk [tilespmem:v58+s14+$0x0], $0xffff  }
0xf5: {  	p1 =	sne.s32 s11, $0x9;
	s8 =	smul.u32 $0x140000, s11;
	[tilespmem:v34+s23+$0x0] =	vst.idx.msk $0xffff, v33  }
.Ltmp2:
0xf6: {  	[tilespmem:v25+s23+$0x0] =	vst.idx.msk $0xffff, v27;
	(pc) =	sbr.rel @p1 .LBB2_8-.Ltmp2, $4  }
0xf7: {  	s12 =	sor.u32 s6, s8;
	[tilespmem:v28+s23+$0x0] =	vst.idx.msk $0xffff, v26  }
0xf8: {  	s0 =	sshrl.u32 s12, $0x3;
	[tilespmem:v29+s23+$0x0] =	vst.idx.msk $0xffff, v62  }
0xf9: {  	s0 =	sadd.s32 s2, s0;
	[tilespmem:v30+s23+$0x0] =	vst.idx.msk $0xffff, v63  }
0xfa: {  	[hbm4b:s0+s24] =	stream.strided.scatter [tilespmem:s23], [sflag:$0x6], $0x2000, s25, s24, $0x38;
	[tilespmem:$0x17200] =	vst v63  }
.Ltmp3:
0xfb: {  	(pc) =	sbr.rel .LBB2_9-.Ltmp3, $4  }
0xfc: {  	_ = 	snop  }
0xfd: {  	_ =	swait.ge [sflag:s28], $0x2000  }
0xfe: {  	[sflag:s28] =	ssyncset.done $0x0  }
0xff: {  	[sflag:s28] =	ssyncadd.s32 $0xFFFFE000  }
.LBB2_8:
0x100: {  	s0 =	smul.u32 $0xA00, s11;
	_ =	sdelay $0x1  }
0x101: {  	s0 =	sshra.s32 s0, $0x2  }
.Ltmp4:
0x102: {  	s0 =	sadd.s32 $0x1B80, s0;
	(pc) =	sbr.rel @p0 .LBB2_10-.Ltmp4, $4  }
0x103: {  	[tilespmem:s14], [sflag:$0x1] =	stream.indirect.gather [hbm4b:s4+s22], $0x40, s0, s22, $0xb8;
	[tilespmem:$0x17200] =	vst v63  }
0x104: {  	_ =	swait.ge [sflag:s28], $0x2000  }
0x105: {  	[sflag:s28] =	ssyncset.done $0x0  }
0x106: {  	[sflag:s28] =	ssyncadd.s32 $0xFFFFE000  }
.LBB2_9:
0x107: {  	_ =	swait.ge [sflag:s30], $0x2000  }
0x108: {  	[sflag:s30] =	ssyncset.done $0x0  }
0x109: {  	[sflag:s30] =	ssyncadd.s32 $0xFFFFE000  }
.LBB2_10:
0x10a: {  	s0 =	simm.s32 $0x0  }
0x10b: {  	s9 =	sand.u32 $0xF, s0  }
0x10c: {  	v25 =	vadd.s32 s9, v0  }
0x10d: {  	s0 =	sand.u32 $0x30, s0;
	v26 =	vand.u32 $0xF, v25  }
0x10e: {  	v35 =	vor.u32 s0, v26  }
0x10f: {  	s9 =	simm.s32 $0x0;
	v26 =	vshrl.u32 v25, $0x3;
	v27 =	vor.u32 v6, v35  }
0x110: {  	s0 =	sand.u32 $0x6, s9;
	v26 =	vand.u32 $0x1, v26  }
0x111: {  	v33 =	vshll.u32 v25, $0x7;
	v25 =	vor.u32 s0, v26  }
0x112: {  	v26 =	vand.u32 $0x380, v33;
	v25 =	vshll.u32 v25, $0xA  }
0x113: {  	v26 =	vor.u32 v25, v26  }
0x114: {  	v26 =	vor.u32 v0, v26;
	v27 =	vld.idx.msk [tilespmem:v27+s16+$0x0], $0xffff  }
0x115: {  	v28 =	vor.u32 v10, v35;
	_ =	sdelay $0x1  }
0x116: {  	s0 =	simm.s32 $0x1  }
0x117: {  	v29 =	vor.u32 v11, v33;
	s12 =	sand.u32 $0xF, s0  }
0x118: {  	v30 =	vadd.s32 s12, v0;
	v34 =	vor.u32 v12, v25;
	[tilespmem:v26+s29+$0x0] =	vst.idx.msk $0xffff, v27;
	v26 =	vand.u32 $0x398, v29  }
0x119: {  	s0 =	sand.u32 $0x30, s0;
	v25 =	vand.u32 $0xF, v30;
	v28 =	vld.idx.msk [tilespmem:v28+s16+$0x0], $0xffff;
	v26 =	vor.u32 v26, v34  }
0x11a: {  	v27 =	vor.u32 s0, v25;
	v29 =	vor.u32 v13, v35  }
0x11b: {  	s9 =	simm.s32 $0x0;
	v25 =	vshrl.u32 v30, $0x3;
	v31 =	vor.u32 v6, v27  }
0x11c: {  	s0 =	sand.u32 $0x6, s9;
	v32 =	vand.u32 $0x1, v25  }
0x11d: {  	v25 =	vshll.u32 v30, $0x7;
	v30 =	vor.u32 v14, v33;
	v32 =	vor.u32 s0, v32  }
0x11e: {  	v36 =	vand.u32 $0x380, v25;
	[tilespmem:v26+s29+$0x0] =	vst.idx.msk $0xffff, v28;
	v26 =	vshll.u32 v32, $0xA;
	v28 =	vand.u32 $0x3A8, v30  }
0x11f: {  	v29 =	vld.idx.msk [tilespmem:v29+s16+$0x0], $0xffff;
	v30 =	vor.u32 v26, v36;
	v28 =	vor.u32 v28, v34  }
0x120: {  	v50 =	vor.u32 v15, v35;
	v31 =	vld.idx.msk [tilespmem:v31+s16+$0x0], $0xffff;
	v30 =	vor.u32 v0, v30  }
0x121: {  	v51 =	vor.u32 v10, v27;
	_ =	sdelay $0x1  }
0x122: {  	v37 =	vor.u32 v16, v33;
	s0 =	simm.s32 $0x2  }
0x123: {  	s12 =	sand.u32 $0xF, s0;
	v26 =	vor.u32 v12, v26;
	[tilespmem:v28+s29+$0x0] =	vst.idx.msk $0xffff, v29;
	v28 =	vor.u32 v11, v25;
	v29 =	vand.u32 $0x3B8, v37  }
0x124: {  	v38 =	vadd.s32 s12, v0;
	[tilespmem:v30+s29+$0x0] =	vst.idx.msk $0xffff, v31;
	v30 =	vld.idx.msk [tilespmem:v50+s16+$0x0], $0xffff;
	v28 =	vand.u32 $0x398, v28;
	v31 =	vor.u32 v29, v34  }
0x125: {  	v54 =	vor.u32 v17, v35;
	s0 =	sand.u32 $0x30, s0;
	v29 =	vand.u32 $0xF, v38;
	v52 =	vld.idx.msk [tilespmem:v51+s16+$0x0], $0xffff;
	v53 =	vor.u32 v28, v26  }
0x126: {  	v39 =	vor.u32 v13, v27;
	v29 =	vor.u32 s0, v29  }
0x127: {  	s9 =	simm.s32 $0x0;
	v28 =	vshll.u32 v38, $0x7;
	v38 =	vshrl.u32 v38, $0x3;
	v40 =	vor.u32 v6, v29  }
0x128: {  	v42 =	vor.u32 v18, v33;
	v43 =	vor.u32 v14, v25;
	s0 =	sand.u32 $0x6, s9;
	v38 =	vand.u32 $0x1, v38  }
0x129: {  	v56 =	vand.u32 $0x3A8, v43;
	[tilespmem:v31+s29+$0x0] =	vst.idx.msk $0xffff, v30;
	v30 =	vor.u32 s0, v38;
	v31 =	vand.u32 $0x3C8, v42  }
0x12a: {  	v41 =	vand.u32 $0x380, v28;
	[tilespmem:v53+s29+$0x0] =	vst.idx.msk $0xffff, v52;
	v55 =	vld.idx.msk [tilespmem:v54+s16+$0x0], $0xffff;
	v30 =	vshll.u32 v30, $0xA;
	v31 =	vor.u32 v31, v34  }
0x12b: {  	v59 =	vor.u32 v19, v35;
	v36 =	vor.u32 v56, v26;
	v57 =	vld.idx.msk [tilespmem:v39+s16+$0x0], $0xffff;
	v58 =	vor.u32 v30, v41  }
0x12c: {  	v62 =	vor.u32 v20, v33;
	v60 =	vor.u32 v15, v27;
	v40 =	vld.idx.msk [tilespmem:v40+s16+$0x0], $0xffff;
	v38 =	vor.u32 v0, v58  }
0x12d: {  	v47 =	vor.u32 v22, v33;
	v45 =	vor.u32 v16, v25;
	v61 =	vor.u32 v10, v29  }
0x12e: {  	v46 =	vor.u32 v21, v35;
	v51 =	vand.u32 $0x3B8, v45;
	v44 =	vor.u32 v11, v28  }
0x12f: {  	v49 =	vor.u32 v14, v28;
	s0 =	simm.s32 $0x3;
	v53 =	vor.u32 v51, v26;
	[tilespmem:v31+s29+$0x0] =	vst.idx.msk $0xffff, v55;
	v31 =	vand.u32 $0x3D8, v62  }
0x130: {  	s12 =	sand.u32 $0xF, s0;
	v30 =	vor.u32 v12, v30;
	[tilespmem:v36+s29+$0x0] =	vst.idx.msk $0xffff, v57;
	v63 =	vld.idx.msk [tilespmem:v59+s16+$0x0], $0xffff;
	v52 =	vor.u32 v31, v34  }
0x131: {  	v50 =	vadd.s32 s12, v0;
	v39 =	vor.u32 v23, v35;
	v31 =	vand.u32 $0x398, v44;
	[tilespmem:v38+s29+$0x0] =	vst.idx.msk $0xffff, v40;
	v54 =	vld.idx.msk [tilespmem:v60+s16+$0x0], $0xffff  }
0x132: {  	s0 =	sand.u32 $0x30, s0;
	v55 =	vand.u32 $0xF, v50;
	v57 =	vor.u32 v17, v27;
	v56 =	vor.u32 v31, v30;
	v42 =	vld.idx.msk [tilespmem:v61+s16+$0x0], $0xffff  }
0x133: {  	v58 =	vor.u32 v13, v29;
	v37 =	vshrl.u32 v50, $0x3;
	v32 =	vor.u32 s0, v55  }
0x134: {  	s9 =	simm.s32 $0x0;
	v31 =	vshll.u32 v50, $0x7;
	v59 =	vor.u32 v6, v32;
	v50 =	vor.u32 v18, v25  }
0x135: {  	s0 =	sand.u32 $0x6, s9;
	v60 =	vand.u32 $0x1, v37;
	v48 =	vand.u32 $0x380, v31;
	v61 =	vand.u32 $0x3E8, v47;
	[tilespmem:v52+s29+$0x0] =	vst.idx.msk $0xffff, v63  }
0x136: {  	v36 =	vor.u32 s0, v60;
	v62 =	vand.u32 $0x3C8, v50;
	v37 =	vor.u32 v61, v34;
	[tilespmem:v53+s29+$0x0] =	vst.idx.msk $0xffff, v54;
	v35 =	vld.idx.msk [tilespmem:v46+s16+$0x0], $0xffff  }
0x137: {  	v38 =	vshll.u32 v36, $0xA;
	v55 =	vor.u32 v62, v26;
	v54 =	vand.u32 $0x3A8, v49;
	[tilespmem:v56+s29+$0x0] =	vst.idx.msk $0xffff, v42;
	v63 =	vld.idx.msk [tilespmem:v57+s16+$0x0], $0xffff  }
0x138: {  	v56 =	vor.u32 v38, v48;
	v36 =	vor.u32 v54, v30;
	v57 =	vor.u32 v19, v27;
	v44 =	vld.idx.msk [tilespmem:v58+s16+$0x0], $0xffff  }
0x139: {  	v45 =	vld.idx.msk [tilespmem:v59+s16+$0x0], $0xffff;
	v59 =	vor.u32 v15, v29;
	v58 =	vor.u32 v0, v56  }
0x13a: {  	v51 =	vor.u32 v16, v28;
	v40 =	vor.u32 v10, v32;
	s0 =	simm.s32 $0x4  }
0x13b: {  	v60 =	vor.u32 v20, v25;
	v61 =	vor.u32 v24, v33;
	s12 =	sand.u32 $0xF, s0;
	[tilespmem:v37+s29+$0x0] =	vst.idx.msk $0xffff, v35  }
0x13c: {  	v41 =	vor.u32 v11, v31;
	v62 =	vand.u32 $0x3F8, v61;
	v43 =	vadd.s32 s12, v0;
	[tilespmem:v55+s29+$0x0] =	vst.idx.msk $0xffff, v63;
	v33 =	vld.idx.msk [tilespmem:v39+s16+$0x0], $0xffff  }
0x13d: {  	v34 =	vor.u32 v62, v34;
	v42 =	vand.u32 $0x3B8, v51;
	v63 =	vand.u32 $0x3D8, v60;
	[tilespmem:v36+s29+$0x0] =	vst.idx.msk $0xffff, v44;
	v36 =	vld.idx.msk [tilespmem:v57+s16+$0x0], $0xffff  }
0x13e: {  	s9 =	simm.s32 $0x5;
	v35 =	vor.u32 v21, v27;
	[tilespmem:v58+s29+$0x0] =	vst.idx.msk $0xffff, v45;
	v37 =	vor.u32 v63, v26;
	v39 =	vld.idx.msk [tilespmem:v59+s16+$0x0], $0xffff  }
.LBB2_11:
0x13f: {  	p2 =	sne.s32 s9, $0x3F;
	v40 =	vld.idx.msk [tilespmem:v40+s16+$0x0], $0xffff;
	v41 =	vand.u32 $0x398, v41;
	v42 =	vor.u32 v42, v30;
	v44 =	vmovc v30;
	v30 =	vor.u32 v12, v38  }
0x140: {  	s12 =	sand.u32 $0x30, s0;
	v38 =	vand.u32 $0xF, v43;
	v45 =	vor.u32 v17, v29;
	v41 =	vor.u32 v41, v30  }
0x141: {  	v46 =	vshll.u32 v43, $0x7;
	v48 =	vor.u32 v13, v32;
	v47 =	vor.u32 s12, v38  }
0x142: {  	v49 =	vor.u32 v22, v25;
	v38 =	vshrl.u32 v43, $0x3;
	v43 =	vor.u32 v6, v47;
	[tilespmem:v34+s29+$0x0] =	vst.idx.msk $0xffff, v33  }
0x143: {  	v50 =	vor.u32 v18, v28;
	s12 =	sshrl.u32 s0, $0x3;
	s0 =	smov.u32 s9;
	v33 =	vand.u32 $0x380, v46;
	v34 =	vor.u32 v14, v31;
	[tilespmem:v37+s29+$0x0] =	vst.idx.msk $0xffff, v36  }
0x144: {  	s12 =	sand.u32 $0x6, s12;
	v36 =	vand.u32 $0x1, v38;
	v37 =	vand.u32 $0x3E8, v49;
	[tilespmem:v42+s29+$0x0] =	vst.idx.msk $0xffff, v39;
	v35 =	vld.idx.msk [tilespmem:v35+s16+$0x0], $0xffff;
	v39 =	vor.u32 v23, v27  }
0x145: {  	v49 =	vor.u32 s12, v36;
	v37 =	vor.u32 v37, v26;
	[tilespmem:v41+s29+$0x0] =	vst.idx.msk $0xffff, v40;
	v36 =	vld.idx.msk [tilespmem:v45+s16+$0x0], $0xffff;
	v40 =	vand.u32 $0x3C8, v50  }
0x146: {  	v34 =	vand.u32 $0x3A8, v34;
	v27 =	vmovc v29;
	v29 =	vmovc v32;
	v38 =	vshll.u32 v49, $0xA;
	v42 =	vld.idx.msk [tilespmem:v48+s16+$0x0], $0xffff;
	v45 =	vor.u32 v40, v44  }
0x147: {  	v34 =	vor.u32 v34, v30;
	v33 =	vor.u32 v38, v33;
	v48 =	vld.idx.msk [tilespmem:v43+s16+$0x0], $0xffff;
	v43 =	vor.u32 v19, v27  }
0x148: {  	v32 =	vmov v47;
	v50 =	vor.u32 v15, v29;
	v49 =	vor.u32 v0, v33  }
.Ltmp5:
0x149: {  	v51 =	vor.u32 v24, v25;
	v25 =	vmovc v28;
	v47 =	vor.u32 v20, v28;
	v40 =	vor.u32 v10, v32;
	(pc) =	sbr.rel @p2 .LBB2_11-.Ltmp5, $4  }
0x14a: {  	v52 =	vor.u32 v16, v31;
	v28 =	vmov v31;
	v41 =	vor.u32 v11, v46;
	[tilespmem:v37+s29+$0x0] =	vst.idx.msk $0xffff, v35  }
0x14b: {  	v31 =	vmov v46;
	v35 =	vor.u32 v21, v27;
	v37 =	vand.u32 $0x3F8, v51;
	[tilespmem:v45+s29+$0x0] =	vst.idx.msk $0xffff, v36;
	v33 =	vld.idx.msk [tilespmem:v39+s16+$0x0], $0xffff  }
0x14c: {  	s12 =	sand.u32 $0xF, s9;
	v45 =	vand.u32 $0x3D8, v47;
	[tilespmem:v34+s29+$0x0] =	vst.idx.msk $0xffff, v42;
	v36 =	vld.idx.msk [tilespmem:v43+s16+$0x0], $0xffff;
	v34 =	vor.u32 v37, v26;
	v26 =	vmov v44  }
0x14d: {  	s9 =	sadd.s32 $0x1, s9;
	v43 =	vadd.s32 s12, v0;
	v42 =	vand.u32 $0x3B8, v52;
	[tilespmem:v49+s29+$0x0] =	vst.idx.msk $0xffff, v48;
	v39 =	vld.idx.msk [tilespmem:v50+s16+$0x0], $0xffff;
	v37 =	vor.u32 v45, v26  }
0x14e: {  	s9 =	sand.u32 $0x30, s0;
	v44 =	vand.u32 $0xF, v43  }
0x14f: {  	v44 =	vor.u32 s9, v44  }
0x150: {  	v45 =	vshrl.u32 v43, $0x3;
	s9 =	sshrl.u32 s0, $0x3;
	v46 =	vor.u32 v6, v44  }
0x151: {  	v45 =	vand.u32 $0x1, v45;
	s0 =	sand.u32 $0x6, s9  }
0x152: {  	v43 =	vshll.u32 v43, $0x7;
	v45 =	vor.u32 s0, v45  }
0x153: {  	v47 =	vand.u32 $0x380, v43;
	v45 =	vshll.u32 v45, $0xA  }
0x154: {  	v47 =	vor.u32 v45, v47  }
0x155: {  	v47 =	vor.u32 v0, v47;
	v46 =	vld.idx.msk [tilespmem:v46+s16+$0x0], $0xffff  }
0x156: {  	v48 =	vor.u32 v10, v44;
	_ =	sdelay $0x2  }
0x157: {  	v40 =	vld.idx.msk [tilespmem:v40+s16+$0x0], $0xffff;
	v41 =	vand.u32 $0x398, v41;
	v38 =	vor.u32 v12, v38;
	v49 =	vor.u32 v11, v43  }
0x158: {  	v41 =	vor.u32 v41, v38;
	v52 =	vand.u32 $0x398, v49;
	v45 =	vor.u32 v12, v45;
	[tilespmem:v47+s29+$0x0] =	vst.idx.msk $0xffff, v46  }
0x159: {  	v53 =	vor.u32 v13, v32;
	v46 =	vor.u32 v52, v45;
	v48 =	vld.idx.msk [tilespmem:v48+s16+$0x0], $0xffff  }
0x15a: {  	v54 =	vor.u32 v13, v44;
	_ =	sdelay $0x1  }
0x15b: {  	v50 =	vor.u32 v14, v31  }
0x15c: {  	v55 =	vand.u32 $0x3A8, v50;
	v56 =	vor.u32 v14, v43;
	[tilespmem:v41+s29+$0x0] =	vst.idx.msk $0xffff, v40  }
0x15d: {  	v40 =	vor.u32 v55, v38;
	v41 =	vand.u32 $0x3A8, v56;
	v47 =	vld.idx.msk [tilespmem:v53+s16+$0x0], $0xffff;
	[tilespmem:v46+s29+$0x0] =	vst.idx.msk $0xffff, v48  }
0x15e: {  	v57 =	vor.u32 v15, v32;
	v41 =	vor.u32 v41, v45;
	v48 =	vld.idx.msk [tilespmem:v54+s16+$0x0], $0xffff  }
0x15f: {  	v58 =	vor.u32 v15, v44;
	_ =	sdelay $0x1  }
0x160: {  	v42 =	vor.u32 v42, v30;
	v59 =	vor.u32 v16, v31  }
0x161: {  	v51 =	vor.u32 v17, v29;
	v60 =	vand.u32 $0x3B8, v59;
	v61 =	vor.u32 v16, v43;
	[tilespmem:v40+s29+$0x0] =	vst.idx.msk $0xffff, v47  }
0x162: {  	v62 =	vand.u32 $0x3B8, v61;
	v40 =	vor.u32 v60, v38;
	v46 =	vld.idx.msk [tilespmem:v57+s16+$0x0], $0xffff;
	[tilespmem:v41+s29+$0x0] =	vst.idx.msk $0xffff, v48  }
0x163: {  	v63 =	vor.u32 v17, v32;
	v41 =	vor.u32 v62, v45;
	v48 =	vld.idx.msk [tilespmem:v58+s16+$0x0], $0xffff  }
0x164: {  	v55 =	vor.u32 v17, v44  }
0x165: {  	v54 =	vor.u32 v18, v28  }
0x166: {  	[tilespmem:v42+s29+$0x0] =	vst.idx.msk $0xffff, v39;
	v60 =	vor.u32 v18, v43;
	v57 =	vor.u32 v18, v31;
	v56 =	vand.u32 $0x3C8, v54  }
0x167: {  	v42 =	vld.idx.msk [tilespmem:v51+s16+$0x0], $0xffff;
	v61 =	vand.u32 $0x3C8, v60;
	v59 =	vand.u32 $0x3C8, v57;
	v39 =	vor.u32 v56, v30;
	[tilespmem:v40+s29+$0x0] =	vst.idx.msk $0xffff, v46  }
0x168: {  	v40 =	vor.u32 v59, v38;
	v47 =	vld.idx.msk [tilespmem:v63+s16+$0x0], $0xffff;
	v58 =	vor.u32 v19, v29;
	[tilespmem:v41+s29+$0x0] =	vst.idx.msk $0xffff, v48  }
0x169: {  	v62 =	vor.u32 v19, v32;
	v41 =	vor.u32 v61, v45;
	v48 =	vld.idx.msk [tilespmem:v55+s16+$0x0], $0xffff  }
0x16a: {  	v52 =	vor.u32 v19, v44  }
0x16b: {  	v27 =	vor.u32 v23, v27;
	v54 =	vor.u32 v20, v31;
	v63 =	vor.u32 v20, v28  }
0x16c: {  	v57 =	vor.u32 v20, v43;
	v56 =	vand.u32 $0x3D8, v54;
	v53 =	vand.u32 $0x3D8, v63;
	[tilespmem:v39+s29+$0x0] =	vst.idx.msk $0xffff, v42  }
0x16d: {  	v39 =	vor.u32 v53, v30;
	[tilespmem:v40+s29+$0x0] =	vst.idx.msk $0xffff, v47;
	v47 =	vor.u32 v56, v38;
	v42 =	vld.idx.msk [tilespmem:v58+s16+$0x0], $0xffff  }
0x16e: {  	v46 =	vld.idx.msk [tilespmem:v62+s16+$0x0], $0xffff;
	v58 =	vand.u32 $0x3D8, v57;
	v55 =	vor.u32 v21, v29;
	[tilespmem:v41+s29+$0x0] =	vst.idx.msk $0xffff, v48  }
0x16f: {  	[tilespmem:v37+s29+$0x0] =	vst.idx.msk $0xffff, v36;
	v60 =	vor.u32 v21, v32;
	v41 =	vor.u32 v58, v45;
	v50 =	vld.idx.msk [tilespmem:v52+s16+$0x0], $0xffff  }
0x170: {  	v54 =	vor.u32 v22, v43;
	v59 =	vor.u32 v22, v25;
	v63 =	vor.u32 v21, v44  }
0x171: {  	v35 =	vld.idx.msk [tilespmem:v35+s16+$0x0], $0xffff;
	v53 =	vor.u32 v23, v29;
	v61 =	vand.u32 $0x3E8, v59;
	v62 =	vor.u32 v22, v28  }
0x172: {  	v36 =	vor.u32 v61, v26;
	v37 =	vand.u32 $0x3E8, v62;
	[tilespmem:v39+s29+$0x0] =	vst.idx.msk $0xffff, v42;
	v52 =	vor.u32 v22, v31  }
0x173: {  	v37 =	vor.u32 v37, v30;
	[tilespmem:v47+s29+$0x0] =	vst.idx.msk $0xffff, v46;
	v39 =	vld.idx.msk [tilespmem:v55+s16+$0x0], $0xffff;
	v40 =	vand.u32 $0x3E8, v52  }
0x174: {  	v46 =	vld.idx.msk [tilespmem:v60+s16+$0x0], $0xffff;
	v55 =	vand.u32 $0x3E8, v54;
	v40 =	vor.u32 v40, v38;
	[tilespmem:v41+s29+$0x0] =	vst.idx.msk $0xffff, v50  }
0x175: {  	v25 =	vor.u32 v24, v25;
	v56 =	vor.u32 v23, v32;
	v41 =	vor.u32 v55, v45;
	v57 =	vld.idx.msk [tilespmem:v63+s16+$0x0], $0xffff  }
0x176: {  	v25 =	vand.u32 $0x3F8, v25;
	v59 =	vor.u32 v24, v28;
	v58 =	vor.u32 v23, v44  }
0x177: {  	v25 =	vor.u32 v25, v26;
	v28 =	vand.u32 $0x3F8, v59;
	[tilespmem:v36+s29+$0x0] =	vst.idx.msk $0xffff, v35  }
0x178: {  	v61 =	vor.u32 v24, v43;
	v60 =	vor.u32 v24, v31;
	v27 =	vld.idx.msk [tilespmem:v27+s16+$0x0], $0xffff;
	[tilespmem:v37+s29+$0x0] =	vst.idx.msk $0xffff, v39  }
0x179: {  	v28 =	vor.u32 v28, v30;
	v29 =	vand.u32 $0x3F8, v60;
	v26 =	vld.idx.msk [tilespmem:v53+s16+$0x0], $0xffff;
	[tilespmem:v40+s29+$0x0] =	vst.idx.msk $0xffff, v46  }
0x17a: {  	v30 =	vand.u32 $0x3F8, v61;
	v29 =	vor.u32 v29, v38;
	v62 =	vld.idx.msk [tilespmem:v56+s16+$0x0], $0xffff;
	[tilespmem:v41+s29+$0x0] =	vst.idx.msk $0xffff, v57  }
0x17b: {  	v30 =	vor.u32 v30, v45;
	v63 =	vld.idx.msk [tilespmem:v58+s16+$0x0], $0xffff  }
0x17c: {  	[tilespmem:v34+s29+$0x0] =	vst.idx.msk $0xffff, v33  }
.Ltmp6:
0x17d: {  	[tilespmem:v25+s29+$0x0] =	vst.idx.msk $0xffff, v27;
	(pc) =	sbr.rel @p1 .LBB2_14-.Ltmp6, $4  }
0x17e: {  	s12 =	sadd.s32 s13, s8;
	[tilespmem:v28+s29+$0x0] =	vst.idx.msk $0xffff, v26  }
0x17f: {  	s0 =	sshrl.u32 s12, $0x3;
	[tilespmem:v29+s29+$0x0] =	vst.idx.msk $0xffff, v62  }
0x180: {  	s0 =	sadd.s32 s2, s0;
	[tilespmem:v30+s29+$0x0] =	vst.idx.msk $0xffff, v63  }
0x181: {  	[hbm4b:s0+s24] =	stream.strided.scatter [tilespmem:s29], [sflag:$0x7], $0x2000, s25, s24, $0x38;
	[tilespmem:$0x17200] =	vst v63  }
.Ltmp7:
0x182: {  	(pc) =	sbr.rel .LBB2_15-.Ltmp7, $4  }
0x183: {  	_ = 	snop  }
0x184: {  	_ =	swait.ge [sflag:s31], $0x2000  }
0x185: {  	[sflag:s31] =	ssyncset.done $0x0  }
0x186: {  	[sflag:s31] =	ssyncadd.s32 $0xFFFFE000  }
.LBB2_14:
0x187: {  	s0 =	smul.u32 $0xA00, s11;
	_ =	sdelay $0x1  }
0x188: {  	s0 =	sshra.s32 s0, $0x2  }
.Ltmp8:
0x189: {  	s0 =	sadd.s32 $0x1C00, s0;
	(pc) =	sbr.rel @p0 .LBB2_16-.Ltmp8, $4  }
0x18a: {  	[tilespmem:s16], [sflag:$0x2] =	stream.indirect.gather [hbm4b:s4+s22], $0x40, s0, s22, $0xb8;
	[tilespmem:$0x17200] =	vst v63  }
0x18b: {  	_ =	swait.ge [sflag:s31], $0x2000  }
0x18c: {  	[sflag:s31] =	ssyncset.done $0x0  }
0x18d: {  	[sflag:s31] =	ssyncadd.s32 $0xFFFFE000  }
.LBB2_15:
0x18e: {  	s0 =	simm.s32 $0x8  }
0x18f: {  	_ =	swait.ge [sflag:s0], $0x2000  }
0x190: {  	[sflag:s0] =	ssyncset.done $0x0  }
0x191: {  	[sflag:s0] =	ssyncadd.s32 $0xFFFFE000  }
.LBB2_16:
0x192: {  	s0 =	simm.s32 $0x0  }
0x193: {  	s9 =	sand.u32 $0xF, s0  }
0x194: {  	v25 =	vadd.s32 s9, v0  }
0x195: {  	s0 =	sand.u32 $0x30, s0;
	v26 =	vand.u32 $0xF, v25  }
0x196: {  	v35 =	vor.u32 s0, v26  }
0x197: {  	s9 =	simm.s32 $0x0;
	v26 =	vshrl.u32 v25, $0x3;
	v27 =	vor.u32 v6, v35  }
0x198: {  	s0 =	sand.u32 $0x6, s9;
	v26 =	vand.u32 $0x1, v26  }
0x199: {  	v33 =	vshll.u32 v25, $0x7;
	v25 =	vor.u32 s0, v26  }
0x19a: {  	v26 =	vand.u32 $0x380, v33;
	v25 =	vshll.u32 v25, $0xA  }
0x19b: {  	v26 =	vor.u32 v25, v26  }
0x19c: {  	v26 =	vor.u32 v0, v26;
	v27 =	vld.idx.msk [tilespmem:v27+s18+$0x0], $0xffff  }
0x19d: {  	v28 =	vor.u32 v10, v35;
	_ =	sdelay $0x1  }
0x19e: {  	s0 =	simm.s32 $0x1  }
0x19f: {  	v29 =	vor.u32 v11, v33;
	s12 =	sand.u32 $0xF, s0  }
0x1a0: {  	v30 =	vadd.s32 s12, v0;
	v34 =	vor.u32 v12, v25;
	[tilespmem:v26+s1+$0x0] =	vst.idx.msk $0xffff, v27;
	v26 =	vand.u32 $0x398, v29  }
0x1a1: {  	s0 =	sand.u32 $0x30, s0;
	v25 =	vand.u32 $0xF, v30;
	v28 =	vld.idx.msk [tilespmem:v28+s18+$0x0], $0xffff;
	v26 =	vor.u32 v26, v34  }
0x1a2: {  	v27 =	vor.u32 s0, v25;
	v29 =	vor.u32 v13, v35  }
0x1a3: {  	s9 =	simm.s32 $0x0;
	v25 =	vshrl.u32 v30, $0x3;
	v31 =	vor.u32 v6, v27  }
0x1a4: {  	s0 =	sand.u32 $0x6, s9;
	v32 =	vand.u32 $0x1, v25  }
0x1a5: {  	v25 =	vshll.u32 v30, $0x7;
	v30 =	vor.u32 v14, v33;
	v32 =	vor.u32 s0, v32  }
0x1a6: {  	v36 =	vand.u32 $0x380, v25;
	[tilespmem:v26+s1+$0x0] =	vst.idx.msk $0xffff, v28;
	v26 =	vshll.u32 v32, $0xA;
	v28 =	vand.u32 $0x3A8, v30  }
0x1a7: {  	v29 =	vld.idx.msk [tilespmem:v29+s18+$0x0], $0xffff;
	v30 =	vor.u32 v26, v36;
	v28 =	vor.u32 v28, v34  }
0x1a8: {  	v50 =	vor.u32 v15, v35;
	v31 =	vld.idx.msk [tilespmem:v31+s18+$0x0], $0xffff;
	v30 =	vor.u32 v0, v30  }
0x1a9: {  	v51 =	vor.u32 v10, v27;
	_ =	sdelay $0x1  }
0x1aa: {  	v37 =	vor.u32 v16, v33;
	s0 =	simm.s32 $0x2  }
0x1ab: {  	s12 =	sand.u32 $0xF, s0;
	v26 =	vor.u32 v12, v26;
	[tilespmem:v28+s1+$0x0] =	vst.idx.msk $0xffff, v29;
	v28 =	vor.u32 v11, v25;
	v29 =	vand.u32 $0x3B8, v37  }
0x1ac: {  	v38 =	vadd.s32 s12, v0;
	[tilespmem:v30+s1+$0x0] =	vst.idx.msk $0xffff, v31;
	v30 =	vld.idx.msk [tilespmem:v50+s18+$0x0], $0xffff;
	v28 =	vand.u32 $0x398, v28;
	v31 =	vor.u32 v29, v34  }
0x1ad: {  	v54 =	vor.u32 v17, v35;
	s0 =	sand.u32 $0x30, s0;
	v29 =	vand.u32 $0xF, v38;
	v52 =	vld.idx.msk [tilespmem:v51+s18+$0x0], $0xffff;
	v53 =	vor.u32 v28, v26  }
0x1ae: {  	v39 =	vor.u32 v13, v27;
	v29 =	vor.u32 s0, v29  }
0x1af: {  	s9 =	simm.s32 $0x0;
	v28 =	vshll.u32 v38, $0x7;
	v38 =	vshrl.u32 v38, $0x3;
	v40 =	vor.u32 v6, v29  }
0x1b0: {  	v42 =	vor.u32 v18, v33;
	v43 =	vor.u32 v14, v25;
	s0 =	sand.u32 $0x6, s9;
	v38 =	vand.u32 $0x1, v38  }
0x1b1: {  	v56 =	vand.u32 $0x3A8, v43;
	[tilespmem:v31+s1+$0x0] =	vst.idx.msk $0xffff, v30;
	v30 =	vor.u32 s0, v38;
	v31 =	vand.u32 $0x3C8, v42  }
0x1b2: {  	v41 =	vand.u32 $0x380, v28;
	[tilespmem:v53+s1+$0x0] =	vst.idx.msk $0xffff, v52;
	v55 =	vld.idx.msk [tilespmem:v54+s18+$0x0], $0xffff;
	v30 =	vshll.u32 v30, $0xA;
	v31 =	vor.u32 v31, v34  }
0x1b3: {  	v59 =	vor.u32 v19, v35;
	v36 =	vor.u32 v56, v26;
	v57 =	vld.idx.msk [tilespmem:v39+s18+$0x0], $0xffff;
	v58 =	vor.u32 v30, v41  }
0x1b4: {  	v62 =	vor.u32 v20, v33;
	v60 =	vor.u32 v15, v27;
	v40 =	vld.idx.msk [tilespmem:v40+s18+$0x0], $0xffff;
	v38 =	vor.u32 v0, v58  }
0x1b5: {  	v47 =	vor.u32 v22, v33;
	v45 =	vor.u32 v16, v25;
	v61 =	vor.u32 v10, v29  }
0x1b6: {  	v46 =	vor.u32 v21, v35;
	v51 =	vand.u32 $0x3B8, v45;
	v44 =	vor.u32 v11, v28  }
0x1b7: {  	v49 =	vor.u32 v14, v28;
	s0 =	simm.s32 $0x3;
	v53 =	vor.u32 v51, v26;
	[tilespmem:v31+s1+$0x0] =	vst.idx.msk $0xffff, v55;
	v31 =	vand.u32 $0x3D8, v62  }
0x1b8: {  	s12 =	sand.u32 $0xF, s0;
	v30 =	vor.u32 v12, v30;
	[tilespmem:v36+s1+$0x0] =	vst.idx.msk $0xffff, v57;
	v63 =	vld.idx.msk [tilespmem:v59+s18+$0x0], $0xffff;
	v52 =	vor.u32 v31, v34  }
0x1b9: {  	v50 =	vadd.s32 s12, v0;
	v39 =	vor.u32 v23, v35;
	v31 =	vand.u32 $0x398, v44;
	[tilespmem:v38+s1+$0x0] =	vst.idx.msk $0xffff, v40;
	v54 =	vld.idx.msk [tilespmem:v60+s18+$0x0], $0xffff  }
0x1ba: {  	s0 =	sand.u32 $0x30, s0;
	v55 =	vand.u32 $0xF, v50;
	v57 =	vor.u32 v17, v27;
	v56 =	vor.u32 v31, v30;
	v42 =	vld.idx.msk [tilespmem:v61+s18+$0x0], $0xffff  }
0x1bb: {  	v58 =	vor.u32 v13, v29;
	v37 =	vshrl.u32 v50, $0x3;
	v32 =	vor.u32 s0, v55  }
0x1bc: {  	s9 =	simm.s32 $0x0;
	v31 =	vshll.u32 v50, $0x7;
	v59 =	vor.u32 v6, v32;
	v50 =	vor.u32 v18, v25  }
0x1bd: {  	s0 =	sand.u32 $0x6, s9;
	v60 =	vand.u32 $0x1, v37;
	v48 =	vand.u32 $0x380, v31;
	v61 =	vand.u32 $0x3E8, v47;
	[tilespmem:v52+s1+$0x0] =	vst.idx.msk $0xffff, v63  }
0x1be: {  	v36 =	vor.u32 s0, v60;
	v62 =	vand.u32 $0x3C8, v50;
	v37 =	vor.u32 v61, v34;
	[tilespmem:v53+s1+$0x0] =	vst.idx.msk $0xffff, v54;
	v35 =	vld.idx.msk [tilespmem:v46+s18+$0x0], $0xffff  }
0x1bf: {  	v38 =	vshll.u32 v36, $0xA;
	v55 =	vor.u32 v62, v26;
	v54 =	vand.u32 $0x3A8, v49;
	[tilespmem:v56+s1+$0x0] =	vst.idx.msk $0xffff, v42;
	v63 =	vld.idx.msk [tilespmem:v57+s18+$0x0], $0xffff  }
0x1c0: {  	v56 =	vor.u32 v38, v48;
	v36 =	vor.u32 v54, v30;
	v57 =	vor.u32 v19, v27;
	v44 =	vld.idx.msk [tilespmem:v58+s18+$0x0], $0xffff  }
0x1c1: {  	v45 =	vld.idx.msk [tilespmem:v59+s18+$0x0], $0xffff;
	v59 =	vor.u32 v15, v29;
	v58 =	vor.u32 v0, v56  }
0x1c2: {  	v51 =	vor.u32 v16, v28;
	v40 =	vor.u32 v10, v32;
	s0 =	simm.s32 $0x4  }
0x1c3: {  	v60 =	vor.u32 v20, v25;
	v61 =	vor.u32 v24, v33;
	s12 =	sand.u32 $0xF, s0;
	[tilespmem:v37+s1+$0x0] =	vst.idx.msk $0xffff, v35  }
0x1c4: {  	v41 =	vor.u32 v11, v31;
	v62 =	vand.u32 $0x3F8, v61;
	v43 =	vadd.s32 s12, v0;
	[tilespmem:v55+s1+$0x0] =	vst.idx.msk $0xffff, v63;
	v33 =	vld.idx.msk [tilespmem:v39+s18+$0x0], $0xffff  }
0x1c5: {  	v34 =	vor.u32 v62, v34;
	v42 =	vand.u32 $0x3B8, v51;
	v63 =	vand.u32 $0x3D8, v60;
	[tilespmem:v36+s1+$0x0] =	vst.idx.msk $0xffff, v44;
	v36 =	vld.idx.msk [tilespmem:v57+s18+$0x0], $0xffff  }
0x1c6: {  	s9 =	simm.s32 $0x5;
	v35 =	vor.u32 v21, v27;
	[tilespmem:v58+s1+$0x0] =	vst.idx.msk $0xffff, v45;
	v37 =	vor.u32 v63, v26;
	v39 =	vld.idx.msk [tilespmem:v59+s18+$0x0], $0xffff  }
.LBB2_17:
0x1c7: {  	p2 =	sne.s32 s9, $0x3F;
	v40 =	vld.idx.msk [tilespmem:v40+s18+$0x0], $0xffff;
	v41 =	vand.u32 $0x398, v41;
	v42 =	vor.u32 v42, v30;
	v44 =	vmovc v30;
	v30 =	vor.u32 v12, v38  }
0x1c8: {  	s12 =	sand.u32 $0x30, s0;
	v38 =	vand.u32 $0xF, v43;
	v45 =	vor.u32 v17, v29;
	v41 =	vor.u32 v41, v30  }
0x1c9: {  	v46 =	vshll.u32 v43, $0x7;
	v48 =	vor.u32 v13, v32;
	v47 =	vor.u32 s12, v38  }
0x1ca: {  	v49 =	vor.u32 v22, v25;
	v38 =	vshrl.u32 v43, $0x3;
	v43 =	vor.u32 v6, v47;
	[tilespmem:v34+s1+$0x0] =	vst.idx.msk $0xffff, v33  }
0x1cb: {  	v50 =	vor.u32 v18, v28;
	s12 =	sshrl.u32 s0, $0x3;
	s0 =	smov.u32 s9;
	v33 =	vand.u32 $0x380, v46;
	v34 =	vor.u32 v14, v31;
	[tilespmem:v37+s1+$0x0] =	vst.idx.msk $0xffff, v36  }
0x1cc: {  	s12 =	sand.u32 $0x6, s12;
	v36 =	vand.u32 $0x1, v38;
	v37 =	vand.u32 $0x3E8, v49;
	[tilespmem:v42+s1+$0x0] =	vst.idx.msk $0xffff, v39;
	v35 =	vld.idx.msk [tilespmem:v35+s18+$0x0], $0xffff;
	v39 =	vor.u32 v23, v27  }
0x1cd: {  	v49 =	vor.u32 s12, v36;
	v37 =	vor.u32 v37, v26;
	[tilespmem:v41+s1+$0x0] =	vst.idx.msk $0xffff, v40;
	v36 =	vld.idx.msk [tilespmem:v45+s18+$0x0], $0xffff;
	v40 =	vand.u32 $0x3C8, v50  }
0x1ce: {  	v34 =	vand.u32 $0x3A8, v34;
	v27 =	vmovc v29;
	v29 =	vmovc v32;
	v38 =	vshll.u32 v49, $0xA;
	v42 =	vld.idx.msk [tilespmem:v48+s18+$0x0], $0xffff;
	v45 =	vor.u32 v40, v44  }
0x1cf: {  	v34 =	vor.u32 v34, v30;
	v33 =	vor.u32 v38, v33;
	v48 =	vld.idx.msk [tilespmem:v43+s18+$0x0], $0xffff;
	v43 =	vor.u32 v19, v27  }
0x1d0: {  	v32 =	vmov v47;
	v50 =	vor.u32 v15, v29;
	v49 =	vor.u32 v0, v33  }
.Ltmp9:
0x1d1: {  	v51 =	vor.u32 v24, v25;
	v25 =	vmovc v28;
	v47 =	vor.u32 v20, v28;
	v40 =	vor.u32 v10, v32;
	(pc) =	sbr.rel @p2 .LBB2_17-.Ltmp9, $4  }
0x1d2: {  	v52 =	vor.u32 v16, v31;
	v28 =	vmov v31;
	v41 =	vor.u32 v11, v46;
	[tilespmem:v37+s1+$0x0] =	vst.idx.msk $0xffff, v35  }
0x1d3: {  	v31 =	vmov v46;
	v35 =	vor.u32 v21, v27;
	v37 =	vand.u32 $0x3F8, v51;
	[tilespmem:v45+s1+$0x0] =	vst.idx.msk $0xffff, v36;
	v33 =	vld.idx.msk [tilespmem:v39+s18+$0x0], $0xffff  }
0x1d4: {  	s12 =	sand.u32 $0xF, s9;
	v45 =	vand.u32 $0x3D8, v47;
	[tilespmem:v34+s1+$0x0] =	vst.idx.msk $0xffff, v42;
	v36 =	vld.idx.msk [tilespmem:v43+s18+$0x0], $0xffff;
	v34 =	vor.u32 v37, v26;
	v26 =	vmov v44  }
0x1d5: {  	s9 =	sadd.s32 $0x1, s9;
	v43 =	vadd.s32 s12, v0;
	v42 =	vand.u32 $0x3B8, v52;
	[tilespmem:v49+s1+$0x0] =	vst.idx.msk $0xffff, v48;
	v39 =	vld.idx.msk [tilespmem:v50+s18+$0x0], $0xffff;
	v37 =	vor.u32 v45, v26  }
0x1d6: {  	s9 =	sand.u32 $0x30, s0;
	v44 =	vand.u32 $0xF, v43  }
0x1d7: {  	v44 =	vor.u32 s9, v44  }
0x1d8: {  	v45 =	vshrl.u32 v43, $0x3;
	s9 =	sshrl.u32 s0, $0x3;
	v46 =	vor.u32 v6, v44  }
0x1d9: {  	v45 =	vand.u32 $0x1, v45;
	s0 =	sand.u32 $0x6, s9  }
0x1da: {  	v43 =	vshll.u32 v43, $0x7;
	v45 =	vor.u32 s0, v45  }
0x1db: {  	v47 =	vand.u32 $0x380, v43;
	v45 =	vshll.u32 v45, $0xA  }
0x1dc: {  	v47 =	vor.u32 v45, v47  }
0x1dd: {  	v47 =	vor.u32 v0, v47;
	v46 =	vld.idx.msk [tilespmem:v46+s18+$0x0], $0xffff  }
0x1de: {  	v48 =	vor.u32 v10, v44;
	_ =	sdelay $0x2  }
0x1df: {  	v40 =	vld.idx.msk [tilespmem:v40+s18+$0x0], $0xffff;
	v41 =	vand.u32 $0x398, v41;
	v38 =	vor.u32 v12, v38;
	v49 =	vor.u32 v11, v43  }
0x1e0: {  	v41 =	vor.u32 v41, v38;
	v52 =	vand.u32 $0x398, v49;
	v45 =	vor.u32 v12, v45;
	[tilespmem:v47+s1+$0x0] =	vst.idx.msk $0xffff, v46  }
0x1e1: {  	v53 =	vor.u32 v13, v32;
	v46 =	vor.u32 v52, v45;
	v48 =	vld.idx.msk [tilespmem:v48+s18+$0x0], $0xffff  }
0x1e2: {  	v54 =	vor.u32 v13, v44;
	_ =	sdelay $0x1  }
0x1e3: {  	v50 =	vor.u32 v14, v31  }
0x1e4: {  	v55 =	vand.u32 $0x3A8, v50;
	v56 =	vor.u32 v14, v43;
	[tilespmem:v41+s1+$0x0] =	vst.idx.msk $0xffff, v40  }
0x1e5: {  	v40 =	vor.u32 v55, v38;
	v41 =	vand.u32 $0x3A8, v56;
	v47 =	vld.idx.msk [tilespmem:v53+s18+$0x0], $0xffff;
	[tilespmem:v46+s1+$0x0] =	vst.idx.msk $0xffff, v48  }
0x1e6: {  	v57 =	vor.u32 v15, v32;
	v41 =	vor.u32 v41, v45;
	v48 =	vld.idx.msk [tilespmem:v54+s18+$0x0], $0xffff  }
0x1e7: {  	v58 =	vor.u32 v15, v44;
	_ =	sdelay $0x1  }
0x1e8: {  	v42 =	vor.u32 v42, v30;
	v59 =	vor.u32 v16, v31  }
0x1e9: {  	v51 =	vor.u32 v17, v29;
	v60 =	vand.u32 $0x3B8, v59;
	v61 =	vor.u32 v16, v43;
	[tilespmem:v40+s1+$0x0] =	vst.idx.msk $0xffff, v47  }
0x1ea: {  	v62 =	vand.u32 $0x3B8, v61;
	v40 =	vor.u32 v60, v38;
	v46 =	vld.idx.msk [tilespmem:v57+s18+$0x0], $0xffff;
	[tilespmem:v41+s1+$0x0] =	vst.idx.msk $0xffff, v48  }
0x1eb: {  	v63 =	vor.u32 v17, v32;
	v41 =	vor.u32 v62, v45;
	v48 =	vld.idx.msk [tilespmem:v58+s18+$0x0], $0xffff  }
0x1ec: {  	v55 =	vor.u32 v17, v44  }
0x1ed: {  	v54 =	vor.u32 v18, v28  }
0x1ee: {  	[tilespmem:v42+s1+$0x0] =	vst.idx.msk $0xffff, v39;
	v60 =	vor.u32 v18, v43;
	v57 =	vor.u32 v18, v31;
	v56 =	vand.u32 $0x3C8, v54  }
0x1ef: {  	v42 =	vld.idx.msk [tilespmem:v51+s18+$0x0], $0xffff;
	v61 =	vand.u32 $0x3C8, v60;
	v59 =	vand.u32 $0x3C8, v57;
	v39 =	vor.u32 v56, v30;
	[tilespmem:v40+s1+$0x0] =	vst.idx.msk $0xffff, v46  }
0x1f0: {  	v40 =	vor.u32 v59, v38;
	v47 =	vld.idx.msk [tilespmem:v63+s18+$0x0], $0xffff;
	v58 =	vor.u32 v19, v29;
	[tilespmem:v41+s1+$0x0] =	vst.idx.msk $0xffff, v48  }
0x1f1: {  	v62 =	vor.u32 v19, v32;
	v41 =	vor.u32 v61, v45;
	v48 =	vld.idx.msk [tilespmem:v55+s18+$0x0], $0xffff  }
0x1f2: {  	v52 =	vor.u32 v19, v44  }
0x1f3: {  	v27 =	vor.u32 v23, v27;
	v54 =	vor.u32 v20, v31;
	v63 =	vor.u32 v20, v28  }
0x1f4: {  	v57 =	vor.u32 v20, v43;
	v56 =	vand.u32 $0x3D8, v54;
	v53 =	vand.u32 $0x3D8, v63;
	[tilespmem:v39+s1+$0x0] =	vst.idx.msk $0xffff, v42  }
0x1f5: {  	v39 =	vor.u32 v53, v30;
	[tilespmem:v40+s1+$0x0] =	vst.idx.msk $0xffff, v47;
	v47 =	vor.u32 v56, v38;
	v42 =	vld.idx.msk [tilespmem:v58+s18+$0x0], $0xffff  }
0x1f6: {  	v46 =	vld.idx.msk [tilespmem:v62+s18+$0x0], $0xffff;
	v58 =	vand.u32 $0x3D8, v57;
	v55 =	vor.u32 v21, v29;
	[tilespmem:v41+s1+$0x0] =	vst.idx.msk $0xffff, v48  }
0x1f7: {  	[tilespmem:v37+s1+$0x0] =	vst.idx.msk $0xffff, v36;
	v60 =	vor.u32 v21, v32;
	v41 =	vor.u32 v58, v45;
	v50 =	vld.idx.msk [tilespmem:v52+s18+$0x0], $0xffff  }
0x1f8: {  	v54 =	vor.u32 v22, v43;
	v59 =	vor.u32 v22, v25;
	v63 =	vor.u32 v21, v44  }
0x1f9: {  	v35 =	vld.idx.msk [tilespmem:v35+s18+$0x0], $0xffff;
	v53 =	vor.u32 v23, v29;
	v61 =	vand.u32 $0x3E8, v59;
	v62 =	vor.u32 v22, v28  }
0x1fa: {  	v36 =	vor.u32 v61, v26;
	v37 =	vand.u32 $0x3E8, v62;
	[tilespmem:v39+s1+$0x0] =	vst.idx.msk $0xffff, v42;
	v52 =	vor.u32 v22, v31  }
0x1fb: {  	v37 =	vor.u32 v37, v30;
	[tilespmem:v47+s1+$0x0] =	vst.idx.msk $0xffff, v46;
	v39 =	vld.idx.msk [tilespmem:v55+s18+$0x0], $0xffff;
	v40 =	vand.u32 $0x3E8, v52  }
0x1fc: {  	v46 =	vld.idx.msk [tilespmem:v60+s18+$0x0], $0xffff;
	v55 =	vand.u32 $0x3E8, v54;
	v40 =	vor.u32 v40, v38;
	[tilespmem:v41+s1+$0x0] =	vst.idx.msk $0xffff, v50  }
0x1fd: {  	v25 =	vor.u32 v24, v25;
	v56 =	vor.u32 v23, v32;
	v41 =	vor.u32 v55, v45;
	v57 =	vld.idx.msk [tilespmem:v63+s18+$0x0], $0xffff  }
0x1fe: {  	v25 =	vand.u32 $0x3F8, v25;
	v59 =	vor.u32 v24, v28;
	v58 =	vor.u32 v23, v44  }
0x1ff: {  	v25 =	vor.u32 v25, v26;
	v28 =	vand.u32 $0x3F8, v59;
	[tilespmem:v36+s1+$0x0] =	vst.idx.msk $0xffff, v35  }
0x200: {  	v61 =	vor.u32 v24, v43;
	v60 =	vor.u32 v24, v31;
	v27 =	vld.idx.msk [tilespmem:v27+s18+$0x0], $0xffff;
	[tilespmem:v37+s1+$0x0] =	vst.idx.msk $0xffff, v39  }
0x201: {  	v28 =	vor.u32 v28, v30;
	v29 =	vand.u32 $0x3F8, v60;
	v26 =	vld.idx.msk [tilespmem:v53+s18+$0x0], $0xffff;
	[tilespmem:v40+s1+$0x0] =	vst.idx.msk $0xffff, v46  }
0x202: {  	v30 =	vand.u32 $0x3F8, v61;
	v29 =	vor.u32 v29, v38;
	v62 =	vld.idx.msk [tilespmem:v56+s18+$0x0], $0xffff;
	[tilespmem:v41+s1+$0x0] =	vst.idx.msk $0xffff, v57  }
0x203: {  	v30 =	vor.u32 v30, v45;
	v63 =	vld.idx.msk [tilespmem:v58+s18+$0x0], $0xffff  }
0x204: {  	[tilespmem:v34+s1+$0x0] =	vst.idx.msk $0xffff, v33  }
.Ltmp10:
0x205: {  	[tilespmem:v25+s1+$0x0] =	vst.idx.msk $0xffff, v27;
	(pc) =	sbr.rel @p1 .LBB2_20-.Ltmp10, $4  }
0x206: {  	s12 =	sadd.s32 s17, s8;
	[tilespmem:v28+s1+$0x0] =	vst.idx.msk $0xffff, v26  }
0x207: {  	s0 =	sshrl.u32 s12, $0x3;
	[tilespmem:v29+s1+$0x0] =	vst.idx.msk $0xffff, v62  }
0x208: {  	s0 =	sadd.s32 s2, s0;
	[tilespmem:v30+s1+$0x0] =	vst.idx.msk $0xffff, v63  }
0x209: {  	[hbm4b:s0+s24] =	stream.strided.scatter [tilespmem:s1], [sflag:$0x8], $0x2000, s25, s24, $0x38;
	[tilespmem:$0x17200] =	vst v63  }
.Ltmp11:
0x20a: {  	(pc) =	sbr.rel .LBB2_21-.Ltmp11, $4  }
0x20b: {  	s0 =	simm.s32 $0x4  }
0x20c: {  	_ =	swait.ge [sflag:s0], $0x2000  }
0x20d: {  	[sflag:s0] =	ssyncset.done $0x0  }
0x20e: {  	[sflag:s0] =	ssyncadd.s32 $0xFFFFE000  }
.LBB2_20:
0x20f: {  	s0 =	smul.u32 $0xA00, s11;
	_ =	sdelay $0x1  }
0x210: {  	s0 =	sshra.s32 s0, $0x2  }
.Ltmp12:
0x211: {  	s12 =	simm.s32 $0x4;
	s0 =	sadd.s32 $0x1C80, s0;
	(pc) =	sbr.rel @p0 .LBB2_22-.Ltmp12, $4  }
0x212: {  	[tilespmem:s18], [sflag:$0x3] =	stream.indirect.gather [hbm4b:s4+s22], $0x40, s0, s22, $0xb8;
	[tilespmem:$0x17200] =	vst v63  }
0x213: {  	_ =	swait.ge [sflag:s12], $0x2000  }
0x214: {  	[sflag:s12] =	ssyncset.done $0x0  }
0x215: {  	[sflag:s12] =	ssyncadd.s32 $0xFFFFE000  }
.LBB2_21:
0x216: {  	s0 =	simm.s32 $0x9  }
0x217: {  	_ =	swait.ge [sflag:s0], $0x2000  }
0x218: {  	[sflag:s0] =	ssyncset.done $0x0  }
0x219: {  	[sflag:s0] =	ssyncadd.s32 $0xFFFFE000  }
.LBB2_22:
0x21a: {  	s0 =	simm.s32 $0x0  }
0x21b: {  	s9 =	sand.u32 $0xF, s0  }
0x21c: {  	v25 =	vadd.s32 s9, v0  }
0x21d: {  	s0 =	sand.u32 $0x30, s0;
	v26 =	vand.u32 $0xF, v25  }
0x21e: {  	v35 =	vor.u32 s0, v26  }
0x21f: {  	s9 =	simm.s32 $0x0;
	v26 =	vshrl.u32 v25, $0x3;
	v27 =	vor.u32 v6, v35  }
0x220: {  	s0 =	sand.u32 $0x6, s9;
	v26 =	vand.u32 $0x1, v26  }
0x221: {  	v33 =	vshll.u32 v25, $0x7;
	v25 =	vor.u32 s0, v26  }
0x222: {  	v26 =	vand.u32 $0x380, v33;
	v25 =	vshll.u32 v25, $0xA  }
0x223: {  	v26 =	vor.u32 v25, v26  }
0x224: {  	v26 =	vor.u32 v0, v26;
	v27 =	vld.idx.msk [tilespmem:v27+s20+$0x0], $0xffff  }
0x225: {  	v28 =	vor.u32 v10, v35;
	_ =	sdelay $0x1  }
0x226: {  	s0 =	simm.s32 $0x1  }
0x227: {  	v29 =	vor.u32 v11, v33;
	s12 =	sand.u32 $0xF, s0  }
0x228: {  	v30 =	vadd.s32 s12, v0;
	v34 =	vor.u32 v12, v25;
	[tilespmem:v26+s15+$0x0] =	vst.idx.msk $0xffff, v27;
	v26 =	vand.u32 $0x398, v29  }
0x229: {  	s0 =	sand.u32 $0x30, s0;
	v25 =	vand.u32 $0xF, v30;
	v28 =	vld.idx.msk [tilespmem:v28+s20+$0x0], $0xffff;
	v26 =	vor.u32 v26, v34  }
0x22a: {  	v27 =	vor.u32 s0, v25;
	v29 =	vor.u32 v13, v35  }
0x22b: {  	s9 =	simm.s32 $0x0;
	v25 =	vshrl.u32 v30, $0x3;
	v31 =	vor.u32 v6, v27  }
0x22c: {  	s0 =	sand.u32 $0x6, s9;
	v32 =	vand.u32 $0x1, v25  }
0x22d: {  	v25 =	vshll.u32 v30, $0x7;
	v30 =	vor.u32 v14, v33;
	v32 =	vor.u32 s0, v32  }
0x22e: {  	v36 =	vand.u32 $0x380, v25;
	[tilespmem:v26+s15+$0x0] =	vst.idx.msk $0xffff, v28;
	v26 =	vshll.u32 v32, $0xA;
	v28 =	vand.u32 $0x3A8, v30  }
0x22f: {  	v29 =	vld.idx.msk [tilespmem:v29+s20+$0x0], $0xffff;
	v30 =	vor.u32 v26, v36;
	v28 =	vor.u32 v28, v34  }
0x230: {  	v50 =	vor.u32 v15, v35;
	v31 =	vld.idx.msk [tilespmem:v31+s20+$0x0], $0xffff;
	v30 =	vor.u32 v0, v30  }
0x231: {  	v51 =	vor.u32 v10, v27;
	_ =	sdelay $0x1  }
0x232: {  	v37 =	vor.u32 v16, v33;
	s0 =	simm.s32 $0x2  }
0x233: {  	s12 =	sand.u32 $0xF, s0;
	v26 =	vor.u32 v12, v26;
	[tilespmem:v28+s15+$0x0] =	vst.idx.msk $0xffff, v29;
	v28 =	vor.u32 v11, v25;
	v29 =	vand.u32 $0x3B8, v37  }
0x234: {  	v38 =	vadd.s32 s12, v0;
	[tilespmem:v30+s15+$0x0] =	vst.idx.msk $0xffff, v31;
	v30 =	vld.idx.msk [tilespmem:v50+s20+$0x0], $0xffff;
	v28 =	vand.u32 $0x398, v28;
	v31 =	vor.u32 v29, v34  }
0x235: {  	v54 =	vor.u32 v17, v35;
	s0 =	sand.u32 $0x30, s0;
	v29 =	vand.u32 $0xF, v38;
	v52 =	vld.idx.msk [tilespmem:v51+s20+$0x0], $0xffff;
	v53 =	vor.u32 v28, v26  }
0x236: {  	v39 =	vor.u32 v13, v27;
	v29 =	vor.u32 s0, v29  }
0x237: {  	s9 =	simm.s32 $0x0;
	v28 =	vshll.u32 v38, $0x7;
	v38 =	vshrl.u32 v38, $0x3;
	v40 =	vor.u32 v6, v29  }
0x238: {  	v42 =	vor.u32 v18, v33;
	v43 =	vor.u32 v14, v25;
	s0 =	sand.u32 $0x6, s9;
	v38 =	vand.u32 $0x1, v38  }
0x239: {  	v56 =	vand.u32 $0x3A8, v43;
	[tilespmem:v31+s15+$0x0] =	vst.idx.msk $0xffff, v30;
	v30 =	vor.u32 s0, v38;
	v31 =	vand.u32 $0x3C8, v42  }
0x23a: {  	v41 =	vand.u32 $0x380, v28;
	[tilespmem:v53+s15+$0x0] =	vst.idx.msk $0xffff, v52;
	v55 =	vld.idx.msk [tilespmem:v54+s20+$0x0], $0xffff;
	v30 =	vshll.u32 v30, $0xA;
	v31 =	vor.u32 v31, v34  }
0x23b: {  	v59 =	vor.u32 v19, v35;
	v36 =	vor.u32 v56, v26;
	v57 =	vld.idx.msk [tilespmem:v39+s20+$0x0], $0xffff;
	v58 =	vor.u32 v30, v41  }
0x23c: {  	v62 =	vor.u32 v20, v33;
	v60 =	vor.u32 v15, v27;
	v40 =	vld.idx.msk [tilespmem:v40+s20+$0x0], $0xffff;
	v38 =	vor.u32 v0, v58  }
0x23d: {  	v47 =	vor.u32 v22, v33;
	v45 =	vor.u32 v16, v25;
	v61 =	vor.u32 v10, v29  }
0x23e: {  	v46 =	vor.u32 v21, v35;
	v51 =	vand.u32 $0x3B8, v45;
	v44 =	vor.u32 v11, v28  }
0x23f: {  	v49 =	vor.u32 v14, v28;
	s0 =	simm.s32 $0x3;
	v53 =	vor.u32 v51, v26;
	[tilespmem:v31+s15+$0x0] =	vst.idx.msk $0xffff, v55;
	v31 =	vand.u32 $0x3D8, v62  }
0x240: {  	s12 =	sand.u32 $0xF, s0;
	v30 =	vor.u32 v12, v30;
	[tilespmem:v36+s15+$0x0] =	vst.idx.msk $0xffff, v57;
	v63 =	vld.idx.msk [tilespmem:v59+s20+$0x0], $0xffff;
	v52 =	vor.u32 v31, v34  }
0x241: {  	v50 =	vadd.s32 s12, v0;
	v39 =	vor.u32 v23, v35;
	v31 =	vand.u32 $0x398, v44;
	[tilespmem:v38+s15+$0x0] =	vst.idx.msk $0xffff, v40;
	v54 =	vld.idx.msk [tilespmem:v60+s20+$0x0], $0xffff  }
0x242: {  	s0 =	sand.u32 $0x30, s0;
	v55 =	vand.u32 $0xF, v50;
	v57 =	vor.u32 v17, v27;
	v56 =	vor.u32 v31, v30;
	v42 =	vld.idx.msk [tilespmem:v61+s20+$0x0], $0xffff  }
0x243: {  	v58 =	vor.u32 v13, v29;
	v37 =	vshrl.u32 v50, $0x3;
	v32 =	vor.u32 s0, v55  }
0x244: {  	s9 =	simm.s32 $0x0;
	v31 =	vshll.u32 v50, $0x7;
	v59 =	vor.u32 v6, v32;
	v50 =	vor.u32 v18, v25  }
0x245: {  	s0 =	sand.u32 $0x6, s9;
	v60 =	vand.u32 $0x1, v37;
	v48 =	vand.u32 $0x380, v31;
	v61 =	vand.u32 $0x3E8, v47;
	[tilespmem:v52+s15+$0x0] =	vst.idx.msk $0xffff, v63  }
0x246: {  	v36 =	vor.u32 s0, v60;
	v62 =	vand.u32 $0x3C8, v50;
	v37 =	vor.u32 v61, v34;
	[tilespmem:v53+s15+$0x0] =	vst.idx.msk $0xffff, v54;
	v35 =	vld.idx.msk [tilespmem:v46+s20+$0x0], $0xffff  }
0x247: {  	v38 =	vshll.u32 v36, $0xA;
	v55 =	vor.u32 v62, v26;
	v54 =	vand.u32 $0x3A8, v49;
	[tilespmem:v56+s15+$0x0] =	vst.idx.msk $0xffff, v42;
	v63 =	vld.idx.msk [tilespmem:v57+s20+$0x0], $0xffff  }
0x248: {  	v56 =	vor.u32 v38, v48;
	v36 =	vor.u32 v54, v30;
	v57 =	vor.u32 v19, v27;
	v44 =	vld.idx.msk [tilespmem:v58+s20+$0x0], $0xffff  }
0x249: {  	v45 =	vld.idx.msk [tilespmem:v59+s20+$0x0], $0xffff;
	v59 =	vor.u32 v15, v29;
	v58 =	vor.u32 v0, v56  }
0x24a: {  	v51 =	vor.u32 v16, v28;
	v40 =	vor.u32 v10, v32;
	s0 =	simm.s32 $0x4  }
0x24b: {  	v60 =	vor.u32 v20, v25;
	v61 =	vor.u32 v24, v33;
	s12 =	sand.u32 $0xF, s0;
	[tilespmem:v37+s15+$0x0] =	vst.idx.msk $0xffff, v35  }
0x24c: {  	v41 =	vor.u32 v11, v31;
	v62 =	vand.u32 $0x3F8, v61;
	v43 =	vadd.s32 s12, v0;
	[tilespmem:v55+s15+$0x0] =	vst.idx.msk $0xffff, v63;
	v33 =	vld.idx.msk [tilespmem:v39+s20+$0x0], $0xffff  }
0x24d: {  	v34 =	vor.u32 v62, v34;
	v42 =	vand.u32 $0x3B8, v51;
	v63 =	vand.u32 $0x3D8, v60;
	[tilespmem:v36+s15+$0x0] =	vst.idx.msk $0xffff, v44;
	v36 =	vld.idx.msk [tilespmem:v57+s20+$0x0], $0xffff  }
0x24e: {  	s9 =	simm.s32 $0x5;
	v35 =	vor.u32 v21, v27;
	[tilespmem:v58+s15+$0x0] =	vst.idx.msk $0xffff, v45;
	v37 =	vor.u32 v63, v26;
	v39 =	vld.idx.msk [tilespmem:v59+s20+$0x0], $0xffff  }
.LBB2_23:
0x24f: {  	p2 =	sne.s32 s9, $0x3F;
	v40 =	vld.idx.msk [tilespmem:v40+s20+$0x0], $0xffff;
	v41 =	vand.u32 $0x398, v41;
	v42 =	vor.u32 v42, v30;
	v44 =	vmovc v30;
	v30 =	vor.u32 v12, v38  }
0x250: {  	s12 =	sand.u32 $0x30, s0;
	v38 =	vand.u32 $0xF, v43;
	v45 =	vor.u32 v17, v29;
	v41 =	vor.u32 v41, v30  }
0x251: {  	v46 =	vshll.u32 v43, $0x7;
	v48 =	vor.u32 v13, v32;
	v47 =	vor.u32 s12, v38  }
0x252: {  	v49 =	vor.u32 v22, v25;
	v38 =	vshrl.u32 v43, $0x3;
	v43 =	vor.u32 v6, v47;
	[tilespmem:v34+s15+$0x0] =	vst.idx.msk $0xffff, v33  }
0x253: {  	v50 =	vor.u32 v18, v28;
	s12 =	sshrl.u32 s0, $0x3;
	s0 =	smov.u32 s9;
	v33 =	vand.u32 $0x380, v46;
	v34 =	vor.u32 v14, v31;
	[tilespmem:v37+s15+$0x0] =	vst.idx.msk $0xffff, v36  }
0x254: {  	s12 =	sand.u32 $0x6, s12;
	v36 =	vand.u32 $0x1, v38;
	v37 =	vand.u32 $0x3E8, v49;
	[tilespmem:v42+s15+$0x0] =	vst.idx.msk $0xffff, v39;
	v35 =	vld.idx.msk [tilespmem:v35+s20+$0x0], $0xffff;
	v39 =	vor.u32 v23, v27  }
0x255: {  	v49 =	vor.u32 s12, v36;
	v37 =	vor.u32 v37, v26;
	[tilespmem:v41+s15+$0x0] =	vst.idx.msk $0xffff, v40;
	v36 =	vld.idx.msk [tilespmem:v45+s20+$0x0], $0xffff;
	v40 =	vand.u32 $0x3C8, v50  }
0x256: {  	v34 =	vand.u32 $0x3A8, v34;
	v27 =	vmovc v29;
	v29 =	vmovc v32;
	v38 =	vshll.u32 v49, $0xA;
	v42 =	vld.idx.msk [tilespmem:v48+s20+$0x0], $0xffff;
	v45 =	vor.u32 v40, v44  }
0x257: {  	v34 =	vor.u32 v34, v30;
	v33 =	vor.u32 v38, v33;
	v48 =	vld.idx.msk [tilespmem:v43+s20+$0x0], $0xffff;
	v43 =	vor.u32 v19, v27  }
0x258: {  	v32 =	vmov v47;
	v50 =	vor.u32 v15, v29;
	v49 =	vor.u32 v0, v33  }
.Ltmp13:
0x259: {  	v51 =	vor.u32 v24, v25;
	v25 =	vmovc v28;
	v47 =	vor.u32 v20, v28;
	v40 =	vor.u32 v10, v32;
	(pc) =	sbr.rel @p2 .LBB2_23-.Ltmp13, $4  }
0x25a: {  	v52 =	vor.u32 v16, v31;
	v28 =	vmov v31;
	v41 =	vor.u32 v11, v46;
	[tilespmem:v37+s15+$0x0] =	vst.idx.msk $0xffff, v35  }
0x25b: {  	v31 =	vmov v46;
	v35 =	vor.u32 v21, v27;
	v37 =	vand.u32 $0x3F8, v51;
	[tilespmem:v45+s15+$0x0] =	vst.idx.msk $0xffff, v36;
	v33 =	vld.idx.msk [tilespmem:v39+s20+$0x0], $0xffff  }
0x25c: {  	s12 =	sand.u32 $0xF, s9;
	v45 =	vand.u32 $0x3D8, v47;
	[tilespmem:v34+s15+$0x0] =	vst.idx.msk $0xffff, v42;
	v36 =	vld.idx.msk [tilespmem:v43+s20+$0x0], $0xffff;
	v34 =	vor.u32 v37, v26;
	v26 =	vmov v44  }
0x25d: {  	s9 =	sadd.s32 $0x1, s9;
	v43 =	vadd.s32 s12, v0;
	v42 =	vand.u32 $0x3B8, v52;
	[tilespmem:v49+s15+$0x0] =	vst.idx.msk $0xffff, v48;
	v39 =	vld.idx.msk [tilespmem:v50+s20+$0x0], $0xffff;
	v37 =	vor.u32 v45, v26  }
0x25e: {  	s9 =	sand.u32 $0x30, s0;
	v44 =	vand.u32 $0xF, v43  }
0x25f: {  	v44 =	vor.u32 s9, v44  }
0x260: {  	v45 =	vshrl.u32 v43, $0x3;
	s9 =	sshrl.u32 s0, $0x3;
	v46 =	vor.u32 v6, v44  }
0x261: {  	v45 =	vand.u32 $0x1, v45;
	s0 =	sand.u32 $0x6, s9  }
0x262: {  	v43 =	vshll.u32 v43, $0x7;
	v45 =	vor.u32 s0, v45  }
0x263: {  	v47 =	vand.u32 $0x380, v43;
	v45 =	vshll.u32 v45, $0xA  }
0x264: {  	v47 =	vor.u32 v45, v47  }
0x265: {  	v47 =	vor.u32 v0, v47;
	v46 =	vld.idx.msk [tilespmem:v46+s20+$0x0], $0xffff  }
0x266: {  	v48 =	vor.u32 v10, v44;
	_ =	sdelay $0x2  }
0x267: {  	v40 =	vld.idx.msk [tilespmem:v40+s20+$0x0], $0xffff;
	v41 =	vand.u32 $0x398, v41;
	v38 =	vor.u32 v12, v38;
	v49 =	vor.u32 v11, v43  }
0x268: {  	v41 =	vor.u32 v41, v38;
	v52 =	vand.u32 $0x398, v49;
	v45 =	vor.u32 v12, v45;
	[tilespmem:v47+s15+$0x0] =	vst.idx.msk $0xffff, v46  }
0x269: {  	v53 =	vor.u32 v13, v32;
	v46 =	vor.u32 v52, v45;
	v48 =	vld.idx.msk [tilespmem:v48+s20+$0x0], $0xffff  }
0x26a: {  	v54 =	vor.u32 v13, v44;
	_ =	sdelay $0x1  }
0x26b: {  	v50 =	vor.u32 v14, v31  }
0x26c: {  	v55 =	vand.u32 $0x3A8, v50;
	v56 =	vor.u32 v14, v43;
	[tilespmem:v41+s15+$0x0] =	vst.idx.msk $0xffff, v40  }
0x26d: {  	v40 =	vor.u32 v55, v38;
	v41 =	vand.u32 $0x3A8, v56;
	v47 =	vld.idx.msk [tilespmem:v53+s20+$0x0], $0xffff;
	[tilespmem:v46+s15+$0x0] =	vst.idx.msk $0xffff, v48  }
0x26e: {  	v57 =	vor.u32 v15, v32;
	v41 =	vor.u32 v41, v45;
	v48 =	vld.idx.msk [tilespmem:v54+s20+$0x0], $0xffff  }
0x26f: {  	v58 =	vor.u32 v15, v44;
	_ =	sdelay $0x1  }
0x270: {  	v42 =	vor.u32 v42, v30;
	v59 =	vor.u32 v16, v31  }
0x271: {  	v51 =	vor.u32 v17, v29;
	v60 =	vand.u32 $0x3B8, v59;
	v61 =	vor.u32 v16, v43;
	[tilespmem:v40+s15+$0x0] =	vst.idx.msk $0xffff, v47  }
0x272: {  	v62 =	vand.u32 $0x3B8, v61;
	v40 =	vor.u32 v60, v38;
	v46 =	vld.idx.msk [tilespmem:v57+s20+$0x0], $0xffff;
	[tilespmem:v41+s15+$0x0] =	vst.idx.msk $0xffff, v48  }
0x273: {  	v63 =	vor.u32 v17, v32;
	v41 =	vor.u32 v62, v45;
	v48 =	vld.idx.msk [tilespmem:v58+s20+$0x0], $0xffff  }
0x274: {  	v55 =	vor.u32 v17, v44  }
0x275: {  	v54 =	vor.u32 v18, v28  }
0x276: {  	[tilespmem:v42+s15+$0x0] =	vst.idx.msk $0xffff, v39;
	v60 =	vor.u32 v18, v43;
	v57 =	vor.u32 v18, v31;
	v56 =	vand.u32 $0x3C8, v54  }
0x277: {  	v42 =	vld.idx.msk [tilespmem:v51+s20+$0x0], $0xffff;
	v61 =	vand.u32 $0x3C8, v60;
	v59 =	vand.u32 $0x3C8, v57;
	v39 =	vor.u32 v56, v30;
	[tilespmem:v40+s15+$0x0] =	vst.idx.msk $0xffff, v46  }
0x278: {  	v40 =	vor.u32 v59, v38;
	v47 =	vld.idx.msk [tilespmem:v63+s20+$0x0], $0xffff;
	v58 =	vor.u32 v19, v29;
	[tilespmem:v41+s15+$0x0] =	vst.idx.msk $0xffff, v48  }
0x279: {  	v62 =	vor.u32 v19, v32;
	v41 =	vor.u32 v61, v45;
	v48 =	vld.idx.msk [tilespmem:v55+s20+$0x0], $0xffff  }
0x27a: {  	v52 =	vor.u32 v19, v44  }
0x27b: {  	v27 =	vor.u32 v23, v27;
	v54 =	vor.u32 v20, v31;
	v63 =	vor.u32 v20, v28  }
0x27c: {  	v57 =	vor.u32 v20, v43;
	v56 =	vand.u32 $0x3D8, v54;
	v53 =	vand.u32 $0x3D8, v63;
	[tilespmem:v39+s15+$0x0] =	vst.idx.msk $0xffff, v42  }
0x27d: {  	v39 =	vor.u32 v53, v30;
	[tilespmem:v40+s15+$0x0] =	vst.idx.msk $0xffff, v47;
	v47 =	vor.u32 v56, v38;
	v42 =	vld.idx.msk [tilespmem:v58+s20+$0x0], $0xffff  }
0x27e: {  	v46 =	vld.idx.msk [tilespmem:v62+s20+$0x0], $0xffff;
	v58 =	vand.u32 $0x3D8, v57;
	v55 =	vor.u32 v21, v29;
	[tilespmem:v41+s15+$0x0] =	vst.idx.msk $0xffff, v48  }
0x27f: {  	[tilespmem:v37+s15+$0x0] =	vst.idx.msk $0xffff, v36;
	v60 =	vor.u32 v21, v32;
	v41 =	vor.u32 v58, v45;
	v50 =	vld.idx.msk [tilespmem:v52+s20+$0x0], $0xffff  }
0x280: {  	v54 =	vor.u32 v22, v43;
	v59 =	vor.u32 v22, v25;
	v63 =	vor.u32 v21, v44  }
0x281: {  	v35 =	vld.idx.msk [tilespmem:v35+s20+$0x0], $0xffff;
	v53 =	vor.u32 v23, v29;
	v61 =	vand.u32 $0x3E8, v59;
	v62 =	vor.u32 v22, v28  }
0x282: {  	v36 =	vor.u32 v61, v26;
	v37 =	vand.u32 $0x3E8, v62;
	[tilespmem:v39+s15+$0x0] =	vst.idx.msk $0xffff, v42;
	v52 =	vor.u32 v22, v31  }
0x283: {  	v37 =	vor.u32 v37, v30;
	[tilespmem:v47+s15+$0x0] =	vst.idx.msk $0xffff, v46;
	v39 =	vld.idx.msk [tilespmem:v55+s20+$0x0], $0xffff;
	v40 =	vand.u32 $0x3E8, v52  }
0x284: {  	v46 =	vld.idx.msk [tilespmem:v60+s20+$0x0], $0xffff;
	v55 =	vand.u32 $0x3E8, v54;
	v40 =	vor.u32 v40, v38;
	[tilespmem:v41+s15+$0x0] =	vst.idx.msk $0xffff, v50  }
0x285: {  	v25 =	vor.u32 v24, v25;
	v56 =	vor.u32 v23, v32;
	v41 =	vor.u32 v55, v45;
	v57 =	vld.idx.msk [tilespmem:v63+s20+$0x0], $0xffff  }
0x286: {  	v25 =	vand.u32 $0x3F8, v25;
	v59 =	vor.u32 v24, v28;
	v58 =	vor.u32 v23, v44  }
0x287: {  	v25 =	vor.u32 v25, v26;
	v28 =	vand.u32 $0x3F8, v59;
	[tilespmem:v36+s15+$0x0] =	vst.idx.msk $0xffff, v35  }
0x288: {  	v61 =	vor.u32 v24, v43;
	v60 =	vor.u32 v24, v31;
	v27 =	vld.idx.msk [tilespmem:v27+s20+$0x0], $0xffff;
	[tilespmem:v37+s15+$0x0] =	vst.idx.msk $0xffff, v39  }
0x289: {  	v28 =	vor.u32 v28, v30;
	v29 =	vand.u32 $0x3F8, v60;
	v26 =	vld.idx.msk [tilespmem:v53+s20+$0x0], $0xffff;
	[tilespmem:v40+s15+$0x0] =	vst.idx.msk $0xffff, v46  }
0x28a: {  	v30 =	vand.u32 $0x3F8, v61;
	v29 =	vor.u32 v29, v38;
	v62 =	vld.idx.msk [tilespmem:v56+s20+$0x0], $0xffff;
	[tilespmem:v41+s15+$0x0] =	vst.idx.msk $0xffff, v57  }
0x28b: {  	v30 =	vor.u32 v30, v45;
	v63 =	vld.idx.msk [tilespmem:v58+s20+$0x0], $0xffff  }
0x28c: {  	[tilespmem:v34+s15+$0x0] =	vst.idx.msk $0xffff, v33  }
.Ltmp14:
0x28d: {  	[tilespmem:v25+s15+$0x0] =	vst.idx.msk $0xffff, v27;
	(pc) =	sbr.rel @p1 .LBB2_26-.Ltmp14, $4  }
0x28e: {  	s12 =	sadd.s32 s19, s8;
	[tilespmem:v28+s15+$0x0] =	vst.idx.msk $0xffff, v26  }
0x28f: {  	s0 =	sshrl.u32 s12, $0x3;
	[tilespmem:v29+s15+$0x0] =	vst.idx.msk $0xffff, v62  }
0x290: {  	s0 =	sadd.s32 s2, s0;
	[tilespmem:v30+s15+$0x0] =	vst.idx.msk $0xffff, v63  }
0x291: {  	[hbm4b:s0+s24] =	stream.strided.scatter [tilespmem:s15], [sflag:$0x9], $0x2000, s25, s24, $0x38;
	[tilespmem:$0x17200] =	vst v63  }
.Ltmp15:
0x292: {  	(pc) =	sbr.rel .LBB2_27-.Ltmp15, $4  }
0x293: {  	s0 =	simm.s32 $0x5  }
0x294: {  	_ =	swait.ge [sflag:s0], $0x2000  }
0x295: {  	[sflag:s0] =	ssyncset.done $0x0  }
0x296: {  	[sflag:s0] =	ssyncadd.s32 $0xFFFFE000  }
.LBB2_26:
0x297: {  	s0 =	smul.u32 $0xA00, s11;
	_ =	sdelay $0x1  }
0x298: {  	s0 =	sshra.s32 s0, $0x2  }
.Ltmp16:
0x299: {  	s12 =	simm.s32 $0x5;
	s0 =	sadd.s32 $0x1D00, s0;
	(pc) =	sbr.rel @p0 .LBB2_28-.Ltmp16, $4  }
0x29a: {  	[tilespmem:s20], [sflag:$0x4] =	stream.indirect.gather [hbm4b:s4+s22], $0x40, s0, s22, $0xb8;
	[tilespmem:$0x17200] =	vst v63  }
0x29b: {  	_ =	swait.ge [sflag:s12], $0x2000  }
0x29c: {  	[sflag:s12] =	ssyncset.done $0x0  }
0x29d: {  	[sflag:s12] =	ssyncadd.s32 $0xFFFFE000  }
.LBB2_27:
0x29e: {  	s0 =	simm.s32 $0xA  }
0x29f: {  	_ =	swait.ge [sflag:s0], $0x2000  }
0x2a0: {  	[sflag:s0] =	ssyncset.done $0x0  }
0x2a1: {  	[sflag:s0] =	ssyncadd.s32 $0xFFFFE000  }
.LBB2_28:
0x2a2: {  	s0 =	simm.s32 $0x0  }
0x2a3: {  	s8 =	sand.u32 $0xF, s0  }
0x2a4: {  	v25 =	vadd.s32 s8, v0  }
0x2a5: {  	s0 =	sand.u32 $0x30, s0;
	v26 =	vand.u32 $0xF, v25  }
0x2a6: {  	v35 =	vor.u32 s0, v26  }
0x2a7: {  	s8 =	simm.s32 $0x0;
	v26 =	vshrl.u32 v25, $0x3;
	v27 =	vor.u32 v6, v35  }
0x2a8: {  	s0 =	sand.u32 $0x6, s8;
	v26 =	vand.u32 $0x1, v26  }
0x2a9: {  	v33 =	vshll.u32 v25, $0x7;
	v25 =	vor.u32 s0, v26  }
0x2aa: {  	v26 =	vand.u32 $0x380, v33;
	v25 =	vshll.u32 v25, $0xA  }
0x2ab: {  	v26 =	vor.u32 v25, v26  }
0x2ac: {  	v26 =	vor.u32 v0, v26;
	v27 =	vld.idx.msk [tilespmem:v27+s21+$0x0], $0xffff  }
0x2ad: {  	v28 =	vor.u32 v10, v35;
	_ =	sdelay $0x1  }
0x2ae: {  	s9 =	simm.s32 $0x1  }
0x2af: {  	s12 =	sand.u32 $0xF, s9;
	v29 =	vor.u32 v11, v33  }
0x2b0: {  	v30 =	vadd.s32 s12, v0;
	v34 =	vor.u32 v12, v25;
	[tilespmem:v26+s5+$0x0] =	vst.idx.msk $0xffff, v27;
	v26 =	vand.u32 $0x398, v29  }
0x2b1: {  	s0 =	sand.u32 $0x30, s9;
	v25 =	vand.u32 $0xF, v30;
	v28 =	vld.idx.msk [tilespmem:v28+s21+$0x0], $0xffff;
	v26 =	vor.u32 v26, v34  }
0x2b2: {  	v27 =	vor.u32 s0, v25;
	v29 =	vor.u32 v13, v35  }
0x2b3: {  	s8 =	simm.s32 $0x0;
	v25 =	vshrl.u32 v30, $0x3;
	v31 =	vor.u32 v6, v27  }
0x2b4: {  	s0 =	sand.u32 $0x6, s8;
	v32 =	vand.u32 $0x1, v25  }
0x2b5: {  	v25 =	vshll.u32 v30, $0x7;
	v30 =	vor.u32 v14, v33;
	v32 =	vor.u32 s0, v32  }
0x2b6: {  	v36 =	vand.u32 $0x380, v25;
	[tilespmem:v26+s5+$0x0] =	vst.idx.msk $0xffff, v28;
	v26 =	vshll.u32 v32, $0xA;
	v28 =	vand.u32 $0x3A8, v30  }
0x2b7: {  	v29 =	vld.idx.msk [tilespmem:v29+s21+$0x0], $0xffff;
	v30 =	vor.u32 v26, v36;
	v28 =	vor.u32 v28, v34  }
0x2b8: {  	v50 =	vor.u32 v15, v35;
	v31 =	vld.idx.msk [tilespmem:v31+s21+$0x0], $0xffff;
	v30 =	vor.u32 v0, v30  }
0x2b9: {  	v51 =	vor.u32 v10, v27;
	_ =	sdelay $0x1  }
0x2ba: {  	v37 =	vor.u32 v16, v33;
	s9 =	simm.s32 $0x2  }
0x2bb: {  	s12 =	sand.u32 $0xF, s9;
	v26 =	vor.u32 v12, v26;
	[tilespmem:v28+s5+$0x0] =	vst.idx.msk $0xffff, v29;
	v28 =	vor.u32 v11, v25;
	v29 =	vand.u32 $0x3B8, v37  }
0x2bc: {  	v38 =	vadd.s32 s12, v0;
	[tilespmem:v30+s5+$0x0] =	vst.idx.msk $0xffff, v31;
	v30 =	vld.idx.msk [tilespmem:v50+s21+$0x0], $0xffff;
	v28 =	vand.u32 $0x398, v28;
	v31 =	vor.u32 v29, v34  }
0x2bd: {  	v54 =	vor.u32 v17, v35;
	s0 =	sand.u32 $0x30, s9;
	v29 =	vand.u32 $0xF, v38;
	v52 =	vld.idx.msk [tilespmem:v51+s21+$0x0], $0xffff;
	v53 =	vor.u32 v28, v26  }
0x2be: {  	v39 =	vor.u32 v13, v27;
	v29 =	vor.u32 s0, v29  }
0x2bf: {  	s8 =	simm.s32 $0x0;
	v28 =	vshll.u32 v38, $0x7;
	v38 =	vshrl.u32 v38, $0x3;
	v40 =	vor.u32 v6, v29  }
0x2c0: {  	v42 =	vor.u32 v18, v33;
	v43 =	vor.u32 v14, v25;
	s0 =	sand.u32 $0x6, s8;
	v38 =	vand.u32 $0x1, v38  }
0x2c1: {  	v56 =	vand.u32 $0x3A8, v43;
	[tilespmem:v31+s5+$0x0] =	vst.idx.msk $0xffff, v30;
	v30 =	vor.u32 s0, v38;
	v31 =	vand.u32 $0x3C8, v42  }
0x2c2: {  	v41 =	vand.u32 $0x380, v28;
	[tilespmem:v53+s5+$0x0] =	vst.idx.msk $0xffff, v52;
	v55 =	vld.idx.msk [tilespmem:v54+s21+$0x0], $0xffff;
	v30 =	vshll.u32 v30, $0xA;
	v31 =	vor.u32 v31, v34  }
0x2c3: {  	v59 =	vor.u32 v19, v35;
	v36 =	vor.u32 v56, v26;
	v57 =	vld.idx.msk [tilespmem:v39+s21+$0x0], $0xffff;
	v58 =	vor.u32 v30, v41  }
0x2c4: {  	v62 =	vor.u32 v20, v33;
	v60 =	vor.u32 v15, v27;
	s9 =	simm.s32 $0x3;
	v40 =	vld.idx.msk [tilespmem:v40+s21+$0x0], $0xffff;
	v38 =	vor.u32 v0, v58  }
0x2c5: {  	v47 =	vor.u32 v22, v33;
	v45 =	vor.u32 v16, v25;
	s12 =	sand.u32 $0xF, s9;
	v61 =	vor.u32 v10, v29  }
0x2c6: {  	v46 =	vor.u32 v21, v35;
	v50 =	vadd.s32 s12, v0;
	v51 =	vand.u32 $0x3B8, v45  }
0x2c7: {  	v44 =	vor.u32 v11, v28;
	v49 =	vor.u32 v14, v28;
	[tilespmem:v31+s5+$0x0] =	vst.idx.msk $0xffff, v55;
	v31 =	vand.u32 $0x3D8, v62  }
0x2c8: {  	v53 =	vor.u32 v51, v26;
	[tilespmem:v36+s5+$0x0] =	vst.idx.msk $0xffff, v57;
	v63 =	vld.idx.msk [tilespmem:v59+s21+$0x0], $0xffff;
	v52 =	vor.u32 v31, v34  }
0x2c9: {  	v37 =	vshrl.u32 v50, $0x3;
	v30 =	vor.u32 v12, v30;
	v31 =	vand.u32 $0x398, v44;
	[tilespmem:v38+s5+$0x0] =	vst.idx.msk $0xffff, v40;
	v54 =	vld.idx.msk [tilespmem:v60+s21+$0x0], $0xffff  }
0x2ca: {  	s0 =	sand.u32 $0x30, s9;
	v55 =	vand.u32 $0xF, v50;
	v57 =	vor.u32 v17, v27;
	v56 =	vor.u32 v31, v30;
	v42 =	vld.idx.msk [tilespmem:v61+s21+$0x0], $0xffff  }
0x2cb: {  	v39 =	vor.u32 v23, v35;
	v58 =	vor.u32 v13, v29;
	v32 =	vor.u32 s0, v55  }
0x2cc: {  	s9 =	simm.s32 $0x0;
	v31 =	vshll.u32 v50, $0x7;
	v59 =	vor.u32 v6, v32;
	v50 =	vor.u32 v18, v25  }
0x2cd: {  	s0 =	sand.u32 $0x6, s9;
	v60 =	vand.u32 $0x1, v37;
	v48 =	vand.u32 $0x380, v31;
	v61 =	vand.u32 $0x3E8, v47;
	[tilespmem:v52+s5+$0x0] =	vst.idx.msk $0xffff, v63  }
0x2ce: {  	v36 =	vor.u32 s0, v60;
	v62 =	vand.u32 $0x3C8, v50;
	v37 =	vor.u32 v61, v34;
	[tilespmem:v53+s5+$0x0] =	vst.idx.msk $0xffff, v54;
	v35 =	vld.idx.msk [tilespmem:v46+s21+$0x0], $0xffff  }
0x2cf: {  	v38 =	vshll.u32 v36, $0xA;
	v55 =	vor.u32 v62, v26;
	v54 =	vand.u32 $0x3A8, v49;
	[tilespmem:v56+s5+$0x0] =	vst.idx.msk $0xffff, v42;
	v63 =	vld.idx.msk [tilespmem:v57+s21+$0x0], $0xffff  }
0x2d0: {  	v56 =	vor.u32 v38, v48;
	v36 =	vor.u32 v54, v30;
	v57 =	vor.u32 v19, v27;
	v44 =	vld.idx.msk [tilespmem:v58+s21+$0x0], $0xffff  }
0x2d1: {  	v45 =	vld.idx.msk [tilespmem:v59+s21+$0x0], $0xffff;
	v59 =	vor.u32 v15, v29;
	v58 =	vor.u32 v0, v56  }
0x2d2: {  	v51 =	vor.u32 v16, v28;
	v40 =	vor.u32 v10, v32;
	s0 =	simm.s32 $0x4  }
0x2d3: {  	v60 =	vor.u32 v20, v25;
	v61 =	vor.u32 v24, v33;
	s12 =	sand.u32 $0xF, s0;
	[tilespmem:v37+s5+$0x0] =	vst.idx.msk $0xffff, v35  }
0x2d4: {  	v41 =	vor.u32 v11, v31;
	v62 =	vand.u32 $0x3F8, v61;
	v43 =	vadd.s32 s12, v0;
	[tilespmem:v55+s5+$0x0] =	vst.idx.msk $0xffff, v63;
	v33 =	vld.idx.msk [tilespmem:v39+s21+$0x0], $0xffff  }
0x2d5: {  	v34 =	vor.u32 v62, v34;
	v42 =	vand.u32 $0x3B8, v51;
	v63 =	vand.u32 $0x3D8, v60;
	[tilespmem:v36+s5+$0x0] =	vst.idx.msk $0xffff, v44;
	v36 =	vld.idx.msk [tilespmem:v57+s21+$0x0], $0xffff  }
0x2d6: {  	s8 =	simm.s32 $0x5;
	v35 =	vor.u32 v21, v27;
	[tilespmem:v58+s5+$0x0] =	vst.idx.msk $0xffff, v45;
	v37 =	vor.u32 v63, v26;
	v39 =	vld.idx.msk [tilespmem:v59+s21+$0x0], $0xffff  }
.LBB2_29:
0x2d7: {  	p0 =	sne.s32 s8, $0x3F;
	v40 =	vld.idx.msk [tilespmem:v40+s21+$0x0], $0xffff;
	v41 =	vand.u32 $0x398, v41;
	v42 =	vor.u32 v42, v30;
	v44 =	vmovc v30;
	v30 =	vor.u32 v12, v38  }
0x2d8: {  	s9 =	sand.u32 $0x30, s0;
	v38 =	vand.u32 $0xF, v43;
	v45 =	vor.u32 v17, v29;
	v41 =	vor.u32 v41, v30  }
0x2d9: {  	v46 =	vshll.u32 v43, $0x7;
	v48 =	vor.u32 v13, v32;
	v47 =	vor.u32 s9, v38  }
0x2da: {  	v49 =	vor.u32 v22, v25;
	v38 =	vshrl.u32 v43, $0x3;
	v43 =	vor.u32 v6, v47;
	[tilespmem:v34+s5+$0x0] =	vst.idx.msk $0xffff, v33  }
0x2db: {  	v50 =	vor.u32 v18, v28;
	s9 =	sshrl.u32 s0, $0x3;
	s0 =	smov.u32 s8;
	v33 =	vand.u32 $0x380, v46;
	v34 =	vor.u32 v14, v31;
	[tilespmem:v37+s5+$0x0] =	vst.idx.msk $0xffff, v36  }
0x2dc: {  	s9 =	sand.u32 $0x6, s9;
	v36 =	vand.u32 $0x1, v38;
	v37 =	vand.u32 $0x3E8, v49;
	[tilespmem:v42+s5+$0x0] =	vst.idx.msk $0xffff, v39;
	v35 =	vld.idx.msk [tilespmem:v35+s21+$0x0], $0xffff;
	v39 =	vor.u32 v23, v27  }
0x2dd: {  	v49 =	vor.u32 s9, v36;
	v37 =	vor.u32 v37, v26;
	[tilespmem:v41+s5+$0x0] =	vst.idx.msk $0xffff, v40;
	v36 =	vld.idx.msk [tilespmem:v45+s21+$0x0], $0xffff;
	v40 =	vand.u32 $0x3C8, v50  }
0x2de: {  	v34 =	vand.u32 $0x3A8, v34;
	v27 =	vmovc v29;
	v29 =	vmovc v32;
	v38 =	vshll.u32 v49, $0xA;
	v42 =	vld.idx.msk [tilespmem:v48+s21+$0x0], $0xffff;
	v45 =	vor.u32 v40, v44  }
0x2df: {  	v34 =	vor.u32 v34, v30;
	v33 =	vor.u32 v38, v33;
	v48 =	vld.idx.msk [tilespmem:v43+s21+$0x0], $0xffff;
	v43 =	vor.u32 v19, v27  }
0x2e0: {  	v32 =	vmov v47;
	v50 =	vor.u32 v15, v29;
	v49 =	vor.u32 v0, v33  }
.Ltmp17:
0x2e1: {  	v51 =	vor.u32 v24, v25;
	v25 =	vmovc v28;
	v47 =	vor.u32 v20, v28;
	v40 =	vor.u32 v10, v32;
	(pc) =	sbr.rel @p0 .LBB2_29-.Ltmp17, $4  }
0x2e2: {  	v52 =	vor.u32 v16, v31;
	v28 =	vmov v31;
	v41 =	vor.u32 v11, v46;
	[tilespmem:v37+s5+$0x0] =	vst.idx.msk $0xffff, v35  }
0x2e3: {  	v31 =	vmov v46;
	v35 =	vor.u32 v21, v27;
	v37 =	vand.u32 $0x3F8, v51;
	[tilespmem:v45+s5+$0x0] =	vst.idx.msk $0xffff, v36;
	v33 =	vld.idx.msk [tilespmem:v39+s21+$0x0], $0xffff  }
0x2e4: {  	s9 =	sand.u32 $0xF, s8;
	v45 =	vand.u32 $0x3D8, v47;
	[tilespmem:v34+s5+$0x0] =	vst.idx.msk $0xffff, v42;
	v36 =	vld.idx.msk [tilespmem:v43+s21+$0x0], $0xffff;
	v34 =	vor.u32 v37, v26;
	v26 =	vmov v44  }
0x2e5: {  	s8 =	sadd.s32 $0x1, s8;
	v43 =	vadd.s32 s9, v0;
	v42 =	vand.u32 $0x3B8, v52;
	[tilespmem:v49+s5+$0x0] =	vst.idx.msk $0xffff, v48;
	v39 =	vld.idx.msk [tilespmem:v50+s21+$0x0], $0xffff;
	v37 =	vor.u32 v45, v26  }
0x2e6: {  	s8 =	sand.u32 $0x30, s0;
	v44 =	vand.u32 $0xF, v43  }
0x2e7: {  	v44 =	vor.u32 s8, v44  }
0x2e8: {  	v45 =	vshrl.u32 v43, $0x3;
	s9 =	sshrl.u32 s0, $0x3;
	v46 =	vor.u32 v6, v44  }
0x2e9: {  	v45 =	vand.u32 $0x1, v45;
	s0 =	sand.u32 $0x6, s9  }
0x2ea: {  	v43 =	vshll.u32 v43, $0x7;
	v45 =	vor.u32 s0, v45  }
0x2eb: {  	v47 =	vand.u32 $0x380, v43;
	v45 =	vshll.u32 v45, $0xA  }
0x2ec: {  	v47 =	vor.u32 v45, v47  }
0x2ed: {  	v47 =	vor.u32 v0, v47;
	v46 =	vld.idx.msk [tilespmem:v46+s21+$0x0], $0xffff  }
0x2ee: {  	v48 =	vor.u32 v10, v44;
	_ =	sdelay $0x2  }
0x2ef: {  	v40 =	vld.idx.msk [tilespmem:v40+s21+$0x0], $0xffff;
	v41 =	vand.u32 $0x398, v41;
	v38 =	vor.u32 v12, v38;
	v49 =	vor.u32 v11, v43  }
0x2f0: {  	v41 =	vor.u32 v41, v38;
	v52 =	vand.u32 $0x398, v49;
	v45 =	vor.u32 v12, v45;
	[tilespmem:v47+s5+$0x0] =	vst.idx.msk $0xffff, v46  }
0x2f1: {  	v53 =	vor.u32 v13, v32;
	v46 =	vor.u32 v52, v45;
	v48 =	vld.idx.msk [tilespmem:v48+s21+$0x0], $0xffff  }
0x2f2: {  	v54 =	vor.u32 v13, v44;
	_ =	sdelay $0x1  }
0x2f3: {  	v50 =	vor.u32 v14, v31  }
0x2f4: {  	v55 =	vand.u32 $0x3A8, v50;
	v56 =	vor.u32 v14, v43;
	[tilespmem:v41+s5+$0x0] =	vst.idx.msk $0xffff, v40  }
0x2f5: {  	v40 =	vor.u32 v55, v38;
	v41 =	vand.u32 $0x3A8, v56;
	v47 =	vld.idx.msk [tilespmem:v53+s21+$0x0], $0xffff;
	[tilespmem:v46+s5+$0x0] =	vst.idx.msk $0xffff, v48  }
0x2f6: {  	v57 =	vor.u32 v15, v32;
	v41 =	vor.u32 v41, v45;
	v48 =	vld.idx.msk [tilespmem:v54+s21+$0x0], $0xffff  }
0x2f7: {  	v58 =	vor.u32 v15, v44;
	_ =	sdelay $0x1  }
0x2f8: {  	v42 =	vor.u32 v42, v30;
	v59 =	vor.u32 v16, v31  }
0x2f9: {  	v51 =	vor.u32 v17, v29;
	v60 =	vand.u32 $0x3B8, v59;
	v61 =	vor.u32 v16, v43;
	[tilespmem:v40+s5+$0x0] =	vst.idx.msk $0xffff, v47  }
0x2fa: {  	v62 =	vand.u32 $0x3B8, v61;
	v40 =	vor.u32 v60, v38;
	v46 =	vld.idx.msk [tilespmem:v57+s21+$0x0], $0xffff;
	[tilespmem:v41+s5+$0x0] =	vst.idx.msk $0xffff, v48  }
0x2fb: {  	v63 =	vor.u32 v17, v32;
	v41 =	vor.u32 v62, v45;
	v48 =	vld.idx.msk [tilespmem:v58+s21+$0x0], $0xffff  }
0x2fc: {  	v55 =	vor.u32 v17, v44  }
0x2fd: {  	v54 =	vor.u32 v18, v28  }
0x2fe: {  	[tilespmem:v42+s5+$0x0] =	vst.idx.msk $0xffff, v39;
	v60 =	vor.u32 v18, v43;
	v57 =	vor.u32 v18, v31;
	v56 =	vand.u32 $0x3C8, v54  }
0x2ff: {  	v42 =	vld.idx.msk [tilespmem:v51+s21+$0x0], $0xffff;
	v61 =	vand.u32 $0x3C8, v60;
	v59 =	vand.u32 $0x3C8, v57;
	v39 =	vor.u32 v56, v30;
	[tilespmem:v40+s5+$0x0] =	vst.idx.msk $0xffff, v46  }
0x300: {  	v40 =	vor.u32 v59, v38;
	v47 =	vld.idx.msk [tilespmem:v63+s21+$0x0], $0xffff;
	v58 =	vor.u32 v19, v29;
	[tilespmem:v41+s5+$0x0] =	vst.idx.msk $0xffff, v48  }
0x301: {  	v62 =	vor.u32 v19, v32;
	v41 =	vor.u32 v61, v45;
	v48 =	vld.idx.msk [tilespmem:v55+s21+$0x0], $0xffff  }
0x302: {  	v52 =	vor.u32 v19, v44  }
0x303: {  	v27 =	vor.u32 v23, v27;
	v54 =	vor.u32 v20, v31;
	v63 =	vor.u32 v20, v28  }
0x304: {  	v57 =	vor.u32 v20, v43;
	v56 =	vand.u32 $0x3D8, v54;
	v53 =	vand.u32 $0x3D8, v63;
	[tilespmem:v39+s5+$0x0] =	vst.idx.msk $0xffff, v42  }
0x305: {  	v39 =	vor.u32 v53, v30;
	[tilespmem:v40+s5+$0x0] =	vst.idx.msk $0xffff, v47;
	v47 =	vor.u32 v56, v38;
	v42 =	vld.idx.msk [tilespmem:v58+s21+$0x0], $0xffff  }
0x306: {  	v46 =	vld.idx.msk [tilespmem:v62+s21+$0x0], $0xffff;
	v58 =	vand.u32 $0x3D8, v57;
	v55 =	vor.u32 v21, v29;
	[tilespmem:v41+s5+$0x0] =	vst.idx.msk $0xffff, v48  }
0x307: {  	[tilespmem:v37+s5+$0x0] =	vst.idx.msk $0xffff, v36;
	v60 =	vor.u32 v21, v32;
	v41 =	vor.u32 v58, v45;
	v50 =	vld.idx.msk [tilespmem:v52+s21+$0x0], $0xffff  }
0x308: {  	v54 =	vor.u32 v22, v43;
	v59 =	vor.u32 v22, v25;
	v63 =	vor.u32 v21, v44  }
0x309: {  	v35 =	vld.idx.msk [tilespmem:v35+s21+$0x0], $0xffff;
	v53 =	vor.u32 v23, v29;
	v61 =	vand.u32 $0x3E8, v59;
	v62 =	vor.u32 v22, v28  }
0x30a: {  	v36 =	vor.u32 v61, v26;
	v37 =	vand.u32 $0x3E8, v62;
	[tilespmem:v39+s5+$0x0] =	vst.idx.msk $0xffff, v42;
	v52 =	vor.u32 v22, v31  }
0x30b: {  	v37 =	vor.u32 v37, v30;
	[tilespmem:v47+s5+$0x0] =	vst.idx.msk $0xffff, v46;
	v39 =	vld.idx.msk [tilespmem:v55+s21+$0x0], $0xffff;
	v40 =	vand.u32 $0x3E8, v52  }
0x30c: {  	v46 =	vld.idx.msk [tilespmem:v60+s21+$0x0], $0xffff;
	v55 =	vand.u32 $0x3E8, v54;
	v40 =	vor.u32 v40, v38;
	[tilespmem:v41+s5+$0x0] =	vst.idx.msk $0xffff, v50  }
0x30d: {  	v25 =	vor.u32 v24, v25;
	v56 =	vor.u32 v23, v32;
	v41 =	vor.u32 v55, v45;
	v57 =	vld.idx.msk [tilespmem:v63+s21+$0x0], $0xffff  }
0x30e: {  	v25 =	vand.u32 $0x3F8, v25;
	v59 =	vor.u32 v24, v28;
	v58 =	vor.u32 v23, v44  }
0x30f: {  	v25 =	vor.u32 v25, v26;
	v28 =	vand.u32 $0x3F8, v59;
	[tilespmem:v36+s5+$0x0] =	vst.idx.msk $0xffff, v35  }
0x310: {  	v61 =	vor.u32 v24, v43;
	v60 =	vor.u32 v24, v31;
	v27 =	vld.idx.msk [tilespmem:v27+s21+$0x0], $0xffff;
	[tilespmem:v37+s5+$0x0] =	vst.idx.msk $0xffff, v39  }
0x311: {  	v28 =	vor.u32 v28, v30;
	v29 =	vand.u32 $0x3F8, v60;
	v26 =	vld.idx.msk [tilespmem:v53+s21+$0x0], $0xffff;
	[tilespmem:v40+s5+$0x0] =	vst.idx.msk $0xffff, v46  }
0x312: {  	v30 =	vand.u32 $0x3F8, v61;
	v29 =	vor.u32 v29, v38;
	v62 =	vld.idx.msk [tilespmem:v56+s21+$0x0], $0xffff;
	[tilespmem:v41+s5+$0x0] =	vst.idx.msk $0xffff, v57  }
0x313: {  	s11 =	sadd.s32 $0x1, s11;
	v30 =	vor.u32 v30, v45;
	v63 =	vld.idx.msk [tilespmem:v58+s21+$0x0], $0xffff  }
0x314: {  	p0 =	sne.s32 s11, $0xA;
	[tilespmem:v34+s5+$0x0] =	vst.idx.msk $0xffff, v33  }
.Ltmp18:
0x315: {  	s12 =	sshll.u32 s7, $0x12;
	[tilespmem:v25+s5+$0x0] =	vst.idx.msk $0xffff, v27;
	(pc) =	sbr.rel @p0 .LBB2_4-.Ltmp18, $4  }
0x316: {  	s0 =	sor.u32 s6, s12;
	[tilespmem:v28+s5+$0x0] =	vst.idx.msk $0xffff, v26  }
0x317: {  	s0 =	sshrl.u32 s0, $0x3;
	[tilespmem:v29+s5+$0x0] =	vst.idx.msk $0xffff, v62  }
0x318: {  	s0 =	sadd.s32 s2, s0;
	[tilespmem:v30+s5+$0x0] =	vst.idx.msk $0xffff, v63  }
0x319: {  	[hbm4b:s0+s24] =	stream.strided.scatter [tilespmem:s5], [sflag:$0xA], $0x2000, s25, s24, $0x38;
	[tilespmem:$0x17200] =	vst v63  }
0x31a: {  	s0 =	simm.s32 $0x6  }
0x31b: {  	_ =	swait.ge [sflag:s0], $0x2000  }
0x31c: {  	[sflag:s0] =	ssyncset.done $0x0  }
0x31d: {  	[sflag:s0] =	ssyncadd.s32 $0xFFFFE000  }
0x31e: {  	_ =	swait.ge [sflag:s30], $0x2000  }
0x31f: {  	[sflag:s30] =	ssyncset.done $0x0  }
0x320: {  	s28 =	simm.s32 $0x8;
	[sflag:s30] =	ssyncadd.s32 $0xFFFFE000  }
0x321: {  	_ =	swait.ge [sflag:s28], $0x2000  }
0x322: {  	[sflag:s28] =	ssyncset.done $0x0  }
0x323: {  	s30 =	simm.s32 $0x9;
	[sflag:s28] =	ssyncadd.s32 $0xFFFFE000  }
0x324: {  	_ =	swait.ge [sflag:s30], $0x2000  }
0x325: {  	[sflag:s30] =	ssyncset.done $0x0  }
0x326: {  	s7 =	simm.s32 $0xA;
	[sflag:s30] =	ssyncadd.s32 $0xFFFFE000  }
0x327: {  	_ =	swait.ge [sflag:s7], $0x2000  }
0x328: {  	s8 =	rddreg [dreg:$0x8]  }
0x329: {  	s31 =	rddreg [dreg:$0x7];
	s8 =	sadd.s32 $0x1, s8  }
0x32a: {  	p0 =	sne.s32 s8, s31  }
.Ltmp19:
0x32b: {  	_ = 	snop;
	(pc) =	sbr.rel @p0 .LBB2_1-.Ltmp19, $3  }
0x32c: {  	_ =	sdelay $0x1  }
0x32d: {  	[sflag:s7] =	ssyncset.done $0x0  }
0x32e: {  	[sflag:s7] =	ssyncadd.s32 $0xFFFFE000  }
0x32f: {  	_ =	sfence.sel $0x180000  }
0x330: {  	[bflag:$0x0] =	sbarrier.arrive $0xFFFF  }
0x331: {  	_ =	strace $0x90000047  }
0x332: {  	s0 =	stileid.u32;
	[bflag:$0x2] =	sbarrier.arrive $0xFFFF  }
0x333: {  	p0 =	sne.s32 s0, $0x0;
	s0 =	rddreg [dreg:$0x2]  }
0x334: {  	s0 =	sadd.s32 @!p0 $0x100000, s0  }
0x335: {  	[sflag:s0] =	ssyncadd.tile.s32 @!p0 $0x1;
	_ =	shalt  }
.Lfunc_end2:
_tile_overlayer_lowered:
.L_overlay_start_2:
0x336: {  	(tag) =	ssettag $0x2  }
0x337: {  	s0 =	rddreg [dreg:$0x0];
	s2 =	stileid.u32  }
0x338: {  	s1 =	rddreg [dreg:$0x1];
	p0 =	sne.s32 s2, $0x0  }
0x339: {  	s3 =	rddreg [dreg:$0x2];
	[bflag:$0x3] =	sbarrier.arrive $0xFFFF;
	s2 =	simm.s32 @!p0 $0x1C0B  }
0x33a: {  	[timem:s3], [sflag:s2] =	dma.local @!p0 [hbm:s0], s1  }
0x33b: {  	s0 =	simm.s32 @!p0 $0xB  }
0x33c: {  	_ =	swait.ge @!p0 [sflag:s0], s1  }
0x33d: {  	s1 =	ssub.s32 @!p0 $0x0, s1;
	[sflag:s0] =	ssyncset.done @!p0 $0x0  }
0x33e: {  	[sflag:s0] =	ssyncadd.s32 @!p0 s1  }
0x33f: {  	[bflag:$0x3] =	sbarrier.arrive $0xFFFF  }
0x340: {  	_ =	shalt  }

</sc_bundles>
